<compile_context>
chip_gen: v7x
topology: tpu7x:2x2x1
jax: 0.10.2.dev20260603
libtpu: 0.0.44.dev20260713+nightly
codegen_flags: <defaults>
</compile_context>

<pallas_src>
import functools

import jax
import jax.numpy as jnp
from jax import lax
from jax.experimental import pallas as pl
from jax.experimental.pallas import tpu as pltpu
from jax.experimental.pallas import tpu_sc as plsc

N = 10000
D = 128
E = 320000

NC = 2
NS = 16
NW = NC * NS
NP = 10240
RPW = NP // NW
TRASH = RPW
ACC_ROWS = RPW + 16

C = 16000
G = 32
ROWCAP = E + C + G + (E // C) * 16 + 32

_mesh = plsc.VectorSubcoreMesh(core_axis_name="c", subcore_axis_name="s")


def _wid():
    return lax.axis_index("s") * NC + lax.axis_index("c")


@functools.partial(
    pl.kernel,
    out_type=(
        jax.ShapeDtypeStruct((NW * ROWCAP,), jnp.int32),
        jax.ShapeDtypeStruct((NW * 16,), jnp.int32),
    ),
    mesh=_mesh,
    scratch_types=[
        pltpu.VMEM((C,), jnp.int32),
        pltpu.VMEM((C,), jnp.int32),
        pltpu.VMEM((C + 16,), jnp.int32),
        pltpu.VMEM((16,), jnp.int32),
    ],
    compiler_params=pltpu.CompilerParams(needs_layout_passes=False),
)
def _partition(src_hbm, dst_hbm, packed_hbm, counts_hbm, srcv, dstv, mbuf, cntv):
    w = _wid()
    lo = w * RPW
    hi = lo + RPW
    wbase = pl.multiple_of(w * ROWCAP, 32)
    trash_vec = jnp.full((16,), TRASH, jnp.int32)

    def filt(i, cnt):
        s = srcv[pl.ds(i * 16, 16)]
        d = dstv[pl.ds(i * 16, 16)]
        m = jnp.logical_and(d >= lo, d < hi)
        packed = lax.shift_left(s, 9) + (d - lo)
        key = jnp.where(m, 0, 1).astype(jnp.int32)
        _, sv = plsc.sort_key_val(key, packed)
        mbuf[pl.ds(cnt, 16)] = sv
        pc = plsc.all_reduce_population_count(m)
        return cnt + pc[0]

    def chunk(ci, total):
        pltpu.sync_copy(src_hbm.at[pl.ds(ci * C, C)], srcv)
        pltpu.sync_copy(dst_hbm.at[pl.ds(ci * C, C)], dstv)
        cnt = lax.fori_loop(0, C // 16, filt, 0)
        mbuf[pl.ds(cnt, 16)] = trash_vec
        cnt16 = ((cnt + 15) // 16) * 16
        off = pl.multiple_of(wbase + total, 16)
        pltpu.sync_copy(mbuf.at[pl.ds(0, C)], packed_hbm.at[pl.ds(off, C)])
        return total + cnt16

    total = lax.fori_loop(0, E // C, chunk, 0)
    for j in range(G // 16):
        mbuf[pl.ds(16 * j, 16)] = trash_vec
    off = pl.multiple_of(wbase + total, 16)
    pltpu.sync_copy(mbuf.at[pl.ds(0, G)], packed_hbm.at[pl.ds(off, G)])
    nb = (total + G - 1) // G
    cntv[pl.ds(0, 16)] = jnp.full((16,), 0, jnp.int32) + nb
    pltpu.sync_copy(cntv, counts_hbm.at[pl.ds(pl.multiple_of(w * 16, 16), 16)])


@functools.partial(
    pl.kernel,
    out_type=jax.ShapeDtypeStruct((NP, D), jnp.float32),
    mesh=_mesh,
    scratch_types=[
        pltpu.VMEM((ACC_ROWS, D), jnp.float32),
        pltpu.VMEM((G + 16,), jnp.int32),
        pltpu.VMEM((G,), jnp.int32),
        pltpu.VMEM((G, D), jnp.float32),
        pltpu.VMEM((16,), jnp.int32),
        pltpu.SemaphoreType.DMA,
    ],
    compiler_params=pltpu.CompilerParams(needs_layout_passes=False),
)
def _maxagg(h_hbm, packed_hbm, counts_hbm, out_hbm, acc, pk, idx, rows, cntv, sem):
    w = _wid()
    lo = pl.multiple_of(w * RPW, 32)
    wbase = pl.multiple_of(w * ROWCAP, 32)
    neg = jnp.full((16,), -3e38, jnp.float32)

    def initrow(r, _):
        for k in range(D // 16):
            acc[r, pl.ds(16 * k, 16)] = neg
        return 0

    lax.fori_loop(0, ACC_ROWS, initrow, 0)

    pltpu.sync_copy(counts_hbm.at[pl.ds(pl.multiple_of(w * 16, 16), 16)], cntv)
    nb = cntv[pl.ds(0, 16)][0]

    def batch(g, _):
        off = pl.multiple_of(wbase + g * G, 32)
        pltpu.sync_copy(packed_hbm.at[pl.ds(off, G)], pk.at[pl.ds(0, G)])
        for j in range(G // 16):
            v = pk[pl.ds(16 * j, 16)]
            idx[pl.ds(16 * j, 16)] = lax.shift_right_logical(v, 9)
        pltpu.async_copy(h_hbm.at[idx], rows, sem).wait()

        def drain(r, _):
            d = lax.bitwise_and(pk[pl.ds(r, 16)], 511)[0]
            for k in range(D // 16):
                sl = pl.ds(16 * k, 16)
                acc[d, sl] = jnp.maximum(acc[d, sl], rows[r, sl])
            return 0

        lax.fori_loop(0, G, drain, 0)
        return 0

    lax.fori_loop(0, nb, batch, 0)

    def fin(r, _):
        for k in range(D // 16):
            sl = pl.ds(16 * k, 16)
            v = acc[r, sl]
            acc[r, sl] = jnp.where(v > -1e37, v, 0.0)
        return 0

    lax.fori_loop(0, RPW, fin, 0)
    pltpu.sync_copy(acc.at[pl.ds(0, RPW)], out_hbm.at[pl.ds(lo, RPW)])


_R = 1024


def _dense_body(agg_ref, h_ref, wlT_ref, bl_ref, wrT_ref, o_ref):
    a = jnp.dot(agg_ref[...], wlT_ref[...], preferred_element_type=jnp.float32)
    b = jnp.dot(h_ref[...], wrT_ref[...], preferred_element_type=jnp.float32)
    o_ref[...] = jnp.maximum(a + b + bl_ref[...], 0.0)


_dense = pl.pallas_call(
    _dense_body,
    grid=(NP // _R,),
    in_specs=[
        pl.BlockSpec((_R, D), lambda i: (i, 0)),
        pl.BlockSpec((_R, D), lambda i: (i, 0)),
        pl.BlockSpec((D, D), lambda i: (0, 0)),
        pl.BlockSpec((1, D), lambda i: (0, 0)),
        pl.BlockSpec((D, D), lambda i: (0, 0)),
    ],
    out_specs=pl.BlockSpec((_R, D), lambda i: (i, 0)),
    out_shape=jax.ShapeDtypeStruct((NP, D), jnp.float32),
)


def _dec_body(h_ref, wT_ref, b_ref, q_ref, o_ref):
    t = jnp.dot(h_ref[...], wT_ref[...], preferred_element_type=jnp.float32)
    t = t + b_ref[...]
    q = q_ref[...]
    qn = q * lax.rsqrt(jnp.maximum(jnp.sum(q * q), 1e-24))
    num = jnp.sum(t * qn, axis=1, keepdims=True)
    den = jnp.sqrt(jnp.sum(t * t, axis=1, keepdims=True))
    o_ref[...] = num / jnp.maximum(den, 1e-12)


_decoder = pl.pallas_call(
    _dec_body,
    grid=(NP // _R,),
    in_specs=[
        pl.BlockSpec((_R, D), lambda i: (i, 0)),
        pl.BlockSpec((D, D), lambda i: (0, 0)),
        pl.BlockSpec((1, D), lambda i: (0, 0)),
        pl.BlockSpec((1, D), lambda i: (0, 0)),
    ],
    out_specs=pl.BlockSpec((_R, 1), lambda i: (i, 0)),
    out_shape=jax.ShapeDtypeStruct((NP, 1), jnp.float32),
)


def kernel(x, edge_index, query, W_l0, b_l0, W_r0, W_l1, b_l1, W_r1,
           W_l2, b_l2, W_r2, W_lin, b_lin):
    src = edge_index[0].astype(jnp.int32)
    dst = edge_index[1].astype(jnp.int32)
    h = jnp.concatenate([x, jnp.zeros((NP - N, D), jnp.float32)], axis=0)

    packed, counts = _partition(src, dst)

    for Wl, bl, Wr in ((W_l0, b_l0, W_r0), (W_l1, b_l1, W_r1), (W_l2, b_l2, W_r2)):
        agg = _maxagg(h, packed, counts)
        h = _dense(agg, h, Wl.T, bl.reshape(1, D), Wr.T)

    scores = _decoder(h, W_lin.T, b_lin.reshape(1, D), query.reshape(1, D))
    return scores[:N, 0]

# --- scband reference (transcript-rebuilt; emitter-appended) ---
"""Pipeline reference for scband-sagereranker-14405320311458 (READ-ONLY COPY).

The authoritative reference and input builder live on the scoring server;
editing this copy changes nothing except your own understanding.
"""

import jax, jax.numpy as jnp
import numpy as np

N = 10000
E = 320000
D = 128
L = 3

def setup_inputs(seed: int = 0) -> dict:
    key = jax.random.key(seed)
    ks = jax.random.split(key, 20)
    inp = {}
    inp['x'] = jax.random.normal(ks[0], (N, D), dtype=jnp.float32)
    inp['edge_index'] = jax.random.randint(ks[1], (2, E), 0, N, dtype=jnp.int64)
    inp['query'] = jax.random.normal(ks[2], (D,), dtype=jnp.float32)
    # SAGEConv params per layer: lin_l (aggregated neighbors, with bias), lin_r (root, no bias)
    scale = 1.0 / np.sqrt(D)
    for i in range(L):
        inp[f'W_l{i}'] = jax.random.normal(ks[3 + 3 * i], (D, D), dtype=jnp.float32) * scale
        inp[f'b_l{i}'] = jnp.zeros((D,), dtype=jnp.float32)
        inp[f'W_r{i}'] = jax.random.normal(ks[4 + 3 * i], (D, D), dtype=jnp.float32) * scale
    inp['W_lin'] = jax.random.normal(ks[15], (D, D), dtype=jnp.float32) * scale
    inp['b_lin'] = jnp.zeros((D,), dtype=jnp.float32)
    return inp

def _sage_conv_max(x, src, dst, W_l, b_l, W_r):
    msgs = jnp.take(x, src, axis=0)
    agg = jax.ops.segment_max(msgs, dst, num_segments=x.shape[0])
    agg = jnp.where(jnp.isfinite(agg), agg, 0.0)
    return agg @ W_l.T + b_l + x @ W_r.T

def reference(x, edge_index, query, W_l0, b_l0, W_r0, W_l1, b_l1, W_r1, W_l2, b_l2, W_r2, W_lin, b_lin):
    src = edge_index[0]
    dst = edge_index[1]
    h = x
    params = [(W_l0, b_l0, W_r0), (W_l1, b_l1, W_r1), (W_l2, b_l2, W_r2)]
    for (Wl, bl, Wr) in params:
        h = _sage_conv_max(h, src, dst, Wl, bl, Wr)
        h = jax.nn.relu(h)
    h = h @ W_lin.T + b_lin
    # RerankingDecoder cosine scoring
    hn = h / jnp.maximum(jnp.linalg.norm(h, axis=1, keepdims=True), 1e-12)
    qn = query / jnp.maximum(jnp.linalg.norm(query), 1e-12)
    scores = hn @ qn
    return scores

if __name__ == "__main__":
    import jax
    _d = setup_inputs()
    print(jax.jit(kernel)(*tuple(_d.values())))

</pallas_src>

<mosaic_0001>
#map = affine_map<(d0, d1) -> (0, 0)>
#map1 = affine_map<(d0, d1) -> (0)>
module attributes {stable_mosaic.version = 14 : i64} {
  func.func @_maxagg(%arg0: i32, %arg1: i32, %arg2: memref<10240x128xf32, #tpu.memory_space<hbm>>, %arg3: memref<10764288xi32, #tpu.memory_space<hbm>>, %arg4: memref<512xi32, #tpu.memory_space<hbm>>, %arg5: memref<10240x128xf32, #tpu.memory_space<hbm>>, %arg6: memref<336x128xf32, #tpu.memory_space<vmem>>, %arg7: memref<48xi32, #tpu.memory_space<vmem>>, %arg8: memref<32xi32, #tpu.memory_space<vmem>>, %arg9: memref<32x128xf32, #tpu.memory_space<vmem>>, %arg10: memref<16xi32, #tpu.memory_space<vmem>>, %arg11: memref<!tpu.dma_semaphore, #tpu.memory_space<semaphore_mem>>) attributes {dimension_semantics = [#tpu.dimension_semantics<core_parallel>, #tpu.dimension_semantics<subcore_parallel>], iteration_bounds = array<i64: 2, 16>, scalar_prefetch = 0 : i64, scratch_operands = 6 : i64, tpu.core_type = #tpu.core_type<sc_vector_subcore>, window_params = [{transform_indices = #map}, {transform_indices = #map1}, {transform_indices = #map1}, {transform_indices = #map}]} {
    %mul3A = arith.constant 2 : i32
    %mul3A_0 = arith.muli %arg1, %mul3A : i32
    %add3A = arith.addi %mul3A_0, %arg0 : i32
    %mul3A_1 = arith.constant 320 : i32
    %mul3A_2 = arith.muli %add3A, %mul3A_1 : i32
    %multiple_of3A = tpu.assume_multiple %mul3A_2, 32 : i32
    %mul3A_3 = arith.constant 336384 : i32
    %mul3A_4 = arith.muli %add3A, %mul3A_3 : i32
    %multiple_of3A_5 = tpu.assume_multiple %mul3A_4, 32 : i32
    %broadcast_in_dim3A = arith.constant -3.000000e+38 : f32
    %broadcast_in_dim3A_6 = vector.broadcast %broadcast_in_dim3A : f32 to vector<16xf32>
    %scan3A = arith.constant 0 : i32
    %scan3A_7 = arith.constant 0 : i32
    %scan3A_8 = arith.constant 336 : i32
    %scan3A_9 = arith.addi %scan3A_7, %scan3A_8 : i32
    %scan3A_10 = arith.constant 1 : i32
    %scan3A_11 = scf.for %scan3A_35 = %scan3A_7 to %scan3A_9 step %scan3A_10 iter_args(%scan3A_36 = %scan3A) -> (i32)  : i32 {
      %swap3A = arith.index_cast %scan3A_35 : i32 to index
      %swap3A_37 = arith.constant 0 : index
      %swap3A_38 = tpu.vector_load %arg6[%swap3A, %swap3A_37] {strides = array<i32>} : memref<336x128xf32, #tpu.memory_space<vmem>>, vector<16xf32>,
      tpu.vector_store %arg6[%swap3A, %swap3A_37], %broadcast_in_dim3A_6 {strides = array<i32>} : memref<336x128xf32, #tpu.memory_space<vmem>>, vector<16xf32>,
      %swap3A_39 = arith.index_cast %scan3A_35 : i32 to index
      %swap3A_40 = arith.constant 16 : index
      %swap3A_41 = tpu.vector_load %arg6[%swap3A_39, %swap3A_40] {strides = array<i32>} : memref<336x128xf32, #tpu.memory_space<vmem>>, vector<16xf32>,
      tpu.vector_store %arg6[%swap3A_39, %swap3A_40], %broadcast_in_dim3A_6 {strides = array<i32>} : memref<336x128xf32, #tpu.memory_space<vmem>>, vector<16xf32>,
      %swap3A_42 = arith.index_cast %scan3A_35 : i32 to index
      %swap3A_43 = arith.constant 32 : index
      %swap3A_44 = tpu.vector_load %arg6[%swap3A_42, %swap3A_43] {strides = array<i32>} : memref<336x128xf32, #tpu.memory_space<vmem>>, vector<16xf32>,
      tpu.vector_store %arg6[%swap3A_42, %swap3A_43], %broadcast_in_dim3A_6 {strides = array<i32>} : memref<336x128xf32, #tpu.memory_space<vmem>>, vector<16xf32>,
      %swap3A_45 = arith.index_cast %scan3A_35 : i32 to index
      %swap3A_46 = arith.constant 48 : index
      %swap3A_47 = tpu.vector_load %arg6[%swap3A_45, %swap3A_46] {strides = array<i32>} : memref<336x128xf32, #tpu.memory_space<vmem>>, vector<16xf32>,
      tpu.vector_store %arg6[%swap3A_45, %swap3A_46], %broadcast_in_dim3A_6 {strides = array<i32>} : memref<336x128xf32, #tpu.memory_space<vmem>>, vector<16xf32>,
      %swap3A_48 = arith.index_cast %scan3A_35 : i32 to index
      %swap3A_49 = arith.constant 64 : index
      %swap3A_50 = tpu.vector_load %arg6[%swap3A_48, %swap3A_49] {strides = array<i32>} : memref<336x128xf32, #tpu.memory_space<vmem>>, vector<16xf32>,
      tpu.vector_store %arg6[%swap3A_48, %swap3A_49], %broadcast_in_dim3A_6 {strides = array<i32>} : memref<336x128xf32, #tpu.memory_space<vmem>>, vector<16xf32>,
      %swap3A_51 = arith.index_cast %scan3A_35 : i32 to index
      %swap3A_52 = arith.constant 80 : index
      %swap3A_53 = tpu.vector_load %arg6[%swap3A_51, %swap3A_52] {strides = array<i32>} : memref<336x128xf32, #tpu.memory_space<vmem>>, vector<16xf32>,
      tpu.vector_store %arg6[%swap3A_51, %swap3A_52], %broadcast_in_dim3A_6 {strides = array<i32>} : memref<336x128xf32, #tpu.memory_space<vmem>>, vector<16xf32>,
      %swap3A_54 = arith.index_cast %scan3A_35 : i32 to index
      %swap3A_55 = arith.constant 96 : index
      %swap3A_56 = tpu.vector_load %arg6[%swap3A_54, %swap3A_55] {strides = array<i32>} : memref<336x128xf32, #tpu.memory_space<vmem>>, vector<16xf32>,
      tpu.vector_store %arg6[%swap3A_54, %swap3A_55], %broadcast_in_dim3A_6 {strides = array<i32>} : memref<336x128xf32, #tpu.memory_space<vmem>>, vector<16xf32>,
      %swap3A_57 = arith.index_cast %scan3A_35 : i32 to index
      %swap3A_58 = arith.constant 112 : index
      %swap3A_59 = tpu.vector_load %arg6[%swap3A_57, %swap3A_58] {strides = array<i32>} : memref<336x128xf32, #tpu.memory_space<vmem>>, vector<16xf32>,
      tpu.vector_store %arg6[%swap3A_57, %swap3A_58], %broadcast_in_dim3A_6 {strides = array<i32>} : memref<336x128xf32, #tpu.memory_space<vmem>>, vector<16xf32>,
      %scan3A_60 = arith.constant 0 : i32
      scf.yield %scan3A_60 : i32
    }
    %scan3A_12 = arith.constant 336 : i32
    %mul3A_13 = arith.constant 16 : i32
    %mul3A_14 = arith.muli %add3A, %mul3A_13 : i32
    %multiple_of3A_15 = tpu.assume_multiple %mul3A_14, 16 : i32
    "tpu.region"() ({
      %run_scoped3A = tpu.sem_alloc : memref<!tpu.dma_semaphore, #tpu.memory_space<semaphore_mem>>
      %dma_start3A = tpu.memref_slice %arg4[%multiple_of3A_15] : memref<512xi32, #tpu.memory_space<hbm>> -> memref<16xi32, #tpu.memory_space<hbm>>
      %dma_start3A_35 = tpu.memref_slice %arg4[%multiple_of3A_15] : memref<512xi32, #tpu.memory_space<hbm>> -> memref<16xi32, #tpu.memory_space<hbm>>
      tpu.enqueue_dma source(%dma_start3A_35 : memref<16xi32, #tpu.memory_space<hbm>>) target(%arg10 : memref<16xi32, #tpu.memory_space<vmem>>) target_semaphore(%run_scoped3A : memref<!tpu.dma_semaphore, #tpu.memory_space<semaphore_mem>>)
      %dma_wait3A = tpu.memref_slice %arg4[%multiple_of3A_15] : memref<512xi32, #tpu.memory_space<hbm>> -> memref<16xi32, #tpu.memory_space<hbm>>
      %dma_wait3A_36 = tpu.memref_slice %arg4[%multiple_of3A_15] : memref<512xi32, #tpu.memory_space<hbm>> -> memref<16xi32, #tpu.memory_space<hbm>>
      tpu.wait_dma2 semaphore(%run_scoped3A : memref<!tpu.dma_semaphore, #tpu.memory_space<semaphore_mem>>) src(%dma_wait3A_36 : memref<16xi32, #tpu.memory_space<hbm>>) dst(%arg10 : memref<16xi32, #tpu.memory_space<vmem>>)
      tpu.yield
    }) : () -> ()
    %get3A = arith.constant 0 : index
    %get3A_16 = tpu.vector_load %arg10[%get3A] {strides = array<i32>} : memref<16xi32, #tpu.memory_space<vmem>>, vector<16xi32>,
    %slice3A = vector.extract_strided_slice %get3A_16 {offsets = [0], sizes = [1], strides = [1]} : vector<16xi32> to vector<1xi32>
    %squeeze3A = vector.extract %slice3A[0] : i32 from vector<1xi32>
    %while3A = arith.constant 0 : i32
    %while3A_17 = arith.constant 0 : i32
    %while3A_18 = arith.subi %squeeze3A, %while3A : i32
    %while3A_19 = arith.addi %while3A, %while3A_18 : i32
    %while3A_20 = arith.constant 1 : i32
    %while3A_21 = arith.divsi %while3A_18, %while3A_20 : i32
    %while3A_22 = arith.muli %while3A_21, %while3A_20 : i32
    %while3A_23 = arith.addi %while3A, %while3A_22 : i32
    %while3A_24 = arith.constant 1 : i32
    %while3A_25 = scf.for %while3A_35 = %while3A to %while3A_23 step %while3A_24 iter_args(%while3A_36 = %while3A_17) -> (i32)  : i32 {
      %mul3A_37 = arith.constant 32 : i32
      %mul3A_38 = arith.muli %while3A_35, %mul3A_37 : i32
      %add3A_39 = arith.addi %multiple_of3A_5, %mul3A_38 : i32
      %multiple_of3A_40 = tpu.assume_multiple %add3A_39, 32 : i32
      "tpu.region"() ({
        %run_scoped3A = tpu.sem_alloc : memref<!tpu.dma_semaphore, #tpu.memory_space<semaphore_mem>>
        %dma_start3A_65 = arith.constant 0 : i32
        %dma_start3A_66 = tpu.memref_slice %arg7[%dma_start3A_65] : memref<48xi32, #tpu.memory_space<vmem>> -> memref<32xi32, #tpu.memory_space<vmem>>
        %dma_start3A_67 = tpu.memref_slice %arg3[%multiple_of3A_40] : memref<10764288xi32, #tpu.memory_space<hbm>> -> memref<32xi32, #tpu.memory_space<hbm>>
        %dma_start3A_68 = arith.constant 0 : i32
        %dma_start3A_69 = tpu.memref_slice %arg7[%dma_start3A_68] : memref<48xi32, #tpu.memory_space<vmem>> -> memref<32xi32, #tpu.memory_space<vmem>>
        %dma_start3A_70 = tpu.memref_slice %arg3[%multiple_of3A_40] : memref<10764288xi32, #tpu.memory_space<hbm>> -> memref<32xi32, #tpu.memory_space<hbm>>
        tpu.enqueue_dma source(%dma_start3A_70 : memref<32xi32, #tpu.memory_space<hbm>>) target(%dma_start3A_69 : memref<32xi32, #tpu.memory_space<vmem>>) target_semaphore(%run_scoped3A : memref<!tpu.dma_semaphore, #tpu.memory_space<semaphore_mem>>)
        %dma_wait3A_71 = arith.constant 0 : i32
        %dma_wait3A_72 = tpu.memref_slice %arg7[%dma_wait3A_71] : memref<48xi32, #tpu.memory_space<vmem>> -> memref<32xi32, #tpu.memory_space<vmem>>
        %dma_wait3A_73 = tpu.memref_slice %arg3[%multiple_of3A_40] : memref<10764288xi32, #tpu.memory_space<hbm>> -> memref<32xi32, #tpu.memory_space<hbm>>
        %dma_wait3A_74 = arith.constant 0 : i32
        %dma_wait3A_75 = tpu.memref_slice %arg7[%dma_wait3A_74] : memref<48xi32, #tpu.memory_space<vmem>> -> memref<32xi32, #tpu.memory_space<vmem>>
        %dma_wait3A_76 = tpu.memref_slice %arg3[%multiple_of3A_40] : memref<10764288xi32, #tpu.memory_space<hbm>> -> memref<32xi32, #tpu.memory_space<hbm>>
        tpu.wait_dma2 semaphore(%run_scoped3A : memref<!tpu.dma_semaphore, #tpu.memory_space<semaphore_mem>>) src(%dma_wait3A_76 : memref<32xi32, #tpu.memory_space<hbm>>) dst(%dma_wait3A_75 : memref<32xi32, #tpu.memory_space<vmem>>)
        tpu.yield
      }) : () -> ()
      %get3A_41 = arith.constant 0 : index
      %get3A_42 = tpu.vector_load %arg7[%get3A_41] {strides = array<i32>} : memref<48xi32, #tpu.memory_space<vmem>>, vector<16xi32>,
      %shift_right_logical3A = arith.constant 9 : i32
      %shift_right_logical3A_43 = vector.broadcast %shift_right_logical3A : i32 to vector<16xi32>
      %shift_right_logical3A_44 = arith.shrui %get3A_42, %shift_right_logical3A_43 : vector<16xi32>
      %swap3A = arith.constant 0 : index
      %swap3A_45 = tpu.vector_load %arg8[%swap3A] {strides = array<i32>} : memref<32xi32, #tpu.memory_space<vmem>>, vector<16xi32>,
      tpu.vector_store %arg8[%swap3A], %shift_right_logical3A_44 {strides = array<i32>} : memref<32xi32, #tpu.memory_space<vmem>>, vector<16xi32>,
      %get3A_46 = arith.constant 16 : index
      %get3A_47 = tpu.vector_load %arg7[%get3A_46] {strides = array<i32>} : memref<48xi32, #tpu.memory_space<vmem>>, vector<16xi32>,
      %shift_right_logical3A_48 = arith.constant 9 : i32
      %shift_right_logical3A_49 = vector.broadcast %shift_right_logical3A_48 : i32 to vector<16xi32>
      %shift_right_logical3A_50 = arith.shrui %get3A_47, %shift_right_logical3A_49 : vector<16xi32>
      %swap3A_51 = arith.constant 16 : index
      %swap3A_52 = tpu.vector_load %arg8[%swap3A_51] {strides = array<i32>} : memref<32xi32, #tpu.memory_space<vmem>>, vector<16xi32>,
      tpu.vector_store %arg8[%swap3A_51], %shift_right_logical3A_50 {strides = array<i32>} : memref<32xi32, #tpu.memory_space<vmem>>, vector<16xi32>,
      %dma_start3A = arith.constant 0 : i32
      %dma_start3A_53 = arith.constant 0 : i32
      %dma_start3A_54 = tpu.memref_slice %arg2[%dma_start3A, %dma_start3A_53] : memref<10240x128xf32, #tpu.memory_space<hbm>> -> memref<10240x128xf32, #tpu.memory_space<hbm>>
      tpu.enqueue_indirect_dma source(%dma_start3A_54 : memref<10240x128xf32, #tpu.memory_space<hbm>>) target(%arg9 : memref<32x128xf32, #tpu.memory_space<vmem>>) offsets(%arg8 : memref<32xi32, #tpu.memory_space<vmem>>) semaphore(%arg11 : memref<!tpu.dma_semaphore, #tpu.memory_space<semaphore_mem>>)
      %dma_wait3A = arith.constant 0 : i32
      %dma_wait3A_55 = arith.constant 0 : i32
      %dma_wait3A_56 = tpu.memref_slice %arg2[%dma_wait3A, %dma_wait3A_55] : memref<10240x128xf32, #tpu.memory_space<hbm>> -> memref<10240x128xf32, #tpu.memory_space<hbm>>
      tpu.wait_indirect_dma semaphore(%arg11 : memref<!tpu.dma_semaphore, #tpu.memory_space<semaphore_mem>>) src(%dma_wait3A_56 : memref<10240x128xf32, #tpu.memory_space<hbm>>) dst(%arg9 : memref<32x128xf32, #tpu.memory_space<vmem>>)
      %scan3A_57 = arith.constant 0 : i32
      %scan3A_58 = arith.constant 0 : i32
      %scan3A_59 = arith.constant 32 : i32
      %scan3A_60 = arith.addi %scan3A_58, %scan3A_59 : i32
      %scan3A_61 = arith.constant 1 : i32
      %scan3A_62 = scf.for %scan3A_65 = %scan3A_58 to %scan3A_60 step %scan3A_61 iter_args(%scan3A_66 = %scan3A_57) -> (i32)  : i32 {
        %get3A_67 = arith.index_cast %scan3A_65 : i32 to index
        %get3A_68 = tpu.vector_load %arg7[%get3A_67] {strides = array<i32>} : memref<48xi32, #tpu.memory_space<vmem>>, vector<16xi32>,
        %and3A = arith.constant 511 : i32
        %and3A_69 = vector.broadcast %and3A : i32 to vector<16xi32>
        %and3A_70 = arith.andi %get3A_68, %and3A_69 : vector<16xi32>
        %slice3A_71 = vector.extract_strided_slice %and3A_70 {offsets = [0], sizes = [1], strides = [1]} : vector<16xi32> to vector<1xi32>
        %squeeze3A_72 = vector.extract %slice3A_71[0] : i32 from vector<1xi32>
        %get3A_73 = arith.index_cast %squeeze3A_72 : i32 to index
        %get3A_74 = arith.constant 0 : index
        %get3A_75 = tpu.vector_load %arg6[%get3A_73, %get3A_74] {strides = array<i32>} : memref<336x128xf32, #tpu.memory_space<vmem>>, vector<16xf32>,
        %get3A_76 = arith.index_cast %scan3A_65 : i32 to index
        %get3A_77 = arith.constant 0 : index
        %get3A_78 = tpu.vector_load %arg9[%get3A_76, %get3A_77] {strides = array<i32>} : memref<32x128xf32, #tpu.memory_space<vmem>>, vector<16xf32>,
        %max3A = arith.maximumf %get3A_75, %get3A_78 : vector<16xf32>
        %swap3A_79 = arith.index_cast %squeeze3A_72 : i32 to index
        %swap3A_80 = arith.constant 0 : index
        %swap3A_81 = tpu.vector_load %arg6[%swap3A_79, %swap3A_80] {strides = array<i32>} : memref<336x128xf32, #tpu.memory_space<vmem>>, vector<16xf32>,
        tpu.vector_store %arg6[%swap3A_79, %swap3A_80], %max3A {strides = array<i32>} : memref<336x128xf32, #tpu.memory_space<vmem>>, vector<16xf32>,
        %get3A_82 = arith.index_cast %squeeze3A_72 : i32 to index
        %get3A_83 = arith.constant 16 : index
        %get3A_84 = tpu.vector_load %arg6[%get3A_82, %get3A_83] {strides = array<i32>} : memref<336x128xf32, #tpu.memory_space<vmem>>, vector<16xf32>,
        %get3A_85 = arith.index_cast %scan3A_65 : i32 to index
        %get3A_86 = arith.constant 16 : index
        %get3A_87 = tpu.vector_load %arg9[%get3A_85, %get3A_86] {strides = array<i32>} : memref<32x128xf32, #tpu.memory_space<vmem>>, vector<16xf32>,
        %max3A_88 = arith.maximumf %get3A_84, %get3A_87 : vector<16xf32>
        %swap3A_89 = arith.index_cast %squeeze3A_72 : i32 to index
        %swap3A_90 = arith.constant 16 : index
        %swap3A_91 = tpu.vector_load %arg6[%swap3A_89, %swap3A_90] {strides = array<i32>} : memref<336x128xf32, #tpu.memory_space<vmem>>, vector<16xf32>,
        tpu.vector_store %arg6[%swap3A_89, %swap3A_90], %max3A_88 {strides = array<i32>} : memref<336x128xf32, #tpu.memory_space<vmem>>, vector<16xf32>,
        %get3A_92 = arith.index_cast %squeeze3A_72 : i32 to index
        %get3A_93 = arith.constant 32 : index
        %get3A_94 = tpu.vector_load %arg6[%get3A_92, %get3A_93] {strides = array<i32>} : memref<336x128xf32, #tpu.memory_space<vmem>>, vector<16xf32>,
        %get3A_95 = arith.index_cast %scan3A_65 : i32 to index
        %get3A_96 = arith.constant 32 : index
        %get3A_97 = tpu.vector_load %arg9[%get3A_95, %get3A_96] {strides = array<i32>} : memref<32x128xf32, #tpu.memory_space<vmem>>, vector<16xf32>,
        %max3A_98 = arith.maximumf %get3A_94, %get3A_97 : vector<16xf32>
        %swap3A_99 = arith.index_cast %squeeze3A_72 : i32 to index
        %swap3A_100 = arith.constant 32 : index
        %swap3A_101 = tpu.vector_load %arg6[%swap3A_99, %swap3A_100] {strides = array<i32>} : memref<336x128xf32, #tpu.memory_space<vmem>>, vector<16xf32>,
        tpu.vector_store %arg6[%swap3A_99, %swap3A_100], %max3A_98 {strides = array<i32>} : memref<336x128xf32, #tpu.memory_space<vmem>>, vector<16xf32>,
        %get3A_102 = arith.index_cast %squeeze3A_72 : i32 to index
        %get3A_103 = arith.constant 48 : index
        %get3A_104 = tpu.vector_load %arg6[%get3A_102, %get3A_103] {strides = array<i32>} : memref<336x128xf32, #tpu.memory_space<vmem>>, vector<16xf32>,
        %get3A_105 = arith.index_cast %scan3A_65 : i32 to index
        %get3A_106 = arith.constant 48 : index
        %get3A_107 = tpu.vector_load %arg9[%get3A_105, %get3A_106] {strides = array<i32>} : memref<32x128xf32, #tpu.memory_space<vmem>>, vector<16xf32>,
        %max3A_108 = arith.maximumf %get3A_104, %get3A_107 : vector<16xf32>
        %swap3A_109 = arith.index_cast %squeeze3A_72 : i32 to index
        %swap3A_110 = arith.constant 48 : index
        %swap3A_111 = tpu.vector_load %arg6[%swap3A_109, %swap3A_110] {strides = array<i32>} : memref<336x128xf32, #tpu.memory_space<vmem>>, vector<16xf32>,
        tpu.vector_store %arg6[%swap3A_109, %swap3A_110], %max3A_108 {strides = array<i32>} : memref<336x128xf32, #tpu.memory_space<vmem>>, vector<16xf32>,
        %get3A_112 = arith.index_cast %squeeze3A_72 : i32 to index
        %get3A_113 = arith.constant 64 : index
        %get3A_114 = tpu.vector_load %arg6[%get3A_112, %get3A_113] {strides = array<i32>} : memref<336x128xf32, #tpu.memory_space<vmem>>, vector<16xf32>,
        %get3A_115 = arith.index_cast %scan3A_65 : i32 to index
        %get3A_116 = arith.constant 64 : index
        %get3A_117 = tpu.vector_load %arg9[%get3A_115, %get3A_116] {strides = array<i32>} : memref<32x128xf32, #tpu.memory_space<vmem>>, vector<16xf32>,
        %max3A_118 = arith.maximumf %get3A_114, %get3A_117 : vector<16xf32>
        %swap3A_119 = arith.index_cast %squeeze3A_72 : i32 to index
        %swap3A_120 = arith.constant 64 : index
        %swap3A_121 = tpu.vector_load %arg6[%swap3A_119, %swap3A_120] {strides = array<i32>} : memref<336x128xf32, #tpu.memory_space<vmem>>, vector<16xf32>,
        tpu.vector_store %arg6[%swap3A_119, %swap3A_120], %max3A_118 {strides = array<i32>} : memref<336x128xf32, #tpu.memory_space<vmem>>, vector<16xf32>,
        %get3A_122 = arith.index_cast %squeeze3A_72 : i32 to index
        %get3A_123 = arith.constant 80 : index
        %get3A_124 = tpu.vector_load %arg6[%get3A_122, %get3A_123] {strides = array<i32>} : memref<336x128xf32, #tpu.memory_space<vmem>>, vector<16xf32>,
        %get3A_125 = arith.index_cast %scan3A_65 : i32 to index
        %get3A_126 = arith.constant 80 : index
        %get3A_127 = tpu.vector_load %arg9[%get3A_125, %get3A_126] {strides = array<i32>} : memref<32x128xf32, #tpu.memory_space<vmem>>, vector<16xf32>,
        %max3A_128 = arith.maximumf %get3A_124, %get3A_127 : vector<16xf32>
        %swap3A_129 = arith.index_cast %squeeze3A_72 : i32 to index
        %swap3A_130 = arith.constant 80 : index
        %swap3A_131 = tpu.vector_load %arg6[%swap3A_129, %swap3A_130] {strides = array<i32>} : memref<336x128xf32, #tpu.memory_space<vmem>>, vector<16xf32>,
        tpu.vector_store %arg6[%swap3A_129, %swap3A_130], %max3A_128 {strides = array<i32>} : memref<336x128xf32, #tpu.memory_space<vmem>>, vector<16xf32>,
        %get3A_132 = arith.index_cast %squeeze3A_72 : i32 to index
        %get3A_133 = arith.constant 96 : index
        %get3A_134 = tpu.vector_load %arg6[%get3A_132, %get3A_133] {strides = array<i32>} : memref<336x128xf32, #tpu.memory_space<vmem>>, vector<16xf32>,
        %get3A_135 = arith.index_cast %scan3A_65 : i32 to index
        %get3A_136 = arith.constant 96 : index
        %get3A_137 = tpu.vector_load %arg9[%get3A_135, %get3A_136] {strides = array<i32>} : memref<32x128xf32, #tpu.memory_space<vmem>>, vector<16xf32>,
        %max3A_138 = arith.maximumf %get3A_134, %get3A_137 : vector<16xf32>
        %swap3A_139 = arith.index_cast %squeeze3A_72 : i32 to index
        %swap3A_140 = arith.constant 96 : index
        %swap3A_141 = tpu.vector_load %arg6[%swap3A_139, %swap3A_140] {strides = array<i32>} : memref<336x128xf32, #tpu.memory_space<vmem>>, vector<16xf32>,
        tpu.vector_store %arg6[%swap3A_139, %swap3A_140], %max3A_138 {strides = array<i32>} : memref<336x128xf32, #tpu.memory_space<vmem>>, vector<16xf32>,
        %get3A_142 = arith.index_cast %squeeze3A_72 : i32 to index
        %get3A_143 = arith.constant 112 : index
        %get3A_144 = tpu.vector_load %arg6[%get3A_142, %get3A_143] {strides = array<i32>} : memref<336x128xf32, #tpu.memory_space<vmem>>, vector<16xf32>,
        %get3A_145 = arith.index_cast %scan3A_65 : i32 to index
        %get3A_146 = arith.constant 112 : index
        %get3A_147 = tpu.vector_load %arg9[%get3A_145, %get3A_146] {strides = array<i32>} : memref<32x128xf32, #tpu.memory_space<vmem>>, vector<16xf32>,
        %max3A_148 = arith.maximumf %get3A_144, %get3A_147 : vector<16xf32>
        %swap3A_149 = arith.index_cast %squeeze3A_72 : i32 to index
        %swap3A_150 = arith.constant 112 : index
        %swap3A_151 = tpu.vector_load %arg6[%swap3A_149, %swap3A_150] {strides = array<i32>} : memref<336x128xf32, #tpu.memory_space<vmem>>, vector<16xf32>,
        tpu.vector_store %arg6[%swap3A_149, %swap3A_150], %max3A_148 {strides = array<i32>} : memref<336x128xf32, #tpu.memory_space<vmem>>, vector<16xf32>,
        %scan3A_152 = arith.constant 0 : i32
        scf.yield %scan3A_152 : i32
      }
      %scan3A_63 = arith.constant 32 : i32
      %while3A_64 = arith.constant 0 : i32
      scf.yield %while3A_64 : i32
    }
    %while3A_26 = arith.constant 1 : i32
    %while3A_27 = scf.for %while3A_35 = %while3A_23 to %while3A_19 step %while3A_26 iter_args(%while3A_36 = %while3A_25) -> (i32)  : i32 {
      %mul3A_37 = arith.constant 32 : i32
      %mul3A_38 = arith.muli %while3A_35, %mul3A_37 : i32
      %add3A_39 = arith.addi %multiple_of3A_5, %mul3A_38 : i32
      %multiple_of3A_40 = tpu.assume_multiple %add3A_39, 32 : i32
      "tpu.region"() ({
        %run_scoped3A = tpu.sem_alloc : memref<!tpu.dma_semaphore, #tpu.memory_space<semaphore_mem>>
        %dma_start3A_65 = arith.constant 0 : i32
        %dma_start3A_66 = tpu.memref_slice %arg7[%dma_start3A_65] : memref<48xi32, #tpu.memory_space<vmem>> -> memref<32xi32, #tpu.memory_space<vmem>>
        %dma_start3A_67 = tpu.memref_slice %arg3[%multiple_of3A_40] : memref<10764288xi32, #tpu.memory_space<hbm>> -> memref<32xi32, #tpu.memory_space<hbm>>
        %dma_start3A_68 = arith.constant 0 : i32
        %dma_start3A_69 = tpu.memref_slice %arg7[%dma_start3A_68] : memref<48xi32, #tpu.memory_space<vmem>> -> memref<32xi32, #tpu.memory_space<vmem>>
        %dma_start3A_70 = tpu.memref_slice %arg3[%multiple_of3A_40] : memref<10764288xi32, #tpu.memory_space<hbm>> -> memref<32xi32, #tpu.memory_space<hbm>>
        tpu.enqueue_dma source(%dma_start3A_70 : memref<32xi32, #tpu.memory_space<hbm>>) target(%dma_start3A_69 : memref<32xi32, #tpu.memory_space<vmem>>) target_semaphore(%run_scoped3A : memref<!tpu.dma_semaphore, #tpu.memory_space<semaphore_mem>>)
        %dma_wait3A_71 = arith.constant 0 : i32
        %dma_wait3A_72 = tpu.memref_slice %arg7[%dma_wait3A_71] : memref<48xi32, #tpu.memory_space<vmem>> -> memref<32xi32, #tpu.memory_space<vmem>>
        %dma_wait3A_73 = tpu.memref_slice %arg3[%multiple_of3A_40] : memref<10764288xi32, #tpu.memory_space<hbm>> -> memref<32xi32, #tpu.memory_space<hbm>>
        %dma_wait3A_74 = arith.constant 0 : i32
        %dma_wait3A_75 = tpu.memref_slice %arg7[%dma_wait3A_74] : memref<48xi32, #tpu.memory_space<vmem>> -> memref<32xi32, #tpu.memory_space<vmem>>
        %dma_wait3A_76 = tpu.memref_slice %arg3[%multiple_of3A_40] : memref<10764288xi32, #tpu.memory_space<hbm>> -> memref<32xi32, #tpu.memory_space<hbm>>
        tpu.wait_dma2 semaphore(%run_scoped3A : memref<!tpu.dma_semaphore, #tpu.memory_space<semaphore_mem>>) src(%dma_wait3A_76 : memref<32xi32, #tpu.memory_space<hbm>>) dst(%dma_wait3A_75 : memref<32xi32, #tpu.memory_space<vmem>>)
        tpu.yield
      }) : () -> ()
      %get3A_41 = arith.constant 0 : index
      %get3A_42 = tpu.vector_load %arg7[%get3A_41] {strides = array<i32>} : memref<48xi32, #tpu.memory_space<vmem>>, vector<16xi32>,
      %shift_right_logical3A = arith.constant 9 : i32
      %shift_right_logical3A_43 = vector.broadcast %shift_right_logical3A : i32 to vector<16xi32>
      %shift_right_logical3A_44 = arith.shrui %get3A_42, %shift_right_logical3A_43 : vector<16xi32>
      %swap3A = arith.constant 0 : index
      %swap3A_45 = tpu.vector_load %arg8[%swap3A] {strides = array<i32>} : memref<32xi32, #tpu.memory_space<vmem>>, vector<16xi32>,
      tpu.vector_store %arg8[%swap3A], %shift_right_logical3A_44 {strides = array<i32>} : memref<32xi32, #tpu.memory_space<vmem>>, vector<16xi32>,
      %get3A_46 = arith.constant 16 : index
      %get3A_47 = tpu.vector_load %arg7[%get3A_46] {strides = array<i32>} : memref<48xi32, #tpu.memory_space<vmem>>, vector<16xi32>,
      %shift_right_logical3A_48 = arith.constant 9 : i32
      %shift_right_logical3A_49 = vector.broadcast %shift_right_logical3A_48 : i32 to vector<16xi32>
      %shift_right_logical3A_50 = arith.shrui %get3A_47, %shift_right_logical3A_49 : vector<16xi32>
      %swap3A_51 = arith.constant 16 : index
      %swap3A_52 = tpu.vector_load %arg8[%swap3A_51] {strides = array<i32>} : memref<32xi32, #tpu.memory_space<vmem>>, vector<16xi32>,
      tpu.vector_store %arg8[%swap3A_51], %shift_right_logical3A_50 {strides = array<i32>} : memref<32xi32, #tpu.memory_space<vmem>>, vector<16xi32>,
      %dma_start3A = arith.constant 0 : i32
      %dma_start3A_53 = arith.constant 0 : i32
      %dma_start3A_54 = tpu.memref_slice %arg2[%dma_start3A, %dma_start3A_53] : memref<10240x128xf32, #tpu.memory_space<hbm>> -> memref<10240x128xf32, #tpu.memory_space<hbm>>
      tpu.enqueue_indirect_dma source(%dma_start3A_54 : memref<10240x128xf32, #tpu.memory_space<hbm>>) target(%arg9 : memref<32x128xf32, #tpu.memory_space<vmem>>) offsets(%arg8 : memref<32xi32, #tpu.memory_space<vmem>>) semaphore(%arg11 : memref<!tpu.dma_semaphore, #tpu.memory_space<semaphore_mem>>)
      %dma_wait3A = arith.constant 0 : i32
      %dma_wait3A_55 = arith.constant 0 : i32
      %dma_wait3A_56 = tpu.memref_slice %arg2[%dma_wait3A, %dma_wait3A_55] : memref<10240x128xf32, #tpu.memory_space<hbm>> -> memref<10240x128xf32, #tpu.memory_space<hbm>>
      tpu.wait_indirect_dma semaphore(%arg11 : memref<!tpu.dma_semaphore, #tpu.memory_space<semaphore_mem>>) src(%dma_wait3A_56 : memref<10240x128xf32, #tpu.memory_space<hbm>>) dst(%arg9 : memref<32x128xf32, #tpu.memory_space<vmem>>)
      %scan3A_57 = arith.constant 0 : i32
      %scan3A_58 = arith.constant 0 : i32
      %scan3A_59 = arith.constant 32 : i32
      %scan3A_60 = arith.addi %scan3A_58, %scan3A_59 : i32
      %scan3A_61 = arith.constant 1 : i32
      %scan3A_62 = scf.for %scan3A_65 = %scan3A_58 to %scan3A_60 step %scan3A_61 iter_args(%scan3A_66 = %scan3A_57) -> (i32)  : i32 {
        %get3A_67 = arith.index_cast %scan3A_65 : i32 to index
        %get3A_68 = tpu.vector_load %arg7[%get3A_67] {strides = array<i32>} : memref<48xi32, #tpu.memory_space<vmem>>, vector<16xi32>,
        %and3A = arith.constant 511 : i32
        %and3A_69 = vector.broadcast %and3A : i32 to vector<16xi32>
        %and3A_70 = arith.andi %get3A_68, %and3A_69 : vector<16xi32>
        %slice3A_71 = vector.extract_strided_slice %and3A_70 {offsets = [0], sizes = [1], strides = [1]} : vector<16xi32> to vector<1xi32>
        %squeeze3A_72 = vector.extract %slice3A_71[0] : i32 from vector<1xi32>
        %get3A_73 = arith.index_cast %squeeze3A_72 : i32 to index
        %get3A_74 = arith.constant 0 : index
        %get3A_75 = tpu.vector_load %arg6[%get3A_73, %get3A_74] {strides = array<i32>} : memref<336x128xf32, #tpu.memory_space<vmem>>, vector<16xf32>,
        %get3A_76 = arith.index_cast %scan3A_65 : i32 to index
        %get3A_77 = arith.constant 0 : index
        %get3A_78 = tpu.vector_load %arg9[%get3A_76, %get3A_77] {strides = array<i32>} : memref<32x128xf32, #tpu.memory_space<vmem>>, vector<16xf32>,
        %max3A = arith.maximumf %get3A_75, %get3A_78 : vector<16xf32>
        %swap3A_79 = arith.index_cast %squeeze3A_72 : i32 to index
        %swap3A_80 = arith.constant 0 : index
        %swap3A_81 = tpu.vector_load %arg6[%swap3A_79, %swap3A_80] {strides = array<i32>} : memref<336x128xf32, #tpu.memory_space<vmem>>, vector<16xf32>,
        tpu.vector_store %arg6[%swap3A_79, %swap3A_80], %max3A {strides = array<i32>} : memref<336x128xf32, #tpu.memory_space<vmem>>, vector<16xf32>,
        %get3A_82 = arith.index_cast %squeeze3A_72 : i32 to index
        %get3A_83 = arith.constant 16 : index
        %get3A_84 = tpu.vector_load %arg6[%get3A_82, %get3A_83] {strides = array<i32>} : memref<336x128xf32, #tpu.memory_space<vmem>>, vector<16xf32>,
        %get3A_85 = arith.index_cast %scan3A_65 : i32 to index
        %get3A_86 = arith.constant 16 : index
        %get3A_87 = tpu.vector_load %arg9[%get3A_85, %get3A_86] {strides = array<i32>} : memref<32x128xf32, #tpu.memory_space<vmem>>, vector<16xf32>,
        %max3A_88 = arith.maximumf %get3A_84, %get3A_87 : vector<16xf32>
        %swap3A_89 = arith.index_cast %squeeze3A_72 : i32 to index
        %swap3A_90 = arith.constant 16 : index
        %swap3A_91 = tpu.vector_load %arg6[%swap3A_89, %swap3A_90] {strides = array<i32>} : memref<336x128xf32, #tpu.memory_space<vmem>>, vector<16xf32>,
        tpu.vector_store %arg6[%swap3A_89, %swap3A_90], %max3A_88 {strides = array<i32>} : memref<336x128xf32, #tpu.memory_space<vmem>>, vector<16xf32>,
        %get3A_92 = arith.index_cast %squeeze3A_72 : i32 to index
        %get3A_93 = arith.constant 32 : index
        %get3A_94 = tpu.vector_load %arg6[%get3A_92, %get3A_93] {strides = array<i32>} : memref<336x128xf32, #tpu.memory_space<vmem>>, vector<16xf32>,
        %get3A_95 = arith.index_cast %scan3A_65 : i32 to index
        %get3A_96 = arith.constant 32 : index
        %get3A_97 = tpu.vector_load %arg9[%get3A_95, %get3A_96] {strides = array<i32>} : memref<32x128xf32, #tpu.memory_space<vmem>>, vector<16xf32>,
        %max3A_98 = arith.maximumf %get3A_94, %get3A_97 : vector<16xf32>
        %swap3A_99 = arith.index_cast %squeeze3A_72 : i32 to index
        %swap3A_100 = arith.constant 32 : index
        %swap3A_101 = tpu.vector_load %arg6[%swap3A_99, %swap3A_100] {strides = array<i32>} : memref<336x128xf32, #tpu.memory_space<vmem>>, vector<16xf32>,
        tpu.vector_store %arg6[%swap3A_99, %swap3A_100], %max3A_98 {strides = array<i32>} : memref<336x128xf32, #tpu.memory_space<vmem>>, vector<16xf32>,
        %get3A_102 = arith.index_cast %squeeze3A_72 : i32 to index
        %get3A_103 = arith.constant 48 : index
        %get3A_104 = tpu.vector_load %arg6[%get3A_102, %get3A_103] {strides = array<i32>} : memref<336x128xf32, #tpu.memory_space<vmem>>, vector<16xf32>,
        %get3A_105 = arith.index_cast %scan3A_65 : i32 to index
        %get3A_106 = arith.constant 48 : index
        %get3A_107 = tpu.vector_load %arg9[%get3A_105, %get3A_106] {strides = array<i32>} : memref<32x128xf32, #tpu.memory_space<vmem>>, vector<16xf32>,
        %max3A_108 = arith.maximumf %get3A_104, %get3A_107 : vector<16xf32>
        %swap3A_109 = arith.index_cast %squeeze3A_72 : i32 to index
        %swap3A_110 = arith.constant 48 : index
        %swap3A_111 = tpu.vector_load %arg6[%swap3A_109, %swap3A_110] {strides = array<i32>} : memref<336x128xf32, #tpu.memory_space<vmem>>, vector<16xf32>,
        tpu.vector_store %arg6[%swap3A_109, %swap3A_110], %max3A_108 {strides = array<i32>} : memref<336x128xf32, #tpu.memory_space<vmem>>, vector<16xf32>,
        %get3A_112 = arith.index_cast %squeeze3A_72 : i32 to index
        %get3A_113 = arith.constant 64 : index
        %get3A_114 = tpu.vector_load %arg6[%get3A_112, %get3A_113] {strides = array<i32>} : memref<336x128xf32, #tpu.memory_space<vmem>>, vector<16xf32>,
        %get3A_115 = arith.index_cast %scan3A_65 : i32 to index
        %get3A_116 = arith.constant 64 : index
        %get3A_117 = tpu.vector_load %arg9[%get3A_115, %get3A_116] {strides = array<i32>} : memref<32x128xf32, #tpu.memory_space<vmem>>, vector<16xf32>,
        %max3A_118 = arith.maximumf %get3A_114, %get3A_117 : vector<16xf32>
        %swap3A_119 = arith.index_cast %squeeze3A_72 : i32 to index
        %swap3A_120 = arith.constant 64 : index
        %swap3A_121 = tpu.vector_load %arg6[%swap3A_119, %swap3A_120] {strides = array<i32>} : memref<336x128xf32, #tpu.memory_space<vmem>>, vector<16xf32>,
        tpu.vector_store %arg6[%swap3A_119, %swap3A_120], %max3A_118 {strides = array<i32>} : memref<336x128xf32, #tpu.memory_space<vmem>>, vector<16xf32>,
        %get3A_122 = arith.index_cast %squeeze3A_72 : i32 to index
        %get3A_123 = arith.constant 80 : index
        %get3A_124 = tpu.vector_load %arg6[%get3A_122, %get3A_123] {strides = array<i32>} : memref<336x128xf32, #tpu.memory_space<vmem>>, vector<16xf32>,
        %get3A_125 = arith.index_cast %scan3A_65 : i32 to index
        %get3A_126 = arith.constant 80 : index
        %get3A_127 = tpu.vector_load %arg9[%get3A_125, %get3A_126] {strides = array<i32>} : memref<32x128xf32, #tpu.memory_space<vmem>>, vector<16xf32>,
        %max3A_128 = arith.maximumf %get3A_124, %get3A_127 : vector<16xf32>
        %swap3A_129 = arith.index_cast %squeeze3A_72 : i32 to index
        %swap3A_130 = arith.constant 80 : index
        %swap3A_131 = tpu.vector_load %arg6[%swap3A_129, %swap3A_130] {strides = array<i32>} : memref<336x128xf32, #tpu.memory_space<vmem>>, vector<16xf32>,
        tpu.vector_store %arg6[%swap3A_129, %swap3A_130], %max3A_128 {strides = array<i32>} : memref<336x128xf32, #tpu.memory_space<vmem>>, vector<16xf32>,
        %get3A_132 = arith.index_cast %squeeze3A_72 : i32 to index
        %get3A_133 = arith.constant 96 : index
        %get3A_134 = tpu.vector_load %arg6[%get3A_132, %get3A_133] {strides = array<i32>} : memref<336x128xf32, #tpu.memory_space<vmem>>, vector<16xf32>,
        %get3A_135 = arith.index_cast %scan3A_65 : i32 to index
        %get3A_136 = arith.constant 96 : index
        %get3A_137 = tpu.vector_load %arg9[%get3A_135, %get3A_136] {strides = array<i32>} : memref<32x128xf32, #tpu.memory_space<vmem>>, vector<16xf32>,
        %max3A_138 = arith.maximumf %get3A_134, %get3A_137 : vector<16xf32>
        %swap3A_139 = arith.index_cast %squeeze3A_72 : i32 to index
        %swap3A_140 = arith.constant 96 : index
        %swap3A_141 = tpu.vector_load %arg6[%swap3A_139, %swap3A_140] {strides = array<i32>} : memref<336x128xf32, #tpu.memory_space<vmem>>, vector<16xf32>,
        tpu.vector_store %arg6[%swap3A_139, %swap3A_140], %max3A_138 {strides = array<i32>} : memref<336x128xf32, #tpu.memory_space<vmem>>, vector<16xf32>,
        %get3A_142 = arith.index_cast %squeeze3A_72 : i32 to index
        %get3A_143 = arith.constant 112 : index
        %get3A_144 = tpu.vector_load %arg6[%get3A_142, %get3A_143] {strides = array<i32>} : memref<336x128xf32, #tpu.memory_space<vmem>>, vector<16xf32>,
        %get3A_145 = arith.index_cast %scan3A_65 : i32 to index
        %get3A_146 = arith.constant 112 : index
        %get3A_147 = tpu.vector_load %arg9[%get3A_145, %get3A_146] {strides = array<i32>} : memref<32x128xf32, #tpu.memory_space<vmem>>, vector<16xf32>,
        %max3A_148 = arith.maximumf %get3A_144, %get3A_147 : vector<16xf32>
        %swap3A_149 = arith.index_cast %squeeze3A_72 : i32 to index
        %swap3A_150 = arith.constant 112 : index
        %swap3A_151 = tpu.vector_load %arg6[%swap3A_149, %swap3A_150] {strides = array<i32>} : memref<336x128xf32, #tpu.memory_space<vmem>>, vector<16xf32>,
        tpu.vector_store %arg6[%swap3A_149, %swap3A_150], %max3A_148 {strides = array<i32>} : memref<336x128xf32, #tpu.memory_space<vmem>>, vector<16xf32>,
        %scan3A_152 = arith.constant 0 : i32
        scf.yield %scan3A_152 : i32
      }
      %scan3A_63 = arith.constant 32 : i32
      %while3A_64 = arith.constant 0 : i32
      scf.yield %while3A_64 : i32
    }
    %scan3A_28 = arith.constant 0 : i32
    %scan3A_29 = arith.constant 0 : i32
    %scan3A_30 = arith.constant 320 : i32
    %scan3A_31 = arith.addi %scan3A_29, %scan3A_30 : i32
    %scan3A_32 = arith.constant 1 : i32
    %scan3A_33 = scf.for %scan3A_35 = %scan3A_29 to %scan3A_31 step %scan3A_32 iter_args(%scan3A_36 = %scan3A_28) -> (i32)  : i32 {
      %get3A_37 = arith.index_cast %scan3A_35 : i32 to index
      %get3A_38 = arith.constant 0 : index
      %get3A_39 = tpu.vector_load %arg6[%get3A_37, %get3A_38] {strides = array<i32>} : memref<336x128xf32, #tpu.memory_space<vmem>>, vector<16xf32>,
      %gt3A = arith.constant -9.99999993E+36 : f32
      %gt3A_40 = vector.broadcast %gt3A : f32 to vector<16xf32>
      %gt3A_41 = arith.cmpf ogt, %get3A_39, %gt3A_40 : vector<16xf32>
      %jit3A = arith.constant 0.000000e+00 : f32
      %broadcast_in_dim3A_42 = vector.broadcast %jit3A : f32 to vector<16xf32>
      %select_n3A = arith.select %gt3A_41, %get3A_39, %broadcast_in_dim3A_42 : vector<16xi1>, vector<16xf32>
      %swap3A = arith.index_cast %scan3A_35 : i32 to index
      %swap3A_43 = arith.constant 0 : index
      %swap3A_44 = tpu.vector_load %arg6[%swap3A, %swap3A_43] {strides = array<i32>} : memref<336x128xf32, #tpu.memory_space<vmem>>, vector<16xf32>,
      tpu.vector_store %arg6[%swap3A, %swap3A_43], %select_n3A {strides = array<i32>} : memref<336x128xf32, #tpu.memory_space<vmem>>, vector<16xf32>,
      %get3A_45 = arith.index_cast %scan3A_35 : i32 to index
      %get3A_46 = arith.constant 16 : index
      %get3A_47 = tpu.vector_load %arg6[%get3A_45, %get3A_46] {strides = array<i32>} : memref<336x128xf32, #tpu.memory_space<vmem>>, vector<16xf32>,
      %gt3A_48 = arith.constant -9.99999993E+36 : f32
      %gt3A_49 = vector.broadcast %gt3A_48 : f32 to vector<16xf32>
      %gt3A_50 = arith.cmpf ogt, %get3A_47, %gt3A_49 : vector<16xf32>
      %jit3A_51 = arith.constant 0.000000e+00 : f32
      %broadcast_in_dim3A_52 = vector.broadcast %jit3A_51 : f32 to vector<16xf32>
      %select_n3A_53 = arith.select %gt3A_50, %get3A_47, %broadcast_in_dim3A_52 : vector<16xi1>, vector<16xf32>
      %swap3A_54 = arith.index_cast %scan3A_35 : i32 to index
      %swap3A_55 = arith.constant 16 : index
      %swap3A_56 = tpu.vector_load %arg6[%swap3A_54, %swap3A_55] {strides = array<i32>} : memref<336x128xf32, #tpu.memory_space<vmem>>, vector<16xf32>,
      tpu.vector_store %arg6[%swap3A_54, %swap3A_55], %select_n3A_53 {strides = array<i32>} : memref<336x128xf32, #tpu.memory_space<vmem>>, vector<16xf32>,
      %get3A_57 = arith.index_cast %scan3A_35 : i32 to index
      %get3A_58 = arith.constant 32 : index
      %get3A_59 = tpu.vector_load %arg6[%get3A_57, %get3A_58] {strides = array<i32>} : memref<336x128xf32, #tpu.memory_space<vmem>>, vector<16xf32>,
      %gt3A_60 = arith.constant -9.99999993E+36 : f32
      %gt3A_61 = vector.broadcast %gt3A_60 : f32 to vector<16xf32>
      %gt3A_62 = arith.cmpf ogt, %get3A_59, %gt3A_61 : vector<16xf32>
      %jit3A_63 = arith.constant 0.000000e+00 : f32
      %broadcast_in_dim3A_64 = vector.broadcast %jit3A_63 : f32 to vector<16xf32>
      %select_n3A_65 = arith.select %gt3A_62, %get3A_59, %broadcast_in_dim3A_64 : vector<16xi1>, vector<16xf32>
      %swap3A_66 = arith.index_cast %scan3A_35 : i32 to index
      %swap3A_67 = arith.constant 32 : index
      %swap3A_68 = tpu.vector_load %arg6[%swap3A_66, %swap3A_67] {strides = array<i32>} : memref<336x128xf32, #tpu.memory_space<vmem>>, vector<16xf32>,
      tpu.vector_store %arg6[%swap3A_66, %swap3A_67], %select_n3A_65 {strides = array<i32>} : memref<336x128xf32, #tpu.memory_space<vmem>>, vector<16xf32>,
      %get3A_69 = arith.index_cast %scan3A_35 : i32 to index
      %get3A_70 = arith.constant 48 : index
      %get3A_71 = tpu.vector_load %arg6[%get3A_69, %get3A_70] {strides = array<i32>} : memref<336x128xf32, #tpu.memory_space<vmem>>, vector<16xf32>,
      %gt3A_72 = arith.constant -9.99999993E+36 : f32
      %gt3A_73 = vector.broadcast %gt3A_72 : f32 to vector<16xf32>
      %gt3A_74 = arith.cmpf ogt, %get3A_71, %gt3A_73 : vector<16xf32>
      %jit3A_75 = arith.constant 0.000000e+00 : f32
      %broadcast_in_dim3A_76 = vector.broadcast %jit3A_75 : f32 to vector<16xf32>
      %select_n3A_77 = arith.select %gt3A_74, %get3A_71, %broadcast_in_dim3A_76 : vector<16xi1>, vector<16xf32>
      %swap3A_78 = arith.index_cast %scan3A_35 : i32 to index
      %swap3A_79 = arith.constant 48 : index
      %swap3A_80 = tpu.vector_load %arg6[%swap3A_78, %swap3A_79] {strides = array<i32>} : memref<336x128xf32, #tpu.memory_space<vmem>>, vector<16xf32>,
      tpu.vector_store %arg6[%swap3A_78, %swap3A_79], %select_n3A_77 {strides = array<i32>} : memref<336x128xf32, #tpu.memory_space<vmem>>, vector<16xf32>,
      %get3A_81 = arith.index_cast %scan3A_35 : i32 to index
      %get3A_82 = arith.constant 64 : index
      %get3A_83 = tpu.vector_load %arg6[%get3A_81, %get3A_82] {strides = array<i32>} : memref<336x128xf32, #tpu.memory_space<vmem>>, vector<16xf32>,
      %gt3A_84 = arith.constant -9.99999993E+36 : f32
      %gt3A_85 = vector.broadcast %gt3A_84 : f32 to vector<16xf32>
      %gt3A_86 = arith.cmpf ogt, %get3A_83, %gt3A_85 : vector<16xf32>
      %jit3A_87 = arith.constant 0.000000e+00 : f32
      %broadcast_in_dim3A_88 = vector.broadcast %jit3A_87 : f32 to vector<16xf32>
      %select_n3A_89 = arith.select %gt3A_86, %get3A_83, %broadcast_in_dim3A_88 : vector<16xi1>, vector<16xf32>
      %swap3A_90 = arith.index_cast %scan3A_35 : i32 to index
      %swap3A_91 = arith.constant 64 : index
      %swap3A_92 = tpu.vector_load %arg6[%swap3A_90, %swap3A_91] {strides = array<i32>} : memref<336x128xf32, #tpu.memory_space<vmem>>, vector<16xf32>,
      tpu.vector_store %arg6[%swap3A_90, %swap3A_91], %select_n3A_89 {strides = array<i32>} : memref<336x128xf32, #tpu.memory_space<vmem>>, vector<16xf32>,
      %get3A_93 = arith.index_cast %scan3A_35 : i32 to index
      %get3A_94 = arith.constant 80 : index
      %get3A_95 = tpu.vector_load %arg6[%get3A_93, %get3A_94] {strides = array<i32>} : memref<336x128xf32, #tpu.memory_space<vmem>>, vector<16xf32>,
      %gt3A_96 = arith.constant -9.99999993E+36 : f32
      %gt3A_97 = vector.broadcast %gt3A_96 : f32 to vector<16xf32>
      %gt3A_98 = arith.cmpf ogt, %get3A_95, %gt3A_97 : vector<16xf32>
      %jit3A_99 = arith.constant 0.000000e+00 : f32
      %broadcast_in_dim3A_100 = vector.broadcast %jit3A_99 : f32 to vector<16xf32>
      %select_n3A_101 = arith.select %gt3A_98, %get3A_95, %broadcast_in_dim3A_100 : vector<16xi1>, vector<16xf32>
      %swap3A_102 = arith.index_cast %scan3A_35 : i32 to index
      %swap3A_103 = arith.constant 80 : index
      %swap3A_104 = tpu.vector_load %arg6[%swap3A_102, %swap3A_103] {strides = array<i32>} : memref<336x128xf32, #tpu.memory_space<vmem>>, vector<16xf32>,
      tpu.vector_store %arg6[%swap3A_102, %swap3A_103], %select_n3A_101 {strides = array<i32>} : memref<336x128xf32, #tpu.memory_space<vmem>>, vector<16xf32>,
      %get3A_105 = arith.index_cast %scan3A_35 : i32 to index
      %get3A_106 = arith.constant 96 : index
      %get3A_107 = tpu.vector_load %arg6[%get3A_105, %get3A_106] {strides = array<i32>} : memref<336x128xf32, #tpu.memory_space<vmem>>, vector<16xf32>,
      %gt3A_108 = arith.constant -9.99999993E+36 : f32
      %gt3A_109 = vector.broadcast %gt3A_108 : f32 to vector<16xf32>
      %gt3A_110 = arith.cmpf ogt, %get3A_107, %gt3A_109 : vector<16xf32>
      %jit3A_111 = arith.constant 0.000000e+00 : f32
      %broadcast_in_dim3A_112 = vector.broadcast %jit3A_111 : f32 to vector<16xf32>
      %select_n3A_113 = arith.select %gt3A_110, %get3A_107, %broadcast_in_dim3A_112 : vector<16xi1>, vector<16xf32>
      %swap3A_114 = arith.index_cast %scan3A_35 : i32 to index
      %swap3A_115 = arith.constant 96 : index
      %swap3A_116 = tpu.vector_load %arg6[%swap3A_114, %swap3A_115] {strides = array<i32>} : memref<336x128xf32, #tpu.memory_space<vmem>>, vector<16xf32>,
      tpu.vector_store %arg6[%swap3A_114, %swap3A_115], %select_n3A_113 {strides = array<i32>} : memref<336x128xf32, #tpu.memory_space<vmem>>, vector<16xf32>,
      %get3A_117 = arith.index_cast %scan3A_35 : i32 to index
      %get3A_118 = arith.constant 112 : index
      %get3A_119 = tpu.vector_load %arg6[%get3A_117, %get3A_118] {strides = array<i32>} : memref<336x128xf32, #tpu.memory_space<vmem>>, vector<16xf32>,
      %gt3A_120 = arith.constant -9.99999993E+36 : f32
      %gt3A_121 = vector.broadcast %gt3A_120 : f32 to vector<16xf32>
      %gt3A_122 = arith.cmpf ogt, %get3A_119, %gt3A_121 : vector<16xf32>
      %jit3A_123 = arith.constant 0.000000e+00 : f32
      %broadcast_in_dim3A_124 = vector.broadcast %jit3A_123 : f32 to vector<16xf32>
      %select_n3A_125 = arith.select %gt3A_122, %get3A_119, %broadcast_in_dim3A_124 : vector<16xi1>, vector<16xf32>
      %swap3A_126 = arith.index_cast %scan3A_35 : i32 to index
      %swap3A_127 = arith.constant 112 : index
      %swap3A_128 = tpu.vector_load %arg6[%swap3A_126, %swap3A_127] {strides = array<i32>} : memref<336x128xf32, #tpu.memory_space<vmem>>, vector<16xf32>,
      tpu.vector_store %arg6[%swap3A_126, %swap3A_127], %select_n3A_125 {strides = array<i32>} : memref<336x128xf32, #tpu.memory_space<vmem>>, vector<16xf32>,
      %scan3A_129 = arith.constant 0 : i32
      scf.yield %scan3A_129 : i32
    }
    %scan3A_34 = arith.constant 320 : i32
    "tpu.region"() ({
      %run_scoped3A = tpu.sem_alloc : memref<!tpu.dma_semaphore, #tpu.memory_space<semaphore_mem>>
      %dma_start3A = arith.constant 0 : i32
      %dma_start3A_35 = arith.constant 0 : i32
      %dma_start3A_36 = tpu.memref_slice %arg6[%dma_start3A, %dma_start3A_35] : memref<336x128xf32, #tpu.memory_space<vmem>> -> memref<320x128xf32, #tpu.memory_space<vmem>>
      %dma_start3A_37 = arith.constant 0 : i32
      %dma_start3A_38 = tpu.memref_slice %arg5[%multiple_of3A, %dma_start3A_37] : memref<10240x128xf32, #tpu.memory_space<hbm>> -> memref<320x128xf32, #tpu.memory_space<hbm>>
      %dma_start3A_39 = arith.constant 0 : i32
      %dma_start3A_40 = tpu.memref_slice %arg5[%multiple_of3A, %dma_start3A_39] : memref<10240x128xf32, #tpu.memory_space<hbm>> -> memref<320x128xf32, #tpu.memory_space<hbm>>
      %dma_start3A_41 = arith.constant 0 : i32
      %dma_start3A_42 = arith.constant 0 : i32
      %dma_start3A_43 = tpu.memref_slice %arg6[%dma_start3A_41, %dma_start3A_42] : memref<336x128xf32, #tpu.memory_space<vmem>> -> memref<320x128xf32, #tpu.memory_space<vmem>>
      tpu.enqueue_dma source(%dma_start3A_43 : memref<320x128xf32, #tpu.memory_space<vmem>>) target(%dma_start3A_40 : memref<320x128xf32, #tpu.memory_space<hbm>>) target_semaphore(%run_scoped3A : memref<!tpu.dma_semaphore, #tpu.memory_space<semaphore_mem>>)
      %dma_wait3A = arith.constant 0 : i32
      %dma_wait3A_44 = arith.constant 0 : i32
      %dma_wait3A_45 = tpu.memref_slice %arg6[%dma_wait3A, %dma_wait3A_44] : memref<336x128xf32, #tpu.memory_space<vmem>> -> memref<320x128xf32, #tpu.memory_space<vmem>>
      %dma_wait3A_46 = arith.constant 0 : i32
      %dma_wait3A_47 = tpu.memref_slice %arg5[%multiple_of3A, %dma_wait3A_46] : memref<10240x128xf32, #tpu.memory_space<hbm>> -> memref<320x128xf32, #tpu.memory_space<hbm>>
      %dma_wait3A_48 = arith.constant 0 : i32
      %dma_wait3A_49 = tpu.memref_slice %arg5[%multiple_of3A, %dma_wait3A_48] : memref<10240x128xf32, #tpu.memory_space<hbm>> -> memref<320x128xf32, #tpu.memory_space<hbm>>
      %dma_wait3A_50 = arith.constant 0 : i32
      %dma_wait3A_51 = arith.constant 0 : i32
      %dma_wait3A_52 = tpu.memref_slice %arg6[%dma_wait3A_50, %dma_wait3A_51] : memref<336x128xf32, #tpu.memory_space<vmem>> -> memref<320x128xf32, #tpu.memory_space<vmem>>
      tpu.wait_dma2 semaphore(%run_scoped3A : memref<!tpu.dma_semaphore, #tpu.memory_space<semaphore_mem>>) src(%dma_wait3A_52 : memref<320x128xf32, #tpu.memory_space<vmem>>) dst(%dma_wait3A_49 : memref<320x128xf32, #tpu.memory_space<hbm>>)
      tpu.yield
    }) : () -> ()
    return
  }
}

#map = affine_map<(d0, d1) -> (0)>
module attributes {stable_mosaic.version = 14 : i64} {
  func.func @_partition(%arg0: i32, %arg1: i32, %arg2: memref<320000xi32, #tpu.memory_space<hbm>>, %arg3: memref<320000xi32, #tpu.memory_space<hbm>>, %arg4: memref<10764288xi32, #tpu.memory_space<hbm>>, %arg5: memref<512xi32, #tpu.memory_space<hbm>>, %arg6: memref<16000xi32, #tpu.memory_space<vmem>>, %arg7: memref<16000xi32, #tpu.memory_space<vmem>>, %arg8: memref<16016xi32, #tpu.memory_space<vmem>>, %arg9: memref<16xi32, #tpu.memory_space<vmem>>) attributes {dimension_semantics = [#tpu.dimension_semantics<core_parallel>, #tpu.dimension_semantics<subcore_parallel>], iteration_bounds = array<i64: 2, 16>, scalar_prefetch = 0 : i64, scratch_operands = 4 : i64, tpu.core_type = #tpu.core_type<sc_vector_subcore>, window_params = [{transform_indices = #map}, {transform_indices = #map}, {transform_indices = #map}, {transform_indices = #map}]} {
    %mul3A = arith.constant 2 : i32
    %mul3A_0 = arith.muli %arg1, %mul3A : i32
    %add3A = arith.addi %mul3A_0, %arg0 : i32
    %mul3A_1 = arith.constant 320 : i32
    %mul3A_2 = arith.muli %add3A, %mul3A_1 : i32
    %add3A_3 = arith.constant 320 : i32
    %add3A_4 = arith.addi %mul3A_2, %add3A_3 : i32
    %mul3A_5 = arith.constant 336384 : i32
    %mul3A_6 = arith.muli %add3A, %mul3A_5 : i32
    %multiple_of3A = tpu.assume_multiple %mul3A_6, 32 : i32
    %broadcast_in_dim3A = arith.constant 320 : i32
    %broadcast_in_dim3A_7 = vector.broadcast %broadcast_in_dim3A : i32 to vector<16xi32>
    %scan3A = arith.constant 0 : i32
    %scan3A_8 = arith.constant 0 : i32
    %scan3A_9 = arith.constant 20 : i32
    %scan3A_10 = arith.addi %scan3A_8, %scan3A_9 : i32
    %scan3A_11 = arith.constant 1 : i32
    %scan3A_12 = scf.for %scan3A_48 = %scan3A_8 to %scan3A_10 step %scan3A_11 iter_args(%scan3A_49 = %scan3A) -> (i32)  : i32 {
      %mul3A_50 = arith.constant 16000 : i32
      %mul3A_51 = arith.muli %scan3A_48, %mul3A_50 : i32
      "tpu.region"() ({
        %run_scoped3A = tpu.sem_alloc : memref<!tpu.dma_semaphore, #tpu.memory_space<semaphore_mem>>
        %dma_start3A = tpu.memref_slice %arg2[%mul3A_51] : memref<320000xi32, #tpu.memory_space<hbm>> -> memref<16000xi32, #tpu.memory_space<hbm>>
        %dma_start3A_94 = tpu.memref_slice %arg2[%mul3A_51] : memref<320000xi32, #tpu.memory_space<hbm>> -> memref<16000xi32, #tpu.memory_space<hbm>>
        tpu.enqueue_dma source(%dma_start3A_94 : memref<16000xi32, #tpu.memory_space<hbm>>) target(%arg6 : memref<16000xi32, #tpu.memory_space<vmem>>) target_semaphore(%run_scoped3A : memref<!tpu.dma_semaphore, #tpu.memory_space<semaphore_mem>>)
        %dma_wait3A = tpu.memref_slice %arg2[%mul3A_51] : memref<320000xi32, #tpu.memory_space<hbm>> -> memref<16000xi32, #tpu.memory_space<hbm>>
        %dma_wait3A_95 = tpu.memref_slice %arg2[%mul3A_51] : memref<320000xi32, #tpu.memory_space<hbm>> -> memref<16000xi32, #tpu.memory_space<hbm>>
        tpu.wait_dma2 semaphore(%run_scoped3A : memref<!tpu.dma_semaphore, #tpu.memory_space<semaphore_mem>>) src(%dma_wait3A_95 : memref<16000xi32, #tpu.memory_space<hbm>>) dst(%arg6 : memref<16000xi32, #tpu.memory_space<vmem>>)
        tpu.yield
      }) : () -> ()
      %mul3A_52 = arith.constant 16000 : i32
      %mul3A_53 = arith.muli %scan3A_48, %mul3A_52 : i32
      "tpu.region"() ({
        %run_scoped3A = tpu.sem_alloc : memref<!tpu.dma_semaphore, #tpu.memory_space<semaphore_mem>>
        %dma_start3A = tpu.memref_slice %arg3[%mul3A_53] : memref<320000xi32, #tpu.memory_space<hbm>> -> memref<16000xi32, #tpu.memory_space<hbm>>
        %dma_start3A_94 = tpu.memref_slice %arg3[%mul3A_53] : memref<320000xi32, #tpu.memory_space<hbm>> -> memref<16000xi32, #tpu.memory_space<hbm>>
        tpu.enqueue_dma source(%dma_start3A_94 : memref<16000xi32, #tpu.memory_space<hbm>>) target(%arg7 : memref<16000xi32, #tpu.memory_space<vmem>>) target_semaphore(%run_scoped3A : memref<!tpu.dma_semaphore, #tpu.memory_space<semaphore_mem>>)
        %dma_wait3A = tpu.memref_slice %arg3[%mul3A_53] : memref<320000xi32, #tpu.memory_space<hbm>> -> memref<16000xi32, #tpu.memory_space<hbm>>
        %dma_wait3A_95 = tpu.memref_slice %arg3[%mul3A_53] : memref<320000xi32, #tpu.memory_space<hbm>> -> memref<16000xi32, #tpu.memory_space<hbm>>
        tpu.wait_dma2 semaphore(%run_scoped3A : memref<!tpu.dma_semaphore, #tpu.memory_space<semaphore_mem>>) src(%dma_wait3A_95 : memref<16000xi32, #tpu.memory_space<hbm>>) dst(%arg7 : memref<16000xi32, #tpu.memory_space<vmem>>)
        tpu.yield
      }) : () -> ()
      %scan3A_54 = arith.constant 0 : i32
      %scan3A_55 = arith.constant 0 : i32
      %scan3A_56 = arith.constant 1000 : i32
      %scan3A_57 = arith.addi %scan3A_55, %scan3A_56 : i32
      %scan3A_58 = arith.constant 1 : i32
      %scan3A_59 = scf.for %scan3A_94 = %scan3A_55 to %scan3A_57 step %scan3A_58 iter_args(%scan3A_95 = %scan3A_54) -> (i32)  : i32 {
        %mul3A_96 = arith.constant 16 : i32
        %mul3A_97 = arith.muli %scan3A_94, %mul3A_96 : i32
        %get3A = arith.index_cast %mul3A_97 : i32 to index
        %get3A_98 = tpu.vector_load %arg6[%get3A] {strides = array<i32>} : memref<16000xi32, #tpu.memory_space<vmem>>, vector<16xi32>,
        %mul3A_99 = arith.constant 16 : i32
        %mul3A_100 = arith.muli %scan3A_94, %mul3A_99 : i32
        %get3A_101 = arith.index_cast %mul3A_100 : i32 to index
        %get3A_102 = tpu.vector_load %arg7[%get3A_101] {strides = array<i32>} : memref<16000xi32, #tpu.memory_space<vmem>>, vector<16xi32>,
        %ge3A = vector.broadcast %mul3A_2 : i32 to vector<16xi32>
        %ge3A_103 = arith.cmpi sge, %get3A_102, %ge3A : vector<16xi32>
        %lt3A = vector.broadcast %add3A_4 : i32 to vector<16xi32>
        %lt3A_104 = arith.cmpi slt, %get3A_102, %lt3A : vector<16xi32>
        %and3A_105 = arith.andi %ge3A_103, %lt3A_104 : vector<16xi1>
        %shift_left3A = arith.constant 9 : i32
        %shift_left3A_106 = vector.broadcast %shift_left3A : i32 to vector<16xi32>
        %shift_left3A_107 = arith.shli %get3A_98, %shift_left3A_106 : vector<16xi32>
        %sub3A_108 = vector.broadcast %mul3A_2 : i32 to vector<16xi32>
        %sub3A_109 = arith.subi %get3A_102, %sub3A_108 : vector<16xi32>
        %add3A_110 = arith.addi %shift_left3A_107, %sub3A_109 : vector<16xi32>
        %jit3A_111 = arith.constant 0 : i32
        %jit3A_112 = arith.constant 1 : i32
        %broadcast_in_dim3A_113 = vector.broadcast %jit3A_111 : i32 to vector<16xi32>
        %broadcast_in_dim3A_114 = vector.broadcast %jit3A_112 : i32 to vector<16xi32>
        %select_n3A_115 = arith.select %and3A_105, %broadcast_in_dim3A_113, %broadcast_in_dim3A_114 : vector<16xi1>, vector<16xi32>
        %masked_sort3A = arith.constant dense<true> : vector<16xi1>
        %masked_sort3A_116 = arith.constant -2147483648 : i32
        %masked_sort3A_117 = vector.broadcast %masked_sort3A_116 : i32 to vector<16xi32>
        %masked_sort3A_118 = arith.xori %select_n3A_115, %masked_sort3A_117 : vector<16xi32>
        %masked_sort3A_119, %masked_sort3A_120, %masked_sort3A_121 = tpu.sort %masked_sort3A_118, %add3A_110 masked %masked_sort3A : (vector<16xi32>, vector<16xi32>, vector<16xi1>) -> (vector<16xi1>, vector<16xi32>, vector<16xi32>)
        %masked_sort3A_122 = arith.xori %masked_sort3A_120, %masked_sort3A_117 : vector<16xi32>
        %swap3A_123 = arith.index_cast %scan3A_95 : i32 to index
        %swap3A_124 = tpu.vector_load %arg8[%swap3A_123] {strides = array<i32>} : memref<16016xi32, #tpu.memory_space<vmem>>, vector<16xi32>,
        tpu.vector_store %arg8[%swap3A_123], %masked_sort3A_121 {strides = array<i32>} : memref<16016xi32, #tpu.memory_space<vmem>>, vector<16xi32>,
        %all_reduce_population_count3A = tpu.all_reduce %and3A_105 {dim = 0 : i64, kind = #tpu.reduction_kind<sum>} : vector<16xi1> -> vector<16xi32>
        %slice3A = vector.extract_strided_slice %all_reduce_population_count3A {offsets = [0], sizes = [1], strides = [1]} : vector<16xi32> to vector<1xi32>
        %squeeze3A = vector.extract %slice3A[0] : i32 from vector<1xi32>
        %add3A_125 = arith.addi %scan3A_95, %squeeze3A : i32
        scf.yield %add3A_125 : i32
      }
      %scan3A_60 = arith.constant 1000 : i32
      %swap3A_61 = arith.index_cast %scan3A_59 : i32 to index
      %swap3A_62 = tpu.vector_load %arg8[%swap3A_61] {strides = array<i32>} : memref<16016xi32, #tpu.memory_space<vmem>>, vector<16xi32>,
      tpu.vector_store %arg8[%swap3A_61], %broadcast_in_dim3A_7 {strides = array<i32>} : memref<16016xi32, #tpu.memory_space<vmem>>, vector<16xi32>,
      %add3A_63 = arith.constant 15 : i32
      %add3A_64 = arith.addi %scan3A_59, %add3A_63 : i32
      %jit3A_65 = arith.constant 16 : i32
      %div3A_66 = arith.divsi %add3A_64, %jit3A_65 : i32
      %sign3A_67 = arith.constant 0 : i32
      %sign3A_68 = arith.cmpi sgt, %add3A_64, %sign3A_67 : i32
      %sign3A_69 = arith.extui %sign3A_68 : i1 to i32
      %sign3A_70 = arith.constant 0 : i32
      %sign3A_71 = arith.cmpi slt, %add3A_64, %sign3A_70 : i32
      %sign3A_72 = arith.extui %sign3A_71 : i1 to i32
      %sign3A_73 = arith.subi %sign3A_69, %sign3A_72 : i32
      %sign3A_74 = arith.constant 0 : i32
      %sign3A_75 = arith.cmpi sgt, %jit3A_65, %sign3A_74 : i32
      %sign3A_76 = arith.extui %sign3A_75 : i1 to i32
      %sign3A_77 = arith.constant 0 : i32
      %sign3A_78 = arith.cmpi slt, %jit3A_65, %sign3A_77 : i32
      %sign3A_79 = arith.extui %sign3A_78 : i1 to i32
      %sign3A_80 = arith.subi %sign3A_76, %sign3A_79 : i32
      %ne3A_81 = arith.cmpi ne, %sign3A_73, %sign3A_80 : i32
      %rem3A_82 = arith.remsi %add3A_64, %jit3A_65 : i32
      %ne3A_83 = arith.constant 0 : i32
      %ne3A_84 = arith.cmpi ne, %rem3A_82, %ne3A_83 : i32
      %and3A_85 = arith.andi %ne3A_81, %ne3A_84 : i1
      %sub3A_86 = arith.constant 1 : i32
      %sub3A_87 = arith.subi %div3A_66, %sub3A_86 : i32
      %select_n3A_88 = arith.select %and3A_85, %sub3A_87, %div3A_66 : i32
      %mul3A_89 = arith.constant 16 : i32
      %mul3A_90 = arith.muli %select_n3A_88, %mul3A_89 : i32
      %add3A_91 = arith.addi %multiple_of3A, %scan3A_49 : i32
      %multiple_of3A_92 = tpu.assume_multiple %add3A_91, 16 : i32
      "tpu.region"() ({
        %run_scoped3A = tpu.sem_alloc : memref<!tpu.dma_semaphore, #tpu.memory_space<semaphore_mem>>
        %dma_start3A = arith.constant 0 : i32
        %dma_start3A_94 = tpu.memref_slice %arg8[%dma_start3A] : memref<16016xi32, #tpu.memory_space<vmem>> -> memref<16000xi32, #tpu.memory_space<vmem>>
        %dma_start3A_95 = tpu.memref_slice %arg4[%multiple_of3A_92] : memref<10764288xi32, #tpu.memory_space<hbm>> -> memref<16000xi32, #tpu.memory_space<hbm>>
        %dma_start3A_96 = tpu.memref_slice %arg4[%multiple_of3A_92] : memref<10764288xi32, #tpu.memory_space<hbm>> -> memref<16000xi32, #tpu.memory_space<hbm>>
        %dma_start3A_97 = arith.constant 0 : i32
        %dma_start3A_98 = tpu.memref_slice %arg8[%dma_start3A_97] : memref<16016xi32, #tpu.memory_space<vmem>> -> memref<16000xi32, #tpu.memory_space<vmem>>
        tpu.enqueue_dma source(%dma_start3A_98 : memref<16000xi32, #tpu.memory_space<vmem>>) target(%dma_start3A_96 : memref<16000xi32, #tpu.memory_space<hbm>>) target_semaphore(%run_scoped3A : memref<!tpu.dma_semaphore, #tpu.memory_space<semaphore_mem>>)
        %dma_wait3A = arith.constant 0 : i32
        %dma_wait3A_99 = tpu.memref_slice %arg8[%dma_wait3A] : memref<16016xi32, #tpu.memory_space<vmem>> -> memref<16000xi32, #tpu.memory_space<vmem>>
        %dma_wait3A_100 = tpu.memref_slice %arg4[%multiple_of3A_92] : memref<10764288xi32, #tpu.memory_space<hbm>> -> memref<16000xi32, #tpu.memory_space<hbm>>
        %dma_wait3A_101 = tpu.memref_slice %arg4[%multiple_of3A_92] : memref<10764288xi32, #tpu.memory_space<hbm>> -> memref<16000xi32, #tpu.memory_space<hbm>>
        %dma_wait3A_102 = arith.constant 0 : i32
        %dma_wait3A_103 = tpu.memref_slice %arg8[%dma_wait3A_102] : memref<16016xi32, #tpu.memory_space<vmem>> -> memref<16000xi32, #tpu.memory_space<vmem>>
        tpu.wait_dma2 semaphore(%run_scoped3A : memref<!tpu.dma_semaphore, #tpu.memory_space<semaphore_mem>>) src(%dma_wait3A_103 : memref<16000xi32, #tpu.memory_space<vmem>>) dst(%dma_wait3A_101 : memref<16000xi32, #tpu.memory_space<hbm>>)
        tpu.yield
      }) : () -> ()
      %add3A_93 = arith.addi %scan3A_49, %mul3A_90 : i32
      scf.yield %add3A_93 : i32
    }
    %scan3A_13 = arith.constant 20 : i32
    %swap3A = arith.constant 0 : index
    %swap3A_14 = tpu.vector_load %arg8[%swap3A] {strides = array<i32>} : memref<16016xi32, #tpu.memory_space<vmem>>, vector<16xi32>,
    tpu.vector_store %arg8[%swap3A], %broadcast_in_dim3A_7 {strides = array<i32>} : memref<16016xi32, #tpu.memory_space<vmem>>, vector<16xi32>,
    %swap3A_15 = arith.constant 16 : index
    %swap3A_16 = tpu.vector_load %arg8[%swap3A_15] {strides = array<i32>} : memref<16016xi32, #tpu.memory_space<vmem>>, vector<16xi32>,
    tpu.vector_store %arg8[%swap3A_15], %broadcast_in_dim3A_7 {strides = array<i32>} : memref<16016xi32, #tpu.memory_space<vmem>>, vector<16xi32>,
    %add3A_17 = arith.addi %multiple_of3A, %scan3A_12 : i32
    %multiple_of3A_18 = tpu.assume_multiple %add3A_17, 16 : i32
    "tpu.region"() ({
      %run_scoped3A = tpu.sem_alloc : memref<!tpu.dma_semaphore, #tpu.memory_space<semaphore_mem>>
      %dma_start3A = arith.constant 0 : i32
      %dma_start3A_48 = tpu.memref_slice %arg8[%dma_start3A] : memref<16016xi32, #tpu.memory_space<vmem>> -> memref<32xi32, #tpu.memory_space<vmem>>
      %dma_start3A_49 = tpu.memref_slice %arg4[%multiple_of3A_18] : memref<10764288xi32, #tpu.memory_space<hbm>> -> memref<32xi32, #tpu.memory_space<hbm>>
      %dma_start3A_50 = tpu.memref_slice %arg4[%multiple_of3A_18] : memref<10764288xi32, #tpu.memory_space<hbm>> -> memref<32xi32, #tpu.memory_space<hbm>>
      %dma_start3A_51 = arith.constant 0 : i32
      %dma_start3A_52 = tpu.memref_slice %arg8[%dma_start3A_51] : memref<16016xi32, #tpu.memory_space<vmem>> -> memref<32xi32, #tpu.memory_space<vmem>>
      tpu.enqueue_dma source(%dma_start3A_52 : memref<32xi32, #tpu.memory_space<vmem>>) target(%dma_start3A_50 : memref<32xi32, #tpu.memory_space<hbm>>) target_semaphore(%run_scoped3A : memref<!tpu.dma_semaphore, #tpu.memory_space<semaphore_mem>>)
      %dma_wait3A = arith.constant 0 : i32
      %dma_wait3A_53 = tpu.memref_slice %arg8[%dma_wait3A] : memref<16016xi32, #tpu.memory_space<vmem>> -> memref<32xi32, #tpu.memory_space<vmem>>
      %dma_wait3A_54 = tpu.memref_slice %arg4[%multiple_of3A_18] : memref<10764288xi32, #tpu.memory_space<hbm>> -> memref<32xi32, #tpu.memory_space<hbm>>
      %dma_wait3A_55 = tpu.memref_slice %arg4[%multiple_of3A_18] : memref<10764288xi32, #tpu.memory_space<hbm>> -> memref<32xi32, #tpu.memory_space<hbm>>
      %dma_wait3A_56 = arith.constant 0 : i32
      %dma_wait3A_57 = tpu.memref_slice %arg8[%dma_wait3A_56] : memref<16016xi32, #tpu.memory_space<vmem>> -> memref<32xi32, #tpu.memory_space<vmem>>
      tpu.wait_dma2 semaphore(%run_scoped3A : memref<!tpu.dma_semaphore, #tpu.memory_space<semaphore_mem>>) src(%dma_wait3A_57 : memref<32xi32, #tpu.memory_space<vmem>>) dst(%dma_wait3A_55 : memref<32xi32, #tpu.memory_space<hbm>>)
      tpu.yield
    }) : () -> ()
    %add3A_19 = arith.constant 32 : i32
    %add3A_20 = arith.addi %scan3A_12, %add3A_19 : i32
    %sub3A = arith.constant 1 : i32
    %sub3A_21 = arith.subi %add3A_20, %sub3A : i32
    %jit3A = arith.constant 32 : i32
    %div3A = arith.divsi %sub3A_21, %jit3A : i32
    %sign3A = arith.constant 0 : i32
    %sign3A_22 = arith.cmpi sgt, %sub3A_21, %sign3A : i32
    %sign3A_23 = arith.extui %sign3A_22 : i1 to i32
    %sign3A_24 = arith.constant 0 : i32
    %sign3A_25 = arith.cmpi slt, %sub3A_21, %sign3A_24 : i32
    %sign3A_26 = arith.extui %sign3A_25 : i1 to i32
    %sign3A_27 = arith.subi %sign3A_23, %sign3A_26 : i32
    %sign3A_28 = arith.constant 0 : i32
    %sign3A_29 = arith.cmpi sgt, %jit3A, %sign3A_28 : i32
    %sign3A_30 = arith.extui %sign3A_29 : i1 to i32
    %sign3A_31 = arith.constant 0 : i32
    %sign3A_32 = arith.cmpi slt, %jit3A, %sign3A_31 : i32
    %sign3A_33 = arith.extui %sign3A_32 : i1 to i32
    %sign3A_34 = arith.subi %sign3A_30, %sign3A_33 : i32
    %ne3A = arith.cmpi ne, %sign3A_27, %sign3A_34 : i32
    %rem3A = arith.remsi %sub3A_21, %jit3A : i32
    %ne3A_35 = arith.constant 0 : i32
    %ne3A_36 = arith.cmpi ne, %rem3A, %ne3A_35 : i32
    %and3A = arith.andi %ne3A, %ne3A_36 : i1
    %sub3A_37 = arith.constant 1 : i32
    %sub3A_38 = arith.subi %div3A, %sub3A_37 : i32
    %select_n3A = arith.select %and3A, %sub3A_38, %div3A : i32
    %broadcast_in_dim3A_39 = arith.constant 0 : i32
    %broadcast_in_dim3A_40 = vector.broadcast %broadcast_in_dim3A_39 : i32 to vector<16xi32>
    %add3A_41 = vector.broadcast %select_n3A : i32 to vector<16xi32>
    %add3A_42 = arith.addi %broadcast_in_dim3A_40, %add3A_41 : vector<16xi32>
    %swap3A_43 = arith.constant 0 : index
    %swap3A_44 = tpu.vector_load %arg9[%swap3A_43] {strides = array<i32>} : memref<16xi32, #tpu.memory_space<vmem>>, vector<16xi32>,
    tpu.vector_store %arg9[%swap3A_43], %add3A_42 {strides = array<i32>} : memref<16xi32, #tpu.memory_space<vmem>>, vector<16xi32>,
    %mul3A_45 = arith.constant 16 : i32
    %mul3A_46 = arith.muli %add3A, %mul3A_45 : i32
    %multiple_of3A_47 = tpu.assume_multiple %mul3A_46, 16 : i32
    "tpu.region"() ({
      %run_scoped3A = tpu.sem_alloc : memref<!tpu.dma_semaphore, #tpu.memory_space<semaphore_mem>>
      %dma_start3A = tpu.memref_slice %arg5[%multiple_of3A_47] : memref<512xi32, #tpu.memory_space<hbm>> -> memref<16xi32, #tpu.memory_space<hbm>>
      %dma_start3A_48 = tpu.memref_slice %arg5[%multiple_of3A_47] : memref<512xi32, #tpu.memory_space<hbm>> -> memref<16xi32, #tpu.memory_space<hbm>>
      tpu.enqueue_dma source(%arg9 : memref<16xi32, #tpu.memory_space<vmem>>) target(%dma_start3A_48 : memref<16xi32, #tpu.memory_space<hbm>>) target_semaphore(%run_scoped3A : memref<!tpu.dma_semaphore, #tpu.memory_space<semaphore_mem>>)
      %dma_wait3A = tpu.memref_slice %arg5[%multiple_of3A_47] : memref<512xi32, #tpu.memory_space<hbm>> -> memref<16xi32, #tpu.memory_space<hbm>>
      %dma_wait3A_49 = tpu.memref_slice %arg5[%multiple_of3A_47] : memref<512xi32, #tpu.memory_space<hbm>> -> memref<16xi32, #tpu.memory_space<hbm>>
      tpu.wait_dma2 semaphore(%run_scoped3A : memref<!tpu.dma_semaphore, #tpu.memory_space<semaphore_mem>>) src(%arg9 : memref<16xi32, #tpu.memory_space<vmem>>) dst(%dma_wait3A_49 : memref<16xi32, #tpu.memory_space<hbm>>)
      tpu.yield
    }) : () -> ()
    return
  }
}

#map = affine_map<(d0, d1) -> (0, 0)>
#map1 = affine_map<(d0, d1) -> (0)>
module attributes {stable_mosaic.version = 14 : i64} {
  func.func @_maxagg(%arg0: i32, %arg1: i32, %arg2: memref<10240x128xf32, #tpu.memory_space<hbm>>, %arg3: memref<10764288xi32, #tpu.memory_space<hbm>>, %arg4: memref<512xi32, #tpu.memory_space<hbm>>, %arg5: memref<10240x128xf32, #tpu.memory_space<hbm>>, %arg6: memref<336x128xf32, #tpu.memory_space<vmem>>, %arg7: memref<48xi32, #tpu.memory_space<vmem>>, %arg8: memref<32xi32, #tpu.memory_space<vmem>>, %arg9: memref<32x128xf32, #tpu.memory_space<vmem>>, %arg10: memref<16xi32, #tpu.memory_space<vmem>>, %arg11: memref<!tpu.dma_semaphore, #tpu.memory_space<semaphore_mem>>) attributes {dimension_semantics = [#tpu.dimension_semantics<core_parallel>, #tpu.dimension_semantics<subcore_parallel>], iteration_bounds = array<i64: 2, 16>, scalar_prefetch = 0 : i64, scratch_operands = 6 : i64, tpu.core_type = #tpu.core_type<sc_vector_subcore>, window_params = [{transform_indices = #map}, {transform_indices = #map1}, {transform_indices = #map1}, {transform_indices = #map}]} {
    %mul3A = arith.constant 2 : i32
    %mul3A_0 = arith.muli %arg1, %mul3A : i32
    %add3A = arith.addi %mul3A_0, %arg0 : i32
    %mul3A_1 = arith.constant 320 : i32
    %mul3A_2 = arith.muli %add3A, %mul3A_1 : i32
    %multiple_of3A = tpu.assume_multiple %mul3A_2, 32 : i32
    %mul3A_3 = arith.constant 336384 : i32
    %mul3A_4 = arith.muli %add3A, %mul3A_3 : i32
    %multiple_of3A_5 = tpu.assume_multiple %mul3A_4, 32 : i32
    %broadcast_in_dim3A = arith.constant -3.000000e+38 : f32
    %broadcast_in_dim3A_6 = vector.broadcast %broadcast_in_dim3A : f32 to vector<16xf32>
    %scan3A = arith.constant 0 : i32
    %scan3A_7 = arith.constant 0 : i32
    %scan3A_8 = arith.constant 336 : i32
    %scan3A_9 = arith.addi %scan3A_7, %scan3A_8 : i32
    %scan3A_10 = arith.constant 1 : i32
    %scan3A_11 = scf.for %scan3A_35 = %scan3A_7 to %scan3A_9 step %scan3A_10 iter_args(%scan3A_36 = %scan3A) -> (i32)  : i32 {
      %swap3A = arith.index_cast %scan3A_35 : i32 to index
      %swap3A_37 = arith.constant 0 : index
      %swap3A_38 = tpu.vector_load %arg6[%swap3A, %swap3A_37] {strides = array<i32>} : memref<336x128xf32, #tpu.memory_space<vmem>>, vector<16xf32>,
      tpu.vector_store %arg6[%swap3A, %swap3A_37], %broadcast_in_dim3A_6 {strides = array<i32>} : memref<336x128xf32, #tpu.memory_space<vmem>>, vector<16xf32>,
      %swap3A_39 = arith.index_cast %scan3A_35 : i32 to index
      %swap3A_40 = arith.constant 16 : index
      %swap3A_41 = tpu.vector_load %arg6[%swap3A_39, %swap3A_40] {strides = array<i32>} : memref<336x128xf32, #tpu.memory_space<vmem>>, vector<16xf32>,
      tpu.vector_store %arg6[%swap3A_39, %swap3A_40], %broadcast_in_dim3A_6 {strides = array<i32>} : memref<336x128xf32, #tpu.memory_space<vmem>>, vector<16xf32>,
      %swap3A_42 = arith.index_cast %scan3A_35 : i32 to index
      %swap3A_43 = arith.constant 32 : index
      %swap3A_44 = tpu.vector_load %arg6[%swap3A_42, %swap3A_43] {strides = array<i32>} : memref<336x128xf32, #tpu.memory_space<vmem>>, vector<16xf32>,
      tpu.vector_store %arg6[%swap3A_42, %swap3A_43], %broadcast_in_dim3A_6 {strides = array<i32>} : memref<336x128xf32, #tpu.memory_space<vmem>>, vector<16xf32>,
      %swap3A_45 = arith.index_cast %scan3A_35 : i32 to index
      %swap3A_46 = arith.constant 48 : index
      %swap3A_47 = tpu.vector_load %arg6[%swap3A_45, %swap3A_46] {strides = array<i32>} : memref<336x128xf32, #tpu.memory_space<vmem>>, vector<16xf32>,
      tpu.vector_store %arg6[%swap3A_45, %swap3A_46], %broadcast_in_dim3A_6 {strides = array<i32>} : memref<336x128xf32, #tpu.memory_space<vmem>>, vector<16xf32>,
      %swap3A_48 = arith.index_cast %scan3A_35 : i32 to index
      %swap3A_49 = arith.constant 64 : index
      %swap3A_50 = tpu.vector_load %arg6[%swap3A_48, %swap3A_49] {strides = array<i32>} : memref<336x128xf32, #tpu.memory_space<vmem>>, vector<16xf32>,
      tpu.vector_store %arg6[%swap3A_48, %swap3A_49], %broadcast_in_dim3A_6 {strides = array<i32>} : memref<336x128xf32, #tpu.memory_space<vmem>>, vector<16xf32>,
      %swap3A_51 = arith.index_cast %scan3A_35 : i32 to index
      %swap3A_52 = arith.constant 80 : index
      %swap3A_53 = tpu.vector_load %arg6[%swap3A_51, %swap3A_52] {strides = array<i32>} : memref<336x128xf32, #tpu.memory_space<vmem>>, vector<16xf32>,
      tpu.vector_store %arg6[%swap3A_51, %swap3A_52], %broadcast_in_dim3A_6 {strides = array<i32>} : memref<336x128xf32, #tpu.memory_space<vmem>>, vector<16xf32>,
      %swap3A_54 = arith.index_cast %scan3A_35 : i32 to index
      %swap3A_55 = arith.constant 96 : index
      %swap3A_56 = tpu.vector_load %arg6[%swap3A_54, %swap3A_55] {strides = array<i32>} : memref<336x128xf32, #tpu.memory_space<vmem>>, vector<16xf32>,
      tpu.vector_store %arg6[%swap3A_54, %swap3A_55], %broadcast_in_dim3A_6 {strides = array<i32>} : memref<336x128xf32, #tpu.memory_space<vmem>>, vector<16xf32>,
      %swap3A_57 = arith.index_cast %scan3A_35 : i32 to index
      %swap3A_58 = arith.constant 112 : index
      %swap3A_59 = tpu.vector_load %arg6[%swap3A_57, %swap3A_58] {strides = array<i32>} : memref<336x128xf32, #tpu.memory_space<vmem>>, vector<16xf32>,
      tpu.vector_store %arg6[%swap3A_57, %swap3A_58], %broadcast_in_dim3A_6 {strides = array<i32>} : memref<336x128xf32, #tpu.memory_space<vmem>>, vector<16xf32>,
      %scan3A_60 = arith.constant 0 : i32
      scf.yield %scan3A_60 : i32
    }
    %scan3A_12 = arith.constant 336 : i32
    %mul3A_13 = arith.constant 16 : i32
    %mul3A_14 = arith.muli %add3A, %mul3A_13 : i32
    %multiple_of3A_15 = tpu.assume_multiple %mul3A_14, 16 : i32
    "tpu.region"() ({
      %run_scoped3A = tpu.sem_alloc : memref<!tpu.dma_semaphore, #tpu.memory_space<semaphore_mem>>
      %dma_start3A = tpu.memref_slice %arg4[%multiple_of3A_15] : memref<512xi32, #tpu.memory_space<hbm>> -> memref<16xi32, #tpu.memory_space<hbm>>
      %dma_start3A_35 = tpu.memref_slice %arg4[%multiple_of3A_15] : memref<512xi32, #tpu.memory_space<hbm>> -> memref<16xi32, #tpu.memory_space<hbm>>
      tpu.enqueue_dma source(%dma_start3A_35 : memref<16xi32, #tpu.memory_space<hbm>>) target(%arg10 : memref<16xi32, #tpu.memory_space<vmem>>) target_semaphore(%run_scoped3A : memref<!tpu.dma_semaphore, #tpu.memory_space<semaphore_mem>>)
      %dma_wait3A = tpu.memref_slice %arg4[%multiple_of3A_15] : memref<512xi32, #tpu.memory_space<hbm>> -> memref<16xi32, #tpu.memory_space<hbm>>
      %dma_wait3A_36 = tpu.memref_slice %arg4[%multiple_of3A_15] : memref<512xi32, #tpu.memory_space<hbm>> -> memref<16xi32, #tpu.memory_space<hbm>>
      tpu.wait_dma2 semaphore(%run_scoped3A : memref<!tpu.dma_semaphore, #tpu.memory_space<semaphore_mem>>) src(%dma_wait3A_36 : memref<16xi32, #tpu.memory_space<hbm>>) dst(%arg10 : memref<16xi32, #tpu.memory_space<vmem>>)
      tpu.yield
    }) : () -> ()
    %get3A = arith.constant 0 : index
    %get3A_16 = tpu.vector_load %arg10[%get3A] {strides = array<i32>} : memref<16xi32, #tpu.memory_space<vmem>>, vector<16xi32>,
    %slice3A = vector.extract_strided_slice %get3A_16 {offsets = [0], sizes = [1], strides = [1]} : vector<16xi32> to vector<1xi32>
    %squeeze3A = vector.extract %slice3A[0] : i32 from vector<1xi32>
    %while3A = arith.constant 0 : i32
    %while3A_17 = arith.constant 0 : i32
    %while3A_18 = arith.subi %squeeze3A, %while3A : i32
    %while3A_19 = arith.addi %while3A, %while3A_18 : i32
    %while3A_20 = arith.constant 1 : i32
    %while3A_21 = arith.divsi %while3A_18, %while3A_20 : i32
    %while3A_22 = arith.muli %while3A_21, %while3A_20 : i32
    %while3A_23 = arith.addi %while3A, %while3A_22 : i32
    %while3A_24 = arith.constant 1 : i32
    %while3A_25 = scf.for %while3A_35 = %while3A to %while3A_23 step %while3A_24 iter_args(%while3A_36 = %while3A_17) -> (i32)  : i32 {
      %mul3A_37 = arith.constant 32 : i32
      %mul3A_38 = arith.muli %while3A_35, %mul3A_37 : i32
      %add3A_39 = arith.addi %multiple_of3A_5, %mul3A_38 : i32
      %multiple_of3A_40 = tpu.assume_multiple %add3A_39, 32 : i32
      "tpu.region"() ({
        %run_scoped3A = tpu.sem_alloc : memref<!tpu.dma_semaphore, #tpu.memory_space<semaphore_mem>>
        %dma_start3A_65 = arith.constant 0 : i32
        %dma_start3A_66 = tpu.memref_slice %arg7[%dma_start3A_65] : memref<48xi32, #tpu.memory_space<vmem>> -> memref<32xi32, #tpu.memory_space<vmem>>
        %dma_start3A_67 = tpu.memref_slice %arg3[%multiple_of3A_40] : memref<10764288xi32, #tpu.memory_space<hbm>> -> memref<32xi32, #tpu.memory_space<hbm>>
        %dma_start3A_68 = arith.constant 0 : i32
        %dma_start3A_69 = tpu.memref_slice %arg7[%dma_start3A_68] : memref<48xi32, #tpu.memory_space<vmem>> -> memref<32xi32, #tpu.memory_space<vmem>>
        %dma_start3A_70 = tpu.memref_slice %arg3[%multiple_of3A_40] : memref<10764288xi32, #tpu.memory_space<hbm>> -> memref<32xi32, #tpu.memory_space<hbm>>
        tpu.enqueue_dma source(%dma_start3A_70 : memref<32xi32, #tpu.memory_space<hbm>>) target(%dma_start3A_69 : memref<32xi32, #tpu.memory_space<vmem>>) target_semaphore(%run_scoped3A : memref<!tpu.dma_semaphore, #tpu.memory_space<semaphore_mem>>)
        %dma_wait3A_71 = arith.constant 0 : i32
        %dma_wait3A_72 = tpu.memref_slice %arg7[%dma_wait3A_71] : memref<48xi32, #tpu.memory_space<vmem>> -> memref<32xi32, #tpu.memory_space<vmem>>
        %dma_wait3A_73 = tpu.memref_slice %arg3[%multiple_of3A_40] : memref<10764288xi32, #tpu.memory_space<hbm>> -> memref<32xi32, #tpu.memory_space<hbm>>
        %dma_wait3A_74 = arith.constant 0 : i32
        %dma_wait3A_75 = tpu.memref_slice %arg7[%dma_wait3A_74] : memref<48xi32, #tpu.memory_space<vmem>> -> memref<32xi32, #tpu.memory_space<vmem>>
        %dma_wait3A_76 = tpu.memref_slice %arg3[%multiple_of3A_40] : memref<10764288xi32, #tpu.memory_space<hbm>> -> memref<32xi32, #tpu.memory_space<hbm>>
        tpu.wait_dma2 semaphore(%run_scoped3A : memref<!tpu.dma_semaphore, #tpu.memory_space<semaphore_mem>>) src(%dma_wait3A_76 : memref<32xi32, #tpu.memory_space<hbm>>) dst(%dma_wait3A_75 : memref<32xi32, #tpu.memory_space<vmem>>)
        tpu.yield
      }) : () -> ()
      %get3A_41 = arith.constant 0 : index
      %get3A_42 = tpu.vector_load %arg7[%get3A_41] {strides = array<i32>} : memref<48xi32, #tpu.memory_space<vmem>>, vector<16xi32>,
      %shift_right_logical3A = arith.constant 9 : i32
      %shift_right_logical3A_43 = vector.broadcast %shift_right_logical3A : i32 to vector<16xi32>
      %shift_right_logical3A_44 = arith.shrui %get3A_42, %shift_right_logical3A_43 : vector<16xi32>
      %swap3A = arith.constant 0 : index
      %swap3A_45 = tpu.vector_load %arg8[%swap3A] {strides = array<i32>} : memref<32xi32, #tpu.memory_space<vmem>>, vector<16xi32>,
      tpu.vector_store %arg8[%swap3A], %shift_right_logical3A_44 {strides = array<i32>} : memref<32xi32, #tpu.memory_space<vmem>>, vector<16xi32>,
      %get3A_46 = arith.constant 16 : index
      %get3A_47 = tpu.vector_load %arg7[%get3A_46] {strides = array<i32>} : memref<48xi32, #tpu.memory_space<vmem>>, vector<16xi32>,
      %shift_right_logical3A_48 = arith.constant 9 : i32
      %shift_right_logical3A_49 = vector.broadcast %shift_right_logical3A_48 : i32 to vector<16xi32>
      %shift_right_logical3A_50 = arith.shrui %get3A_47, %shift_right_logical3A_49 : vector<16xi32>
      %swap3A_51 = arith.constant 16 : index
      %swap3A_52 = tpu.vector_load %arg8[%swap3A_51] {strides = array<i32>} : memref<32xi32, #tpu.memory_space<vmem>>, vector<16xi32>,
      tpu.vector_store %arg8[%swap3A_51], %shift_right_logical3A_50 {strides = array<i32>} : memref<32xi32, #tpu.memory_space<vmem>>, vector<16xi32>,
      %dma_start3A = arith.constant 0 : i32
      %dma_start3A_53 = arith.constant 0 : i32
      %dma_start3A_54 = tpu.memref_slice %arg2[%dma_start3A, %dma_start3A_53] : memref<10240x128xf32, #tpu.memory_space<hbm>> -> memref<10240x128xf32, #tpu.memory_space<hbm>>
      tpu.enqueue_indirect_dma source(%dma_start3A_54 : memref<10240x128xf32, #tpu.memory_space<hbm>>) target(%arg9 : memref<32x128xf32, #tpu.memory_space<vmem>>) offsets(%arg8 : memref<32xi32, #tpu.memory_space<vmem>>) semaphore(%arg11 : memref<!tpu.dma_semaphore, #tpu.memory_space<semaphore_mem>>)
      %dma_wait3A = arith.constant 0 : i32
      %dma_wait3A_55 = arith.constant 0 : i32
      %dma_wait3A_56 = tpu.memref_slice %arg2[%dma_wait3A, %dma_wait3A_55] : memref<10240x128xf32, #tpu.memory_space<hbm>> -> memref<10240x128xf32, #tpu.memory_space<hbm>>
      tpu.wait_indirect_dma semaphore(%arg11 : memref<!tpu.dma_semaphore, #tpu.memory_space<semaphore_mem>>) src(%dma_wait3A_56 : memref<10240x128xf32, #tpu.memory_space<hbm>>) dst(%arg9 : memref<32x128xf32, #tpu.memory_space<vmem>>)
      %scan3A_57 = arith.constant 0 : i32
      %scan3A_58 = arith.constant 0 : i32
      %scan3A_59 = arith.constant 32 : i32
      %scan3A_60 = arith.addi %scan3A_58, %scan3A_59 : i32
      %scan3A_61 = arith.constant 1 : i32
      %scan3A_62 = scf.for %scan3A_65 = %scan3A_58 to %scan3A_60 step %scan3A_61 iter_args(%scan3A_66 = %scan3A_57) -> (i32)  : i32 {
        %get3A_67 = arith.index_cast %scan3A_65 : i32 to index
        %get3A_68 = tpu.vector_load %arg7[%get3A_67] {strides = array<i32>} : memref<48xi32, #tpu.memory_space<vmem>>, vector<16xi32>,
        %and3A = arith.constant 511 : i32
        %and3A_69 = vector.broadcast %and3A : i32 to vector<16xi32>
        %and3A_70 = arith.andi %get3A_68, %and3A_69 : vector<16xi32>
        %slice3A_71 = vector.extract_strided_slice %and3A_70 {offsets = [0], sizes = [1], strides = [1]} : vector<16xi32> to vector<1xi32>
        %squeeze3A_72 = vector.extract %slice3A_71[0] : i32 from vector<1xi32>
        %get3A_73 = arith.index_cast %squeeze3A_72 : i32 to index
        %get3A_74 = arith.constant 0 : index
        %get3A_75 = tpu.vector_load %arg6[%get3A_73, %get3A_74] {strides = array<i32>} : memref<336x128xf32, #tpu.memory_space<vmem>>, vector<16xf32>,
        %get3A_76 = arith.index_cast %scan3A_65 : i32 to index
        %get3A_77 = arith.constant 0 : index
        %get3A_78 = tpu.vector_load %arg9[%get3A_76, %get3A_77] {strides = array<i32>} : memref<32x128xf32, #tpu.memory_space<vmem>>, vector<16xf32>,
        %max3A = arith.maximumf %get3A_75, %get3A_78 : vector<16xf32>
        %swap3A_79 = arith.index_cast %squeeze3A_72 : i32 to index
        %swap3A_80 = arith.constant 0 : index
        %swap3A_81 = tpu.vector_load %arg6[%swap3A_79, %swap3A_80] {strides = array<i32>} : memref<336x128xf32, #tpu.memory_space<vmem>>, vector<16xf32>,
        tpu.vector_store %arg6[%swap3A_79, %swap3A_80], %max3A {strides = array<i32>} : memref<336x128xf32, #tpu.memory_space<vmem>>, vector<16xf32>,
        %get3A_82 = arith.index_cast %squeeze3A_72 : i32 to index
        %get3A_83 = arith.constant 16 : index
        %get3A_84 = tpu.vector_load %arg6[%get3A_82, %get3A_83] {strides = array<i32>} : memref<336x128xf32, #tpu.memory_space<vmem>>, vector<16xf32>,
        %get3A_85 = arith.index_cast %scan3A_65 : i32 to index
        %get3A_86 = arith.constant 16 : index
        %get3A_87 = tpu.vector_load %arg9[%get3A_85, %get3A_86] {strides = array<i32>} : memref<32x128xf32, #tpu.memory_space<vmem>>, vector<16xf32>,
        %max3A_88 = arith.maximumf %get3A_84, %get3A_87 : vector<16xf32>
        %swap3A_89 = arith.index_cast %squeeze3A_72 : i32 to index
        %swap3A_90 = arith.constant 16 : index
        %swap3A_91 = tpu.vector_load %arg6[%swap3A_89, %swap3A_90] {strides = array<i32>} : memref<336x128xf32, #tpu.memory_space<vmem>>, vector<16xf32>,
        tpu.vector_store %arg6[%swap3A_89, %swap3A_90], %max3A_88 {strides = array<i32>} : memref<336x128xf32, #tpu.memory_space<vmem>>, vector<16xf32>,
        %get3A_92 = arith.index_cast %squeeze3A_72 : i32 to index
        %get3A_93 = arith.constant 32 : index
        %get3A_94 = tpu.vector_load %arg6[%get3A_92, %get3A_93] {strides = array<i32>} : memref<336x128xf32, #tpu.memory_space<vmem>>, vector<16xf32>,
        %get3A_95 = arith.index_cast %scan3A_65 : i32 to index
        %get3A_96 = arith.constant 32 : index
        %get3A_97 = tpu.vector_load %arg9[%get3A_95, %get3A_96] {strides = array<i32>} : memref<32x128xf32, #tpu.memory_space<vmem>>, vector<16xf32>,
        %max3A_98 = arith.maximumf %get3A_94, %get3A_97 : vector<16xf32>
        %swap3A_99 = arith.index_cast %squeeze3A_72 : i32 to index
        %swap3A_100 = arith.constant 32 : index
        %swap3A_101 = tpu.vector_load %arg6[%swap3A_99, %swap3A_100] {strides = array<i32>} : memref<336x128xf32, #tpu.memory_space<vmem>>, vector<16xf32>,
        tpu.vector_store %arg6[%swap3A_99, %swap3A_100], %max3A_98 {strides = array<i32>} : memref<336x128xf32, #tpu.memory_space<vmem>>, vector<16xf32>,
        %get3A_102 = arith.index_cast %squeeze3A_72 : i32 to index
        %get3A_103 = arith.constant 48 : index
        %get3A_104 = tpu.vector_load %arg6[%get3A_102, %get3A_103] {strides = array<i32>} : memref<336x128xf32, #tpu.memory_space<vmem>>, vector<16xf32>,
        %get3A_105 = arith.index_cast %scan3A_65 : i32 to index
        %get3A_106 = arith.constant 48 : index
        %get3A_107 = tpu.vector_load %arg9[%get3A_105, %get3A_106] {strides = array<i32>} : memref<32x128xf32, #tpu.memory_space<vmem>>, vector<16xf32>,
        %max3A_108 = arith.maximumf %get3A_104, %get3A_107 : vector<16xf32>
        %swap3A_109 = arith.index_cast %squeeze3A_72 : i32 to index
        %swap3A_110 = arith.constant 48 : index
        %swap3A_111 = tpu.vector_load %arg6[%swap3A_109, %swap3A_110] {strides = array<i32>} : memref<336x128xf32, #tpu.memory_space<vmem>>, vector<16xf32>,
        tpu.vector_store %arg6[%swap3A_109, %swap3A_110], %max3A_108 {strides = array<i32>} : memref<336x128xf32, #tpu.memory_space<vmem>>, vector<16xf32>,
        %get3A_112 = arith.index_cast %squeeze3A_72 : i32 to index
        %get3A_113 = arith.constant 64 : index
        %get3A_114 = tpu.vector_load %arg6[%get3A_112, %get3A_113] {strides = array<i32>} : memref<336x128xf32, #tpu.memory_space<vmem>>, vector<16xf32>,
        %get3A_115 = arith.index_cast %scan3A_65 : i32 to index
        %get3A_116 = arith.constant 64 : index
        %get3A_117 = tpu.vector_load %arg9[%get3A_115, %get3A_116] {strides = array<i32>} : memref<32x128xf32, #tpu.memory_space<vmem>>, vector<16xf32>,
        %max3A_118 = arith.maximumf %get3A_114, %get3A_117 : vector<16xf32>
        %swap3A_119 = arith.index_cast %squeeze3A_72 : i32 to index
        %swap3A_120 = arith.constant 64 : index
        %swap3A_121 = tpu.vector_load %arg6[%swap3A_119, %swap3A_120] {strides = array<i32>} : memref<336x128xf32, #tpu.memory_space<vmem>>, vector<16xf32>,
        tpu.vector_store %arg6[%swap3A_119, %swap3A_120], %max3A_118 {strides = array<i32>} : memref<336x128xf32, #tpu.memory_space<vmem>>, vector<16xf32>,
        %get3A_122 = arith.index_cast %squeeze3A_72 : i32 to index
        %get3A_123 = arith.constant 80 : index
        %get3A_124 = tpu.vector_load %arg6[%get3A_122, %get3A_123] {strides = array<i32>} : memref<336x128xf32, #tpu.memory_space<vmem>>, vector<16xf32>,
        %get3A_125 = arith.index_cast %scan3A_65 : i32 to index
        %get3A_126 = arith.constant 80 : index
        %get3A_127 = tpu.vector_load %arg9[%get3A_125, %get3A_126] {strides = array<i32>} : memref<32x128xf32, #tpu.memory_space<vmem>>, vector<16xf32>,
        %max3A_128 = arith.maximumf %get3A_124, %get3A_127 : vector<16xf32>
        %swap3A_129 = arith.index_cast %squeeze3A_72 : i32 to index
        %swap3A_130 = arith.constant 80 : index
        %swap3A_131 = tpu.vector_load %arg6[%swap3A_129, %swap3A_130] {strides = array<i32>} : memref<336x128xf32, #tpu.memory_space<vmem>>, vector<16xf32>,
        tpu.vector_store %arg6[%swap3A_129, %swap3A_130], %max3A_128 {strides = array<i32>} : memref<336x128xf32, #tpu.memory_space<vmem>>, vector<16xf32>,
        %get3A_132 = arith.index_cast %squeeze3A_72 : i32 to index
        %get3A_133 = arith.constant 96 : index
        %get3A_134 = tpu.vector_load %arg6[%get3A_132, %get3A_133] {strides = array<i32>} : memref<336x128xf32, #tpu.memory_space<vmem>>, vector<16xf32>,
        %get3A_135 = arith.index_cast %scan3A_65 : i32 to index
        %get3A_136 = arith.constant 96 : index
        %get3A_137 = tpu.vector_load %arg9[%get3A_135, %get3A_136] {strides = array<i32>} : memref<32x128xf32, #tpu.memory_space<vmem>>, vector<16xf32>,
        %max3A_138 = arith.maximumf %get3A_134, %get3A_137 : vector<16xf32>
        %swap3A_139 = arith.index_cast %squeeze3A_72 : i32 to index
        %swap3A_140 = arith.constant 96 : index
        %swap3A_141 = tpu.vector_load %arg6[%swap3A_139, %swap3A_140] {strides = array<i32>} : memref<336x128xf32, #tpu.memory_space<vmem>>, vector<16xf32>,
        tpu.vector_store %arg6[%swap3A_139, %swap3A_140], %max3A_138 {strides = array<i32>} : memref<336x128xf32, #tpu.memory_space<vmem>>, vector<16xf32>,
        %get3A_142 = arith.index_cast %squeeze3A_72 : i32 to index
        %get3A_143 = arith.constant 112 : index
        %get3A_144 = tpu.vector_load %arg6[%get3A_142, %get3A_143] {strides = array<i32>} : memref<336x128xf32, #tpu.memory_space<vmem>>, vector<16xf32>,
        %get3A_145 = arith.index_cast %scan3A_65 : i32 to index
        %get3A_146 = arith.constant 112 : index
        %get3A_147 = tpu.vector_load %arg9[%get3A_145, %get3A_146] {strides = array<i32>} : memref<32x128xf32, #tpu.memory_space<vmem>>, vector<16xf32>,
        %max3A_148 = arith.maximumf %get3A_144, %get3A_147 : vector<16xf32>
        %swap3A_149 = arith.index_cast %squeeze3A_72 : i32 to index
        %swap3A_150 = arith.constant 112 : index
        %swap3A_151 = tpu.vector_load %arg6[%swap3A_149, %swap3A_150] {strides = array<i32>} : memref<336x128xf32, #tpu.memory_space<vmem>>, vector<16xf32>,
        tpu.vector_store %arg6[%swap3A_149, %swap3A_150], %max3A_148 {strides = array<i32>} : memref<336x128xf32, #tpu.memory_space<vmem>>, vector<16xf32>,
        %scan3A_152 = arith.constant 0 : i32
        scf.yield %scan3A_152 : i32
      }
      %scan3A_63 = arith.constant 32 : i32
      %while3A_64 = arith.constant 0 : i32
      scf.yield %while3A_64 : i32
    }
    %while3A_26 = arith.constant 1 : i32
    %while3A_27 = scf.for %while3A_35 = %while3A_23 to %while3A_19 step %while3A_26 iter_args(%while3A_36 = %while3A_25) -> (i32)  : i32 {
      %mul3A_37 = arith.constant 32 : i32
      %mul3A_38 = arith.muli %while3A_35, %mul3A_37 : i32
      %add3A_39 = arith.addi %multiple_of3A_5, %mul3A_38 : i32
      %multiple_of3A_40 = tpu.assume_multiple %add3A_39, 32 : i32
      "tpu.region"() ({
        %run_scoped3A = tpu.sem_alloc : memref<!tpu.dma_semaphore, #tpu.memory_space<semaphore_mem>>
        %dma_start3A_65 = arith.constant 0 : i32
        %dma_start3A_66 = tpu.memref_slice %arg7[%dma_start3A_65] : memref<48xi32, #tpu.memory_space<vmem>> -> memref<32xi32, #tpu.memory_space<vmem>>
        %dma_start3A_67 = tpu.memref_slice %arg3[%multiple_of3A_40] : memref<10764288xi32, #tpu.memory_space<hbm>> -> memref<32xi32, #tpu.memory_space<hbm>>
        %dma_start3A_68 = arith.constant 0 : i32
        %dma_start3A_69 = tpu.memref_slice %arg7[%dma_start3A_68] : memref<48xi32, #tpu.memory_space<vmem>> -> memref<32xi32, #tpu.memory_space<vmem>>
        %dma_start3A_70 = tpu.memref_slice %arg3[%multiple_of3A_40] : memref<10764288xi32, #tpu.memory_space<hbm>> -> memref<32xi32, #tpu.memory_space<hbm>>
        tpu.enqueue_dma source(%dma_start3A_70 : memref<32xi32, #tpu.memory_space<hbm>>) target(%dma_start3A_69 : memref<32xi32, #tpu.memory_space<vmem>>) target_semaphore(%run_scoped3A : memref<!tpu.dma_semaphore, #tpu.memory_space<semaphore_mem>>)
        %dma_wait3A_71 = arith.constant 0 : i32
        %dma_wait3A_72 = tpu.memref_slice %arg7[%dma_wait3A_71] : memref<48xi32, #tpu.memory_space<vmem>> -> memref<32xi32, #tpu.memory_space<vmem>>
        %dma_wait3A_73 = tpu.memref_slice %arg3[%multiple_of3A_40] : memref<10764288xi32, #tpu.memory_space<hbm>> -> memref<32xi32, #tpu.memory_space<hbm>>
        %dma_wait3A_74 = arith.constant 0 : i32
        %dma_wait3A_75 = tpu.memref_slice %arg7[%dma_wait3A_74] : memref<48xi32, #tpu.memory_space<vmem>> -> memref<32xi32, #tpu.memory_space<vmem>>
        %dma_wait3A_76 = tpu.memref_slice %arg3[%multiple_of3A_40] : memref<10764288xi32, #tpu.memory_space<hbm>> -> memref<32xi32, #tpu.memory_space<hbm>>
        tpu.wait_dma2 semaphore(%run_scoped3A : memref<!tpu.dma_semaphore, #tpu.memory_space<semaphore_mem>>) src(%dma_wait3A_76 : memref<32xi32, #tpu.memory_space<hbm>>) dst(%dma_wait3A_75 : memref<32xi32, #tpu.memory_space<vmem>>)
        tpu.yield
      }) : () -> ()
      %get3A_41 = arith.constant 0 : index
      %get3A_42 = tpu.vector_load %arg7[%get3A_41] {strides = array<i32>} : memref<48xi32, #tpu.memory_space<vmem>>, vector<16xi32>,
      %shift_right_logical3A = arith.constant 9 : i32
      %shift_right_logical3A_43 = vector.broadcast %shift_right_logical3A : i32 to vector<16xi32>
      %shift_right_logical3A_44 = arith.shrui %get3A_42, %shift_right_logical3A_43 : vector<16xi32>
      %swap3A = arith.constant 0 : index
      %swap3A_45 = tpu.vector_load %arg8[%swap3A] {strides = array<i32>} : memref<32xi32, #tpu.memory_space<vmem>>, vector<16xi32>,
      tpu.vector_store %arg8[%swap3A], %shift_right_logical3A_44 {strides = array<i32>} : memref<32xi32, #tpu.memory_space<vmem>>, vector<16xi32>,
      %get3A_46 = arith.constant 16 : index
      %get3A_47 = tpu.vector_load %arg7[%get3A_46] {strides = array<i32>} : memref<48xi32, #tpu.memory_space<vmem>>, vector<16xi32>,
      %shift_right_logical3A_48 = arith.constant 9 : i32
      %shift_right_logical3A_49 = vector.broadcast %shift_right_logical3A_48 : i32 to vector<16xi32>
      %shift_right_logical3A_50 = arith.shrui %get3A_47, %shift_right_logical3A_49 : vector<16xi32>
      %swap3A_51 = arith.constant 16 : index
      %swap3A_52 = tpu.vector_load %arg8[%swap3A_51] {strides = array<i32>} : memref<32xi32, #tpu.memory_space<vmem>>, vector<16xi32>,
      tpu.vector_store %arg8[%swap3A_51], %shift_right_logical3A_50 {strides = array<i32>} : memref<32xi32, #tpu.memory_space<vmem>>, vector<16xi32>,
      %dma_start3A = arith.constant 0 : i32
      %dma_start3A_53 = arith.constant 0 : i32
      %dma_start3A_54 = tpu.memref_slice %arg2[%dma_start3A, %dma_start3A_53] : memref<10240x128xf32, #tpu.memory_space<hbm>> -> memref<10240x128xf32, #tpu.memory_space<hbm>>
      tpu.enqueue_indirect_dma source(%dma_start3A_54 : memref<10240x128xf32, #tpu.memory_space<hbm>>) target(%arg9 : memref<32x128xf32, #tpu.memory_space<vmem>>) offsets(%arg8 : memref<32xi32, #tpu.memory_space<vmem>>) semaphore(%arg11 : memref<!tpu.dma_semaphore, #tpu.memory_space<semaphore_mem>>)
      %dma_wait3A = arith.constant 0 : i32
      %dma_wait3A_55 = arith.constant 0 : i32
      %dma_wait3A_56 = tpu.memref_slice %arg2[%dma_wait3A, %dma_wait3A_55] : memref<10240x128xf32, #tpu.memory_space<hbm>> -> memref<10240x128xf32, #tpu.memory_space<hbm>>
      tpu.wait_indirect_dma semaphore(%arg11 : memref<!tpu.dma_semaphore, #tpu.memory_space<semaphore_mem>>) src(%dma_wait3A_56 : memref<10240x128xf32, #tpu.memory_space<hbm>>) dst(%arg9 : memref<32x128xf32, #tpu.memory_space<vmem>>)
      %scan3A_57 = arith.constant 0 : i32
      %scan3A_58 = arith.constant 0 : i32
      %scan3A_59 = arith.constant 32 : i32
      %scan3A_60 = arith.addi %scan3A_58, %scan3A_59 : i32
      %scan3A_61 = arith.constant 1 : i32
      %scan3A_62 = scf.for %scan3A_65 = %scan3A_58 to %scan3A_60 step %scan3A_61 iter_args(%scan3A_66 = %scan3A_57) -> (i32)  : i32 {
        %get3A_67 = arith.index_cast %scan3A_65 : i32 to index
        %get3A_68 = tpu.vector_load %arg7[%get3A_67] {strides = array<i32>} : memref<48xi32, #tpu.memory_space<vmem>>, vector<16xi32>,
        %and3A = arith.constant 511 : i32
        %and3A_69 = vector.broadcast %and3A : i32 to vector<16xi32>
        %and3A_70 = arith.andi %get3A_68, %and3A_69 : vector<16xi32>
        %slice3A_71 = vector.extract_strided_slice %and3A_70 {offsets = [0], sizes = [1], strides = [1]} : vector<16xi32> to vector<1xi32>
        %squeeze3A_72 = vector.extract %slice3A_71[0] : i32 from vector<1xi32>
        %get3A_73 = arith.index_cast %squeeze3A_72 : i32 to index
        %get3A_74 = arith.constant 0 : index
        %get3A_75 = tpu.vector_load %arg6[%get3A_73, %get3A_74] {strides = array<i32>} : memref<336x128xf32, #tpu.memory_space<vmem>>, vector<16xf32>,
        %get3A_76 = arith.index_cast %scan3A_65 : i32 to index
        %get3A_77 = arith.constant 0 : index
        %get3A_78 = tpu.vector_load %arg9[%get3A_76, %get3A_77] {strides = array<i32>} : memref<32x128xf32, #tpu.memory_space<vmem>>, vector<16xf32>,
        %max3A = arith.maximumf %get3A_75, %get3A_78 : vector<16xf32>
        %swap3A_79 = arith.index_cast %squeeze3A_72 : i32 to index
        %swap3A_80 = arith.constant 0 : index
        %swap3A_81 = tpu.vector_load %arg6[%swap3A_79, %swap3A_80] {strides = array<i32>} : memref<336x128xf32, #tpu.memory_space<vmem>>, vector<16xf32>,
        tpu.vector_store %arg6[%swap3A_79, %swap3A_80], %max3A {strides = array<i32>} : memref<336x128xf32, #tpu.memory_space<vmem>>, vector<16xf32>,
        %get3A_82 = arith.index_cast %squeeze3A_72 : i32 to index
        %get3A_83 = arith.constant 16 : index
        %get3A_84 = tpu.vector_load %arg6[%get3A_82, %get3A_83] {strides = array<i32>} : memref<336x128xf32, #tpu.memory_space<vmem>>, vector<16xf32>,
        %get3A_85 = arith.index_cast %scan3A_65 : i32 to index
        %get3A_86 = arith.constant 16 : index
        %get3A_87 = tpu.vector_load %arg9[%get3A_85, %get3A_86] {strides = array<i32>} : memref<32x128xf32, #tpu.memory_space<vmem>>, vector<16xf32>,
        %max3A_88 = arith.maximumf %get3A_84, %get3A_87 : vector<16xf32>
        %swap3A_89 = arith.index_cast %squeeze3A_72 : i32 to index
        %swap3A_90 = arith.constant 16 : index
        %swap3A_91 = tpu.vector_load %arg6[%swap3A_89, %swap3A_90] {strides = array<i32>} : memref<336x128xf32, #tpu.memory_space<vmem>>, vector<16xf32>,
        tpu.vector_store %arg6[%swap3A_89, %swap3A_90], %max3A_88 {strides = array<i32>} : memref<336x128xf32, #tpu.memory_space<vmem>>, vector<16xf32>,
        %get3A_92 = arith.index_cast %squeeze3A_72 : i32 to index
        %get3A_93 = arith.constant 32 : index
        %get3A_94 = tpu.vector_load %arg6[%get3A_92, %get3A_93] {strides = array<i32>} : memref<336x128xf32, #tpu.memory_space<vmem>>, vector<16xf32>,
        %get3A_95 = arith.index_cast %scan3A_65 : i32 to index
        %get3A_96 = arith.constant 32 : index
        %get3A_97 = tpu.vector_load %arg9[%get3A_95, %get3A_96] {strides = array<i32>} : memref<32x128xf32, #tpu.memory_space<vmem>>, vector<16xf32>,
        %max3A_98 = arith.maximumf %get3A_94, %get3A_97 : vector<16xf32>
        %swap3A_99 = arith.index_cast %squeeze3A_72 : i32 to index
        %swap3A_100 = arith.constant 32 : index
        %swap3A_101 = tpu.vector_load %arg6[%swap3A_99, %swap3A_100] {strides = array<i32>} : memref<336x128xf32, #tpu.memory_space<vmem>>, vector<16xf32>,
        tpu.vector_store %arg6[%swap3A_99, %swap3A_100], %max3A_98 {strides = array<i32>} : memref<336x128xf32, #tpu.memory_space<vmem>>, vector<16xf32>,
        %get3A_102 = arith.index_cast %squeeze3A_72 : i32 to index
        %get3A_103 = arith.constant 48 : index
        %get3A_104 = tpu.vector_load %arg6[%get3A_102, %get3A_103] {strides = array<i32>} : memref<336x128xf32, #tpu.memory_space<vmem>>, vector<16xf32>,
        %get3A_105 = arith.index_cast %scan3A_65 : i32 to index
        %get3A_106 = arith.constant 48 : index
        %get3A_107 = tpu.vector_load %arg9[%get3A_105, %get3A_106] {strides = array<i32>} : memref<32x128xf32, #tpu.memory_space<vmem>>, vector<16xf32>,
        %max3A_108 = arith.maximumf %get3A_104, %get3A_107 : vector<16xf32>
        %swap3A_109 = arith.index_cast %squeeze3A_72 : i32 to index
        %swap3A_110 = arith.constant 48 : index
        %swap3A_111 = tpu.vector_load %arg6[%swap3A_109, %swap3A_110] {strides = array<i32>} : memref<336x128xf32, #tpu.memory_space<vmem>>, vector<16xf32>,
        tpu.vector_store %arg6[%swap3A_109, %swap3A_110], %max3A_108 {strides = array<i32>} : memref<336x128xf32, #tpu.memory_space<vmem>>, vector<16xf32>,
        %get3A_112 = arith.index_cast %squeeze3A_72 : i32 to index
        %get3A_113 = arith.constant 64 : index
        %get3A_114 = tpu.vector_load %arg6[%get3A_112, %get3A_113] {strides = array<i32>} : memref<336x128xf32, #tpu.memory_space<vmem>>, vector<16xf32>,
        %get3A_115 = arith.index_cast %scan3A_65 : i32 to index
        %get3A_116 = arith.constant 64 : index
        %get3A_117 = tpu.vector_load %arg9[%get3A_115, %get3A_116] {strides = array<i32>} : memref<32x128xf32, #tpu.memory_space<vmem>>, vector<16xf32>,
        %max3A_118 = arith.maximumf %get3A_114, %get3A_117 : vector<16xf32>
        %swap3A_119 = arith.index_cast %squeeze3A_72 : i32 to index
        %swap3A_120 = arith.constant 64 : index
        %swap3A_121 = tpu.vector_load %arg6[%swap3A_119, %swap3A_120] {strides = array<i32>} : memref<336x128xf32, #tpu.memory_space<vmem>>, vector<16xf32>,
        tpu.vector_store %arg6[%swap3A_119, %swap3A_120], %max3A_118 {strides = array<i32>} : memref<336x128xf32, #tpu.memory_space<vmem>>, vector<16xf32>,
        %get3A_122 = arith.index_cast %squeeze3A_72 : i32 to index
        %get3A_123 = arith.constant 80 : index
        %get3A_124 = tpu.vector_load %arg6[%get3A_122, %get3A_123] {strides = array<i32>} : memref<336x128xf32, #tpu.memory_space<vmem>>, vector<16xf32>,
        %get3A_125 = arith.index_cast %scan3A_65 : i32 to index
        %get3A_126 = arith.constant 80 : index
        %get3A_127 = tpu.vector_load %arg9[%get3A_125, %get3A_126] {strides = array<i32>} : memref<32x128xf32, #tpu.memory_space<vmem>>, vector<16xf32>,
        %max3A_128 = arith.maximumf %get3A_124, %get3A_127 : vector<16xf32>
        %swap3A_129 = arith.index_cast %squeeze3A_72 : i32 to index
        %swap3A_130 = arith.constant 80 : index
        %swap3A_131 = tpu.vector_load %arg6[%swap3A_129, %swap3A_130] {strides = array<i32>} : memref<336x128xf32, #tpu.memory_space<vmem>>, vector<16xf32>,
        tpu.vector_store %arg6[%swap3A_129, %swap3A_130], %max3A_128 {strides = array<i32>} : memref<336x128xf32, #tpu.memory_space<vmem>>, vector<16xf32>,
        %get3A_132 = arith.index_cast %squeeze3A_72 : i32 to index
        %get3A_133 = arith.constant 96 : index
        %get3A_134 = tpu.vector_load %arg6[%get3A_132, %get3A_133] {strides = array<i32>} : memref<336x128xf32, #tpu.memory_space<vmem>>, vector<16xf32>,
        %get3A_135 = arith.index_cast %scan3A_65 : i32 to index
        %get3A_136 = arith.constant 96 : index
        %get3A_137 = tpu.vector_load %arg9[%get3A_135, %get3A_136] {strides = array<i32>} : memref<32x128xf32, #tpu.memory_space<vmem>>, vector<16xf32>,
        %max3A_138 = arith.maximumf %get3A_134, %get3A_137 : vector<16xf32>
        %swap3A_139 = arith.index_cast %squeeze3A_72 : i32 to index
        %swap3A_140 = arith.constant 96 : index
        %swap3A_141 = tpu.vector_load %arg6[%swap3A_139, %swap3A_140] {strides = array<i32>} : memref<336x128xf32, #tpu.memory_space<vmem>>, vector<16xf32>,
        tpu.vector_store %arg6[%swap3A_139, %swap3A_140], %max3A_138 {strides = array<i32>} : memref<336x128xf32, #tpu.memory_space<vmem>>, vector<16xf32>,
        %get3A_142 = arith.index_cast %squeeze3A_72 : i32 to index
        %get3A_143 = arith.constant 112 : index
        %get3A_144 = tpu.vector_load %arg6[%get3A_142, %get3A_143] {strides = array<i32>} : memref<336x128xf32, #tpu.memory_space<vmem>>, vector<16xf32>,
        %get3A_145 = arith.index_cast %scan3A_65 : i32 to index
        %get3A_146 = arith.constant 112 : index
        %get3A_147 = tpu.vector_load %arg9[%get3A_145, %get3A_146] {strides = array<i32>} : memref<32x128xf32, #tpu.memory_space<vmem>>, vector<16xf32>,
        %max3A_148 = arith.maximumf %get3A_144, %get3A_147 : vector<16xf32>
        %swap3A_149 = arith.index_cast %squeeze3A_72 : i32 to index
        %swap3A_150 = arith.constant 112 : index
        %swap3A_151 = tpu.vector_load %arg6[%swap3A_149, %swap3A_150] {strides = array<i32>} : memref<336x128xf32, #tpu.memory_space<vmem>>, vector<16xf32>,
        tpu.vector_store %arg6[%swap3A_149, %swap3A_150], %max3A_148 {strides = array<i32>} : memref<336x128xf32, #tpu.memory_space<vmem>>, vector<16xf32>,
        %scan3A_152 = arith.constant 0 : i32
        scf.yield %scan3A_152 : i32
      }
      %scan3A_63 = arith.constant 32 : i32
      %while3A_64 = arith.constant 0 : i32
      scf.yield %while3A_64 : i32
    }
    %scan3A_28 = arith.constant 0 : i32
    %scan3A_29 = arith.constant 0 : i32
    %scan3A_30 = arith.constant 320 : i32
    %scan3A_31 = arith.addi %scan3A_29, %scan3A_30 : i32
    %scan3A_32 = arith.constant 1 : i32
    %scan3A_33 = scf.for %scan3A_35 = %scan3A_29 to %scan3A_31 step %scan3A_32 iter_args(%scan3A_36 = %scan3A_28) -> (i32)  : i32 {
      %get3A_37 = arith.index_cast %scan3A_35 : i32 to index
      %get3A_38 = arith.constant 0 : index
      %get3A_39 = tpu.vector_load %arg6[%get3A_37, %get3A_38] {strides = array<i32>} : memref<336x128xf32, #tpu.memory_space<vmem>>, vector<16xf32>,
      %gt3A = arith.constant -9.99999993E+36 : f32
      %gt3A_40 = vector.broadcast %gt3A : f32 to vector<16xf32>
      %gt3A_41 = arith.cmpf ogt, %get3A_39, %gt3A_40 : vector<16xf32>
      %jit3A = arith.constant 0.000000e+00 : f32
      %broadcast_in_dim3A_42 = vector.broadcast %jit3A : f32 to vector<16xf32>
      %select_n3A = arith.select %gt3A_41, %get3A_39, %broadcast_in_dim3A_42 : vector<16xi1>, vector<16xf32>
      %swap3A = arith.index_cast %scan3A_35 : i32 to index
      %swap3A_43 = arith.constant 0 : index
      %swap3A_44 = tpu.vector_load %arg6[%swap3A, %swap3A_43] {strides = array<i32>} : memref<336x128xf32, #tpu.memory_space<vmem>>, vector<16xf32>,
      tpu.vector_store %arg6[%swap3A, %swap3A_43], %select_n3A {strides = array<i32>} : memref<336x128xf32, #tpu.memory_space<vmem>>, vector<16xf32>,
      %get3A_45 = arith.index_cast %scan3A_35 : i32 to index
      %get3A_46 = arith.constant 16 : index
      %get3A_47 = tpu.vector_load %arg6[%get3A_45, %get3A_46] {strides = array<i32>} : memref<336x128xf32, #tpu.memory_space<vmem>>, vector<16xf32>,
      %gt3A_48 = arith.constant -9.99999993E+36 : f32
      %gt3A_49 = vector.broadcast %gt3A_48 : f32 to vector<16xf32>
      %gt3A_50 = arith.cmpf ogt, %get3A_47, %gt3A_49 : vector<16xf32>
      %jit3A_51 = arith.constant 0.000000e+00 : f32
      %broadcast_in_dim3A_52 = vector.broadcast %jit3A_51 : f32 to vector<16xf32>
      %select_n3A_53 = arith.select %gt3A_50, %get3A_47, %broadcast_in_dim3A_52 : vector<16xi1>, vector<16xf32>
      %swap3A_54 = arith.index_cast %scan3A_35 : i32 to index
      %swap3A_55 = arith.constant 16 : index
      %swap3A_56 = tpu.vector_load %arg6[%swap3A_54, %swap3A_55] {strides = array<i32>} : memref<336x128xf32, #tpu.memory_space<vmem>>, vector<16xf32>,
      tpu.vector_store %arg6[%swap3A_54, %swap3A_55], %select_n3A_53 {strides = array<i32>} : memref<336x128xf32, #tpu.memory_space<vmem>>, vector<16xf32>,
      %get3A_57 = arith.index_cast %scan3A_35 : i32 to index
      %get3A_58 = arith.constant 32 : index
      %get3A_59 = tpu.vector_load %arg6[%get3A_57, %get3A_58] {strides = array<i32>} : memref<336x128xf32, #tpu.memory_space<vmem>>, vector<16xf32>,
      %gt3A_60 = arith.constant -9.99999993E+36 : f32
      %gt3A_61 = vector.broadcast %gt3A_60 : f32 to vector<16xf32>
      %gt3A_62 = arith.cmpf ogt, %get3A_59, %gt3A_61 : vector<16xf32>
      %jit3A_63 = arith.constant 0.000000e+00 : f32
      %broadcast_in_dim3A_64 = vector.broadcast %jit3A_63 : f32 to vector<16xf32>
      %select_n3A_65 = arith.select %gt3A_62, %get3A_59, %broadcast_in_dim3A_64 : vector<16xi1>, vector<16xf32>
      %swap3A_66 = arith.index_cast %scan3A_35 : i32 to index
      %swap3A_67 = arith.constant 32 : index
      %swap3A_68 = tpu.vector_load %arg6[%swap3A_66, %swap3A_67] {strides = array<i32>} : memref<336x128xf32, #tpu.memory_space<vmem>>, vector<16xf32>,
      tpu.vector_store %arg6[%swap3A_66, %swap3A_67], %select_n3A_65 {strides = array<i32>} : memref<336x128xf32, #tpu.memory_space<vmem>>, vector<16xf32>,
      %get3A_69 = arith.index_cast %scan3A_35 : i32 to index
      %get3A_70 = arith.constant 48 : index
      %get3A_71 = tpu.vector_load %arg6[%get3A_69, %get3A_70] {strides = array<i32>} : memref<336x128xf32, #tpu.memory_space<vmem>>, vector<16xf32>,
      %gt3A_72 = arith.constant -9.99999993E+36 : f32
      %gt3A_73 = vector.broadcast %gt3A_72 : f32 to vector<16xf32>
      %gt3A_74 = arith.cmpf ogt, %get3A_71, %gt3A_73 : vector<16xf32>
      %jit3A_75 = arith.constant 0.000000e+00 : f32
      %broadcast_in_dim3A_76 = vector.broadcast %jit3A_75 : f32 to vector<16xf32>
      %select_n3A_77 = arith.select %gt3A_74, %get3A_71, %broadcast_in_dim3A_76 : vector<16xi1>, vector<16xf32>
      %swap3A_78 = arith.index_cast %scan3A_35 : i32 to index
      %swap3A_79 = arith.constant 48 : index
      %swap3A_80 = tpu.vector_load %arg6[%swap3A_78, %swap3A_79] {strides = array<i32>} : memref<336x128xf32, #tpu.memory_space<vmem>>, vector<16xf32>,
      tpu.vector_store %arg6[%swap3A_78, %swap3A_79], %select_n3A_77 {strides = array<i32>} : memref<336x128xf32, #tpu.memory_space<vmem>>, vector<16xf32>,
      %get3A_81 = arith.index_cast %scan3A_35 : i32 to index
      %get3A_82 = arith.constant 64 : index
      %get3A_83 = tpu.vector_load %arg6[%get3A_81, %get3A_82] {strides = array<i32>} : memref<336x128xf32, #tpu.memory_space<vmem>>, vector<16xf32>,
      %gt3A_84 = arith.constant -9.99999993E+36 : f32
      %gt3A_85 = vector.broadcast %gt3A_84 : f32 to vector<16xf32>
      %gt3A_86 = arith.cmpf ogt, %get3A_83, %gt3A_85 : vector<16xf32>
      %jit3A_87 = arith.constant 0.000000e+00 : f32
      %broadcast_in_dim3A_88 = vector.broadcast %jit3A_87 : f32 to vector<16xf32>
      %select_n3A_89 = arith.select %gt3A_86, %get3A_83, %broadcast_in_dim3A_88 : vector<16xi1>, vector<16xf32>
      %swap3A_90 = arith.index_cast %scan3A_35 : i32 to index
      %swap3A_91 = arith.constant 64 : index
      %swap3A_92 = tpu.vector_load %arg6[%swap3A_90, %swap3A_91] {strides = array<i32>} : memref<336x128xf32, #tpu.memory_space<vmem>>, vector<16xf32>,
      tpu.vector_store %arg6[%swap3A_90, %swap3A_91], %select_n3A_89 {strides = array<i32>} : memref<336x128xf32, #tpu.memory_space<vmem>>, vector<16xf32>,
      %get3A_93 = arith.index_cast %scan3A_35 : i32 to index
      %get3A_94 = arith.constant 80 : index
      %get3A_95 = tpu.vector_load %arg6[%get3A_93, %get3A_94] {strides = array<i32>} : memref<336x128xf32, #tpu.memory_space<vmem>>, vector<16xf32>,
      %gt3A_96 = arith.constant -9.99999993E+36 : f32
      %gt3A_97 = vector.broadcast %gt3A_96 : f32 to vector<16xf32>
      %gt3A_98 = arith.cmpf ogt, %get3A_95, %gt3A_97 : vector<16xf32>
      %jit3A_99 = arith.constant 0.000000e+00 : f32
      %broadcast_in_dim3A_100 = vector.broadcast %jit3A_99 : f32 to vector<16xf32>
      %select_n3A_101 = arith.select %gt3A_98, %get3A_95, %broadcast_in_dim3A_100 : vector<16xi1>, vector<16xf32>
      %swap3A_102 = arith.index_cast %scan3A_35 : i32 to index
      %swap3A_103 = arith.constant 80 : index
      %swap3A_104 = tpu.vector_load %arg6[%swap3A_102, %swap3A_103] {strides = array<i32>} : memref<336x128xf32, #tpu.memory_space<vmem>>, vector<16xf32>,
      tpu.vector_store %arg6[%swap3A_102, %swap3A_103], %select_n3A_101 {strides = array<i32>} : memref<336x128xf32, #tpu.memory_space<vmem>>, vector<16xf32>,
      %get3A_105 = arith.index_cast %scan3A_35 : i32 to index
      %get3A_106 = arith.constant 96 : index
      %get3A_107 = tpu.vector_load %arg6[%get3A_105, %get3A_106] {strides = array<i32>} : memref<336x128xf32, #tpu.memory_space<vmem>>, vector<16xf32>,
      %gt3A_108 = arith.constant -9.99999993E+36 : f32
      %gt3A_109 = vector.broadcast %gt3A_108 : f32 to vector<16xf32>
      %gt3A_110 = arith.cmpf ogt, %get3A_107, %gt3A_109 : vector<16xf32>
      %jit3A_111 = arith.constant 0.000000e+00 : f32
      %broadcast_in_dim3A_112 = vector.broadcast %jit3A_111 : f32 to vector<16xf32>
      %select_n3A_113 = arith.select %gt3A_110, %get3A_107, %broadcast_in_dim3A_112 : vector<16xi1>, vector<16xf32>
      %swap3A_114 = arith.index_cast %scan3A_35 : i32 to index
      %swap3A_115 = arith.constant 96 : index
      %swap3A_116 = tpu.vector_load %arg6[%swap3A_114, %swap3A_115] {strides = array<i32>} : memref<336x128xf32, #tpu.memory_space<vmem>>, vector<16xf32>,
      tpu.vector_store %arg6[%swap3A_114, %swap3A_115], %select_n3A_113 {strides = array<i32>} : memref<336x128xf32, #tpu.memory_space<vmem>>, vector<16xf32>,
      %get3A_117 = arith.index_cast %scan3A_35 : i32 to index
      %get3A_118 = arith.constant 112 : index
      %get3A_119 = tpu.vector_load %arg6[%get3A_117, %get3A_118] {strides = array<i32>} : memref<336x128xf32, #tpu.memory_space<vmem>>, vector<16xf32>,
      %gt3A_120 = arith.constant -9.99999993E+36 : f32
      %gt3A_121 = vector.broadcast %gt3A_120 : f32 to vector<16xf32>
      %gt3A_122 = arith.cmpf ogt, %get3A_119, %gt3A_121 : vector<16xf32>
      %jit3A_123 = arith.constant 0.000000e+00 : f32
      %broadcast_in_dim3A_124 = vector.broadcast %jit3A_123 : f32 to vector<16xf32>
      %select_n3A_125 = arith.select %gt3A_122, %get3A_119, %broadcast_in_dim3A_124 : vector<16xi1>, vector<16xf32>
      %swap3A_126 = arith.index_cast %scan3A_35 : i32 to index
      %swap3A_127 = arith.constant 112 : index
      %swap3A_128 = tpu.vector_load %arg6[%swap3A_126, %swap3A_127] {strides = array<i32>} : memref<336x128xf32, #tpu.memory_space<vmem>>, vector<16xf32>,
      tpu.vector_store %arg6[%swap3A_126, %swap3A_127], %select_n3A_125 {strides = array<i32>} : memref<336x128xf32, #tpu.memory_space<vmem>>, vector<16xf32>,
      %scan3A_129 = arith.constant 0 : i32
      scf.yield %scan3A_129 : i32
    }
    %scan3A_34 = arith.constant 320 : i32
    "tpu.region"() ({
      %run_scoped3A = tpu.sem_alloc : memref<!tpu.dma_semaphore, #tpu.memory_space<semaphore_mem>>
      %dma_start3A = arith.constant 0 : i32
      %dma_start3A_35 = arith.constant 0 : i32
      %dma_start3A_36 = tpu.memref_slice %arg6[%dma_start3A, %dma_start3A_35] : memref<336x128xf32, #tpu.memory_space<vmem>> -> memref<320x128xf32, #tpu.memory_space<vmem>>
      %dma_start3A_37 = arith.constant 0 : i32
      %dma_start3A_38 = tpu.memref_slice %arg5[%multiple_of3A, %dma_start3A_37] : memref<10240x128xf32, #tpu.memory_space<hbm>> -> memref<320x128xf32, #tpu.memory_space<hbm>>
      %dma_start3A_39 = arith.constant 0 : i32
      %dma_start3A_40 = tpu.memref_slice %arg5[%multiple_of3A, %dma_start3A_39] : memref<10240x128xf32, #tpu.memory_space<hbm>> -> memref<320x128xf32, #tpu.memory_space<hbm>>
      %dma_start3A_41 = arith.constant 0 : i32
      %dma_start3A_42 = arith.constant 0 : i32
      %dma_start3A_43 = tpu.memref_slice %arg6[%dma_start3A_41, %dma_start3A_42] : memref<336x128xf32, #tpu.memory_space<vmem>> -> memref<320x128xf32, #tpu.memory_space<vmem>>
      tpu.enqueue_dma source(%dma_start3A_43 : memref<320x128xf32, #tpu.memory_space<vmem>>) target(%dma_start3A_40 : memref<320x128xf32, #tpu.memory_space<hbm>>) target_semaphore(%run_scoped3A : memref<!tpu.dma_semaphore, #tpu.memory_space<semaphore_mem>>)
      %dma_wait3A = arith.constant 0 : i32
      %dma_wait3A_44 = arith.constant 0 : i32
      %dma_wait3A_45 = tpu.memref_slice %arg6[%dma_wait3A, %dma_wait3A_44] : memref<336x128xf32, #tpu.memory_space<vmem>> -> memref<320x128xf32, #tpu.memory_space<vmem>>
      %dma_wait3A_46 = arith.constant 0 : i32
      %dma_wait3A_47 = tpu.memref_slice %arg5[%multiple_of3A, %dma_wait3A_46] : memref<10240x128xf32, #tpu.memory_space<hbm>> -> memref<320x128xf32, #tpu.memory_space<hbm>>
      %dma_wait3A_48 = arith.constant 0 : i32
      %dma_wait3A_49 = tpu.memref_slice %arg5[%multiple_of3A, %dma_wait3A_48] : memref<10240x128xf32, #tpu.memory_space<hbm>> -> memref<320x128xf32, #tpu.memory_space<hbm>>
      %dma_wait3A_50 = arith.constant 0 : i32
      %dma_wait3A_51 = arith.constant 0 : i32
      %dma_wait3A_52 = tpu.memref_slice %arg6[%dma_wait3A_50, %dma_wait3A_51] : memref<336x128xf32, #tpu.memory_space<vmem>> -> memref<320x128xf32, #tpu.memory_space<vmem>>
      tpu.wait_dma2 semaphore(%run_scoped3A : memref<!tpu.dma_semaphore, #tpu.memory_space<semaphore_mem>>) src(%dma_wait3A_52 : memref<320x128xf32, #tpu.memory_space<vmem>>) dst(%dma_wait3A_49 : memref<320x128xf32, #tpu.memory_space<hbm>>)
      tpu.yield
    }) : () -> ()
    return
  }
}

#map = affine_map<(d0, d1) -> (0, 0)>
#map1 = affine_map<(d0, d1) -> (0)>
module attributes {stable_mosaic.version = 14 : i64} {
  func.func @_maxagg(%arg0: i32, %arg1: i32, %arg2: memref<10240x128xf32, #tpu.memory_space<hbm>>, %arg3: memref<10764288xi32, #tpu.memory_space<hbm>>, %arg4: memref<512xi32, #tpu.memory_space<hbm>>, %arg5: memref<10240x128xf32, #tpu.memory_space<hbm>>, %arg6: memref<336x128xf32, #tpu.memory_space<vmem>>, %arg7: memref<48xi32, #tpu.memory_space<vmem>>, %arg8: memref<32xi32, #tpu.memory_space<vmem>>, %arg9: memref<32x128xf32, #tpu.memory_space<vmem>>, %arg10: memref<16xi32, #tpu.memory_space<vmem>>, %arg11: memref<!tpu.dma_semaphore, #tpu.memory_space<semaphore_mem>>) attributes {dimension_semantics = [#tpu.dimension_semantics<core_parallel>, #tpu.dimension_semantics<subcore_parallel>], iteration_bounds = array<i64: 2, 16>, scalar_prefetch = 0 : i64, scratch_operands = 6 : i64, tpu.core_type = #tpu.core_type<sc_vector_subcore>, window_params = [{transform_indices = #map}, {transform_indices = #map1}, {transform_indices = #map1}, {transform_indices = #map}]} {
    %mul3A = arith.constant 2 : i32
    %mul3A_0 = arith.muli %arg1, %mul3A : i32
    %add3A = arith.addi %mul3A_0, %arg0 : i32
    %mul3A_1 = arith.constant 320 : i32
    %mul3A_2 = arith.muli %add3A, %mul3A_1 : i32
    %multiple_of3A = tpu.assume_multiple %mul3A_2, 32 : i32
    %mul3A_3 = arith.constant 336384 : i32
    %mul3A_4 = arith.muli %add3A, %mul3A_3 : i32
    %multiple_of3A_5 = tpu.assume_multiple %mul3A_4, 32 : i32
    %broadcast_in_dim3A = arith.constant -3.000000e+38 : f32
    %broadcast_in_dim3A_6 = vector.broadcast %broadcast_in_dim3A : f32 to vector<16xf32>
    %scan3A = arith.constant 0 : i32
    %scan3A_7 = arith.constant 0 : i32
    %scan3A_8 = arith.constant 336 : i32
    %scan3A_9 = arith.addi %scan3A_7, %scan3A_8 : i32
    %scan3A_10 = arith.constant 1 : i32
    %scan3A_11 = scf.for %scan3A_35 = %scan3A_7 to %scan3A_9 step %scan3A_10 iter_args(%scan3A_36 = %scan3A) -> (i32)  : i32 {
      %swap3A = arith.index_cast %scan3A_35 : i32 to index
      %swap3A_37 = arith.constant 0 : index
      %swap3A_38 = tpu.vector_load %arg6[%swap3A, %swap3A_37] {strides = array<i32>} : memref<336x128xf32, #tpu.memory_space<vmem>>, vector<16xf32>,
      tpu.vector_store %arg6[%swap3A, %swap3A_37], %broadcast_in_dim3A_6 {strides = array<i32>} : memref<336x128xf32, #tpu.memory_space<vmem>>, vector<16xf32>,
      %swap3A_39 = arith.index_cast %scan3A_35 : i32 to index
      %swap3A_40 = arith.constant 16 : index
      %swap3A_41 = tpu.vector_load %arg6[%swap3A_39, %swap3A_40] {strides = array<i32>} : memref<336x128xf32, #tpu.memory_space<vmem>>, vector<16xf32>,
      tpu.vector_store %arg6[%swap3A_39, %swap3A_40], %broadcast_in_dim3A_6 {strides = array<i32>} : memref<336x128xf32, #tpu.memory_space<vmem>>, vector<16xf32>,
      %swap3A_42 = arith.index_cast %scan3A_35 : i32 to index
      %swap3A_43 = arith.constant 32 : index
      %swap3A_44 = tpu.vector_load %arg6[%swap3A_42, %swap3A_43] {strides = array<i32>} : memref<336x128xf32, #tpu.memory_space<vmem>>, vector<16xf32>,
      tpu.vector_store %arg6[%swap3A_42, %swap3A_43], %broadcast_in_dim3A_6 {strides = array<i32>} : memref<336x128xf32, #tpu.memory_space<vmem>>, vector<16xf32>,
      %swap3A_45 = arith.index_cast %scan3A_35 : i32 to index
      %swap3A_46 = arith.constant 48 : index
      %swap3A_47 = tpu.vector_load %arg6[%swap3A_45, %swap3A_46] {strides = array<i32>} : memref<336x128xf32, #tpu.memory_space<vmem>>, vector<16xf32>,
      tpu.vector_store %arg6[%swap3A_45, %swap3A_46], %broadcast_in_dim3A_6 {strides = array<i32>} : memref<336x128xf32, #tpu.memory_space<vmem>>, vector<16xf32>,
      %swap3A_48 = arith.index_cast %scan3A_35 : i32 to index
      %swap3A_49 = arith.constant 64 : index
      %swap3A_50 = tpu.vector_load %arg6[%swap3A_48, %swap3A_49] {strides = array<i32>} : memref<336x128xf32, #tpu.memory_space<vmem>>, vector<16xf32>,
      tpu.vector_store %arg6[%swap3A_48, %swap3A_49], %broadcast_in_dim3A_6 {strides = array<i32>} : memref<336x128xf32, #tpu.memory_space<vmem>>, vector<16xf32>,
      %swap3A_51 = arith.index_cast %scan3A_35 : i32 to index
      %swap3A_52 = arith.constant 80 : index
      %swap3A_53 = tpu.vector_load %arg6[%swap3A_51, %swap3A_52] {strides = array<i32>} : memref<336x128xf32, #tpu.memory_space<vmem>>, vector<16xf32>,
      tpu.vector_store %arg6[%swap3A_51, %swap3A_52], %broadcast_in_dim3A_6 {strides = array<i32>} : memref<336x128xf32, #tpu.memory_space<vmem>>, vector<16xf32>,
      %swap3A_54 = arith.index_cast %scan3A_35 : i32 to index
      %swap3A_55 = arith.constant 96 : index
      %swap3A_56 = tpu.vector_load %arg6[%swap3A_54, %swap3A_55] {strides = array<i32>} : memref<336x128xf32, #tpu.memory_space<vmem>>, vector<16xf32>,
      tpu.vector_store %arg6[%swap3A_54, %swap3A_55], %broadcast_in_dim3A_6 {strides = array<i32>} : memref<336x128xf32, #tpu.memory_space<vmem>>, vector<16xf32>,
      %swap3A_57 = arith.index_cast %scan3A_35 : i32 to index
      %swap3A_58 = arith.constant 112 : index
      %swap3A_59 = tpu.vector_load %arg6[%swap3A_57, %swap3A_58] {strides = array<i32>} : memref<336x128xf32, #tpu.memory_space<vmem>>, vector<16xf32>,
      tpu.vector_store %arg6[%swap3A_57, %swap3A_58], %broadcast_in_dim3A_6 {strides = array<i32>} : memref<336x128xf32, #tpu.memory_space<vmem>>, vector<16xf32>,
      %scan3A_60 = arith.constant 0 : i32
      scf.yield %scan3A_60 : i32
    }
    %scan3A_12 = arith.constant 336 : i32
    %mul3A_13 = arith.constant 16 : i32
    %mul3A_14 = arith.muli %add3A, %mul3A_13 : i32
    %multiple_of3A_15 = tpu.assume_multiple %mul3A_14, 16 : i32
    "tpu.region"() ({
      %run_scoped3A = tpu.sem_alloc : memref<!tpu.dma_semaphore, #tpu.memory_space<semaphore_mem>>
      %dma_start3A = tpu.memref_slice %arg4[%multiple_of3A_15] : memref<512xi32, #tpu.memory_space<hbm>> -> memref<16xi32, #tpu.memory_space<hbm>>
      %dma_start3A_35 = tpu.memref_slice %arg4[%multiple_of3A_15] : memref<512xi32, #tpu.memory_space<hbm>> -> memref<16xi32, #tpu.memory_space<hbm>>
      tpu.enqueue_dma source(%dma_start3A_35 : memref<16xi32, #tpu.memory_space<hbm>>) target(%arg10 : memref<16xi32, #tpu.memory_space<vmem>>) target_semaphore(%run_scoped3A : memref<!tpu.dma_semaphore, #tpu.memory_space<semaphore_mem>>)
      %dma_wait3A = tpu.memref_slice %arg4[%multiple_of3A_15] : memref<512xi32, #tpu.memory_space<hbm>> -> memref<16xi32, #tpu.memory_space<hbm>>
      %dma_wait3A_36 = tpu.memref_slice %arg4[%multiple_of3A_15] : memref<512xi32, #tpu.memory_space<hbm>> -> memref<16xi32, #tpu.memory_space<hbm>>
      tpu.wait_dma2 semaphore(%run_scoped3A : memref<!tpu.dma_semaphore, #tpu.memory_space<semaphore_mem>>) src(%dma_wait3A_36 : memref<16xi32, #tpu.memory_space<hbm>>) dst(%arg10 : memref<16xi32, #tpu.memory_space<vmem>>)
      tpu.yield
    }) : () -> ()
    %get3A = arith.constant 0 : index
    %get3A_16 = tpu.vector_load %arg10[%get3A] {strides = array<i32>} : memref<16xi32, #tpu.memory_space<vmem>>, vector<16xi32>,
    %slice3A = vector.extract_strided_slice %get3A_16 {offsets = [0], sizes = [1], strides = [1]} : vector<16xi32> to vector<1xi32>
    %squeeze3A = vector.extract %slice3A[0] : i32 from vector<1xi32>
    %while3A = arith.constant 0 : i32
    %while3A_17 = arith.constant 0 : i32
    %while3A_18 = arith.subi %squeeze3A, %while3A : i32
    %while3A_19 = arith.addi %while3A, %while3A_18 : i32
    %while3A_20 = arith.constant 1 : i32
    %while3A_21 = arith.divsi %while3A_18, %while3A_20 : i32
    %while3A_22 = arith.muli %while3A_21, %while3A_20 : i32
    %while3A_23 = arith.addi %while3A, %while3A_22 : i32
    %while3A_24 = arith.constant 1 : i32
    %while3A_25 = scf.for %while3A_35 = %while3A to %while3A_23 step %while3A_24 iter_args(%while3A_36 = %while3A_17) -> (i32)  : i32 {
      %mul3A_37 = arith.constant 32 : i32
      %mul3A_38 = arith.muli %while3A_35, %mul3A_37 : i32
      %add3A_39 = arith.addi %multiple_of3A_5, %mul3A_38 : i32
      %multiple_of3A_40 = tpu.assume_multiple %add3A_39, 32 : i32
      "tpu.region"() ({
        %run_scoped3A = tpu.sem_alloc : memref<!tpu.dma_semaphore, #tpu.memory_space<semaphore_mem>>
        %dma_start3A_65 = arith.constant 0 : i32
        %dma_start3A_66 = tpu.memref_slice %arg7[%dma_start3A_65] : memref<48xi32, #tpu.memory_space<vmem>> -> memref<32xi32, #tpu.memory_space<vmem>>
        %dma_start3A_67 = tpu.memref_slice %arg3[%multiple_of3A_40] : memref<10764288xi32, #tpu.memory_space<hbm>> -> memref<32xi32, #tpu.memory_space<hbm>>
        %dma_start3A_68 = arith.constant 0 : i32
        %dma_start3A_69 = tpu.memref_slice %arg7[%dma_start3A_68] : memref<48xi32, #tpu.memory_space<vmem>> -> memref<32xi32, #tpu.memory_space<vmem>>
        %dma_start3A_70 = tpu.memref_slice %arg3[%multiple_of3A_40] : memref<10764288xi32, #tpu.memory_space<hbm>> -> memref<32xi32, #tpu.memory_space<hbm>>
        tpu.enqueue_dma source(%dma_start3A_70 : memref<32xi32, #tpu.memory_space<hbm>>) target(%dma_start3A_69 : memref<32xi32, #tpu.memory_space<vmem>>) target_semaphore(%run_scoped3A : memref<!tpu.dma_semaphore, #tpu.memory_space<semaphore_mem>>)
        %dma_wait3A_71 = arith.constant 0 : i32
        %dma_wait3A_72 = tpu.memref_slice %arg7[%dma_wait3A_71] : memref<48xi32, #tpu.memory_space<vmem>> -> memref<32xi32, #tpu.memory_space<vmem>>
        %dma_wait3A_73 = tpu.memref_slice %arg3[%multiple_of3A_40] : memref<10764288xi32, #tpu.memory_space<hbm>> -> memref<32xi32, #tpu.memory_space<hbm>>
        %dma_wait3A_74 = arith.constant 0 : i32
        %dma_wait3A_75 = tpu.memref_slice %arg7[%dma_wait3A_74] : memref<48xi32, #tpu.memory_space<vmem>> -> memref<32xi32, #tpu.memory_space<vmem>>
        %dma_wait3A_76 = tpu.memref_slice %arg3[%multiple_of3A_40] : memref<10764288xi32, #tpu.memory_space<hbm>> -> memref<32xi32, #tpu.memory_space<hbm>>
        tpu.wait_dma2 semaphore(%run_scoped3A : memref<!tpu.dma_semaphore, #tpu.memory_space<semaphore_mem>>) src(%dma_wait3A_76 : memref<32xi32, #tpu.memory_space<hbm>>) dst(%dma_wait3A_75 : memref<32xi32, #tpu.memory_space<vmem>>)
        tpu.yield
      }) : () -> ()
      %get3A_41 = arith.constant 0 : index
      %get3A_42 = tpu.vector_load %arg7[%get3A_41] {strides = array<i32>} : memref<48xi32, #tpu.memory_space<vmem>>, vector<16xi32>,
      %shift_right_logical3A = arith.constant 9 : i32
      %shift_right_logical3A_43 = vector.broadcast %shift_right_logical3A : i32 to vector<16xi32>
      %shift_right_logical3A_44 = arith.shrui %get3A_42, %shift_right_logical3A_43 : vector<16xi32>
      %swap3A = arith.constant 0 : index
      %swap3A_45 = tpu.vector_load %arg8[%swap3A] {strides = array<i32>} : memref<32xi32, #tpu.memory_space<vmem>>, vector<16xi32>,
      tpu.vector_store %arg8[%swap3A], %shift_right_logical3A_44 {strides = array<i32>} : memref<32xi32, #tpu.memory_space<vmem>>, vector<16xi32>,
      %get3A_46 = arith.constant 16 : index
      %get3A_47 = tpu.vector_load %arg7[%get3A_46] {strides = array<i32>} : memref<48xi32, #tpu.memory_space<vmem>>, vector<16xi32>,
      %shift_right_logical3A_48 = arith.constant 9 : i32
      %shift_right_logical3A_49 = vector.broadcast %shift_right_logical3A_48 : i32 to vector<16xi32>
      %shift_right_logical3A_50 = arith.shrui %get3A_47, %shift_right_logical3A_49 : vector<16xi32>
      %swap3A_51 = arith.constant 16 : index
      %swap3A_52 = tpu.vector_load %arg8[%swap3A_51] {strides = array<i32>} : memref<32xi32, #tpu.memory_space<vmem>>, vector<16xi32>,
      tpu.vector_store %arg8[%swap3A_51], %shift_right_logical3A_50 {strides = array<i32>} : memref<32xi32, #tpu.memory_space<vmem>>, vector<16xi32>,
      %dma_start3A = arith.constant 0 : i32
      %dma_start3A_53 = arith.constant 0 : i32
      %dma_start3A_54 = tpu.memref_slice %arg2[%dma_start3A, %dma_start3A_53] : memref<10240x128xf32, #tpu.memory_space<hbm>> -> memref<10240x128xf32, #tpu.memory_space<hbm>>
      tpu.enqueue_indirect_dma source(%dma_start3A_54 : memref<10240x128xf32, #tpu.memory_space<hbm>>) target(%arg9 : memref<32x128xf32, #tpu.memory_space<vmem>>) offsets(%arg8 : memref<32xi32, #tpu.memory_space<vmem>>) semaphore(%arg11 : memref<!tpu.dma_semaphore, #tpu.memory_space<semaphore_mem>>)
      %dma_wait3A = arith.constant 0 : i32
      %dma_wait3A_55 = arith.constant 0 : i32
      %dma_wait3A_56 = tpu.memref_slice %arg2[%dma_wait3A, %dma_wait3A_55] : memref<10240x128xf32, #tpu.memory_space<hbm>> -> memref<10240x128xf32, #tpu.memory_space<hbm>>
      tpu.wait_indirect_dma semaphore(%arg11 : memref<!tpu.dma_semaphore, #tpu.memory_space<semaphore_mem>>) src(%dma_wait3A_56 : memref<10240x128xf32, #tpu.memory_space<hbm>>) dst(%arg9 : memref<32x128xf32, #tpu.memory_space<vmem>>)
      %scan3A_57 = arith.constant 0 : i32
      %scan3A_58 = arith.constant 0 : i32
      %scan3A_59 = arith.constant 32 : i32
      %scan3A_60 = arith.addi %scan3A_58, %scan3A_59 : i32
      %scan3A_61 = arith.constant 1 : i32
      %scan3A_62 = scf.for %scan3A_65 = %scan3A_58 to %scan3A_60 step %scan3A_61 iter_args(%scan3A_66 = %scan3A_57) -> (i32)  : i32 {
        %get3A_67 = arith.index_cast %scan3A_65 : i32 to index
        %get3A_68 = tpu.vector_load %arg7[%get3A_67] {strides = array<i32>} : memref<48xi32, #tpu.memory_space<vmem>>, vector<16xi32>,
        %and3A = arith.constant 511 : i32
        %and3A_69 = vector.broadcast %and3A : i32 to vector<16xi32>
        %and3A_70 = arith.andi %get3A_68, %and3A_69 : vector<16xi32>
        %slice3A_71 = vector.extract_strided_slice %and3A_70 {offsets = [0], sizes = [1], strides = [1]} : vector<16xi32> to vector<1xi32>
        %squeeze3A_72 = vector.extract %slice3A_71[0] : i32 from vector<1xi32>
        %get3A_73 = arith.index_cast %squeeze3A_72 : i32 to index
        %get3A_74 = arith.constant 0 : index
        %get3A_75 = tpu.vector_load %arg6[%get3A_73, %get3A_74] {strides = array<i32>} : memref<336x128xf32, #tpu.memory_space<vmem>>, vector<16xf32>,
        %get3A_76 = arith.index_cast %scan3A_65 : i32 to index
        %get3A_77 = arith.constant 0 : index
        %get3A_78 = tpu.vector_load %arg9[%get3A_76, %get3A_77] {strides = array<i32>} : memref<32x128xf32, #tpu.memory_space<vmem>>, vector<16xf32>,
        %max3A = arith.maximumf %get3A_75, %get3A_78 : vector<16xf32>
        %swap3A_79 = arith.index_cast %squeeze3A_72 : i32 to index
        %swap3A_80 = arith.constant 0 : index
        %swap3A_81 = tpu.vector_load %arg6[%swap3A_79, %swap3A_80] {strides = array<i32>} : memref<336x128xf32, #tpu.memory_space<vmem>>, vector<16xf32>,
        tpu.vector_store %arg6[%swap3A_79, %swap3A_80], %max3A {strides = array<i32>} : memref<336x128xf32, #tpu.memory_space<vmem>>, vector<16xf32>,
        %get3A_82 = arith.index_cast %squeeze3A_72 : i32 to index
        %get3A_83 = arith.constant 16 : index
        %get3A_84 = tpu.vector_load %arg6[%get3A_82, %get3A_83] {strides = array<i32>} : memref<336x128xf32, #tpu.memory_space<vmem>>, vector<16xf32>,
        %get3A_85 = arith.index_cast %scan3A_65 : i32 to index
        %get3A_86 = arith.constant 16 : index
        %get3A_87 = tpu.vector_load %arg9[%get3A_85, %get3A_86] {strides = array<i32>} : memref<32x128xf32, #tpu.memory_space<vmem>>, vector<16xf32>,
        %max3A_88 = arith.maximumf %get3A_84, %get3A_87 : vector<16xf32>
        %swap3A_89 = arith.index_cast %squeeze3A_72 : i32 to index
        %swap3A_90 = arith.constant 16 : index
        %swap3A_91 = tpu.vector_load %arg6[%swap3A_89, %swap3A_90] {strides = array<i32>} : memref<336x128xf32, #tpu.memory_space<vmem>>, vector<16xf32>,
        tpu.vector_store %arg6[%swap3A_89, %swap3A_90], %max3A_88 {strides = array<i32>} : memref<336x128xf32, #tpu.memory_space<vmem>>, vector<16xf32>,
        %get3A_92 = arith.index_cast %squeeze3A_72 : i32 to index
        %get3A_93 = arith.constant 32 : index
        %get3A_94 = tpu.vector_load %arg6[%get3A_92, %get3A_93] {strides = array<i32>} : memref<336x128xf32, #tpu.memory_space<vmem>>, vector<16xf32>,
        %get3A_95 = arith.index_cast %scan3A_65 : i32 to index
        %get3A_96 = arith.constant 32 : index
        %get3A_97 = tpu.vector_load %arg9[%get3A_95, %get3A_96] {strides = array<i32>} : memref<32x128xf32, #tpu.memory_space<vmem>>, vector<16xf32>,
        %max3A_98 = arith.maximumf %get3A_94, %get3A_97 : vector<16xf32>
        %swap3A_99 = arith.index_cast %squeeze3A_72 : i32 to index
        %swap3A_100 = arith.constant 32 : index
        %swap3A_101 = tpu.vector_load %arg6[%swap3A_99, %swap3A_100] {strides = array<i32>} : memref<336x128xf32, #tpu.memory_space<vmem>>, vector<16xf32>,
        tpu.vector_store %arg6[%swap3A_99, %swap3A_100], %max3A_98 {strides = array<i32>} : memref<336x128xf32, #tpu.memory_space<vmem>>, vector<16xf32>,
        %get3A_102 = arith.index_cast %squeeze3A_72 : i32 to index
        %get3A_103 = arith.constant 48 : index
        %get3A_104 = tpu.vector_load %arg6[%get3A_102, %get3A_103] {strides = array<i32>} : memref<336x128xf32, #tpu.memory_space<vmem>>, vector<16xf32>,
        %get3A_105 = arith.index_cast %scan3A_65 : i32 to index
        %get3A_106 = arith.constant 48 : index
        %get3A_107 = tpu.vector_load %arg9[%get3A_105, %get3A_106] {strides = array<i32>} : memref<32x128xf32, #tpu.memory_space<vmem>>, vector<16xf32>,
        %max3A_108 = arith.maximumf %get3A_104, %get3A_107 : vector<16xf32>
        %swap3A_109 = arith.index_cast %squeeze3A_72 : i32 to index
        %swap3A_110 = arith.constant 48 : index
        %swap3A_111 = tpu.vector_load %arg6[%swap3A_109, %swap3A_110] {strides = array<i32>} : memref<336x128xf32, #tpu.memory_space<vmem>>, vector<16xf32>,
        tpu.vector_store %arg6[%swap3A_109, %swap3A_110], %max3A_108 {strides = array<i32>} : memref<336x128xf32, #tpu.memory_space<vmem>>, vector<16xf32>,
        %get3A_112 = arith.index_cast %squeeze3A_72 : i32 to index
        %get3A_113 = arith.constant 64 : index
        %get3A_114 = tpu.vector_load %arg6[%get3A_112, %get3A_113] {strides = array<i32>} : memref<336x128xf32, #tpu.memory_space<vmem>>, vector<16xf32>,
        %get3A_115 = arith.index_cast %scan3A_65 : i32 to index
        %get3A_116 = arith.constant 64 : index
        %get3A_117 = tpu.vector_load %arg9[%get3A_115, %get3A_116] {strides = array<i32>} : memref<32x128xf32, #tpu.memory_space<vmem>>, vector<16xf32>,
        %max3A_118 = arith.maximumf %get3A_114, %get3A_117 : vector<16xf32>
        %swap3A_119 = arith.index_cast %squeeze3A_72 : i32 to index
        %swap3A_120 = arith.constant 64 : index
        %swap3A_121 = tpu.vector_load %arg6[%swap3A_119, %swap3A_120] {strides = array<i32>} : memref<336x128xf32, #tpu.memory_space<vmem>>, vector<16xf32>,
        tpu.vector_store %arg6[%swap3A_119, %swap3A_120], %max3A_118 {strides = array<i32>} : memref<336x128xf32, #tpu.memory_space<vmem>>, vector<16xf32>,
        %get3A_122 = arith.index_cast %squeeze3A_72 : i32 to index
        %get3A_123 = arith.constant 80 : index
        %get3A_124 = tpu.vector_load %arg6[%get3A_122, %get3A_123] {strides = array<i32>} : memref<336x128xf32, #tpu.memory_space<vmem>>, vector<16xf32>,
        %get3A_125 = arith.index_cast %scan3A_65 : i32 to index
        %get3A_126 = arith.constant 80 : index
        %get3A_127 = tpu.vector_load %arg9[%get3A_125, %get3A_126] {strides = array<i32>} : memref<32x128xf32, #tpu.memory_space<vmem>>, vector<16xf32>,
        %max3A_128 = arith.maximumf %get3A_124, %get3A_127 : vector<16xf32>
        %swap3A_129 = arith.index_cast %squeeze3A_72 : i32 to index
        %swap3A_130 = arith.constant 80 : index
        %swap3A_131 = tpu.vector_load %arg6[%swap3A_129, %swap3A_130] {strides = array<i32>} : memref<336x128xf32, #tpu.memory_space<vmem>>, vector<16xf32>,
        tpu.vector_store %arg6[%swap3A_129, %swap3A_130], %max3A_128 {strides = array<i32>} : memref<336x128xf32, #tpu.memory_space<vmem>>, vector<16xf32>,
        %get3A_132 = arith.index_cast %squeeze3A_72 : i32 to index
        %get3A_133 = arith.constant 96 : index
        %get3A_134 = tpu.vector_load %arg6[%get3A_132, %get3A_133] {strides = array<i32>} : memref<336x128xf32, #tpu.memory_space<vmem>>, vector<16xf32>,
        %get3A_135 = arith.index_cast %scan3A_65 : i32 to index
        %get3A_136 = arith.constant 96 : index
        %get3A_137 = tpu.vector_load %arg9[%get3A_135, %get3A_136] {strides = array<i32>} : memref<32x128xf32, #tpu.memory_space<vmem>>, vector<16xf32>,
        %max3A_138 = arith.maximumf %get3A_134, %get3A_137 : vector<16xf32>
        %swap3A_139 = arith.index_cast %squeeze3A_72 : i32 to index
        %swap3A_140 = arith.constant 96 : index
        %swap3A_141 = tpu.vector_load %arg6[%swap3A_139, %swap3A_140] {strides = array<i32>} : memref<336x128xf32, #tpu.memory_space<vmem>>, vector<16xf32>,
        tpu.vector_store %arg6[%swap3A_139, %swap3A_140], %max3A_138 {strides = array<i32>} : memref<336x128xf32, #tpu.memory_space<vmem>>, vector<16xf32>,
        %get3A_142 = arith.index_cast %squeeze3A_72 : i32 to index
        %get3A_143 = arith.constant 112 : index
        %get3A_144 = tpu.vector_load %arg6[%get3A_142, %get3A_143] {strides = array<i32>} : memref<336x128xf32, #tpu.memory_space<vmem>>, vector<16xf32>,
        %get3A_145 = arith.index_cast %scan3A_65 : i32 to index
        %get3A_146 = arith.constant 112 : index
        %get3A_147 = tpu.vector_load %arg9[%get3A_145, %get3A_146] {strides = array<i32>} : memref<32x128xf32, #tpu.memory_space<vmem>>, vector<16xf32>,
        %max3A_148 = arith.maximumf %get3A_144, %get3A_147 : vector<16xf32>
        %swap3A_149 = arith.index_cast %squeeze3A_72 : i32 to index
        %swap3A_150 = arith.constant 112 : index
        %swap3A_151 = tpu.vector_load %arg6[%swap3A_149, %swap3A_150] {strides = array<i32>} : memref<336x128xf32, #tpu.memory_space<vmem>>, vector<16xf32>,
        tpu.vector_store %arg6[%swap3A_149, %swap3A_150], %max3A_148 {strides = array<i32>} : memref<336x128xf32, #tpu.memory_space<vmem>>, vector<16xf32>,
        %scan3A_152 = arith.constant 0 : i32
        scf.yield %scan3A_152 : i32
      }
      %scan3A_63 = arith.constant 32 : i32
      %while3A_64 = arith.constant 0 : i32
      scf.yield %while3A_64 : i32
    }
    %while3A_26 = arith.constant 1 : i32
    %while3A_27 = scf.for %while3A_35 = %while3A_23 to %while3A_19 step %while3A_26 iter_args(%while3A_36 = %while3A_25) -> (i32)  : i32 {
      %mul3A_37 = arith.constant 32 : i32
      %mul3A_38 = arith.muli %while3A_35, %mul3A_37 : i32
      %add3A_39 = arith.addi %multiple_of3A_5, %mul3A_38 : i32
      %multiple_of3A_40 = tpu.assume_multiple %add3A_39, 32 : i32
      "tpu.region"() ({
        %run_scoped3A = tpu.sem_alloc : memref<!tpu.dma_semaphore, #tpu.memory_space<semaphore_mem>>
        %dma_start3A_65 = arith.constant 0 : i32
        %dma_start3A_66 = tpu.memref_slice %arg7[%dma_start3A_65] : memref<48xi32, #tpu.memory_space<vmem>> -> memref<32xi32, #tpu.memory_space<vmem>>
        %dma_start3A_67 = tpu.memref_slice %arg3[%multiple_of3A_40] : memref<10764288xi32, #tpu.memory_space<hbm>> -> memref<32xi32, #tpu.memory_space<hbm>>
        %dma_start3A_68 = arith.constant 0 : i32
        %dma_start3A_69 = tpu.memref_slice %arg7[%dma_start3A_68] : memref<48xi32, #tpu.memory_space<vmem>> -> memref<32xi32, #tpu.memory_space<vmem>>
        %dma_start3A_70 = tpu.memref_slice %arg3[%multiple_of3A_40] : memref<10764288xi32, #tpu.memory_space<hbm>> -> memref<32xi32, #tpu.memory_space<hbm>>
        tpu.enqueue_dma source(%dma_start3A_70 : memref<32xi32, #tpu.memory_space<hbm>>) target(%dma_start3A_69 : memref<32xi32, #tpu.memory_space<vmem>>) target_semaphore(%run_scoped3A : memref<!tpu.dma_semaphore, #tpu.memory_space<semaphore_mem>>)
        %dma_wait3A_71 = arith.constant 0 : i32
        %dma_wait3A_72 = tpu.memref_slice %arg7[%dma_wait3A_71] : memref<48xi32, #tpu.memory_space<vmem>> -> memref<32xi32, #tpu.memory_space<vmem>>
        %dma_wait3A_73 = tpu.memref_slice %arg3[%multiple_of3A_40] : memref<10764288xi32, #tpu.memory_space<hbm>> -> memref<32xi32, #tpu.memory_space<hbm>>
        %dma_wait3A_74 = arith.constant 0 : i32
        %dma_wait3A_75 = tpu.memref_slice %arg7[%dma_wait3A_74] : memref<48xi32, #tpu.memory_space<vmem>> -> memref<32xi32, #tpu.memory_space<vmem>>
        %dma_wait3A_76 = tpu.memref_slice %arg3[%multiple_of3A_40] : memref<10764288xi32, #tpu.memory_space<hbm>> -> memref<32xi32, #tpu.memory_space<hbm>>
        tpu.wait_dma2 semaphore(%run_scoped3A : memref<!tpu.dma_semaphore, #tpu.memory_space<semaphore_mem>>) src(%dma_wait3A_76 : memref<32xi32, #tpu.memory_space<hbm>>) dst(%dma_wait3A_75 : memref<32xi32, #tpu.memory_space<vmem>>)
        tpu.yield
      }) : () -> ()
      %get3A_41 = arith.constant 0 : index
      %get3A_42 = tpu.vector_load %arg7[%get3A_41] {strides = array<i32>} : memref<48xi32, #tpu.memory_space<vmem>>, vector<16xi32>,
      %shift_right_logical3A = arith.constant 9 : i32
      %shift_right_logical3A_43 = vector.broadcast %shift_right_logical3A : i32 to vector<16xi32>
      %shift_right_logical3A_44 = arith.shrui %get3A_42, %shift_right_logical3A_43 : vector<16xi32>
      %swap3A = arith.constant 0 : index
      %swap3A_45 = tpu.vector_load %arg8[%swap3A] {strides = array<i32>} : memref<32xi32, #tpu.memory_space<vmem>>, vector<16xi32>,
      tpu.vector_store %arg8[%swap3A], %shift_right_logical3A_44 {strides = array<i32>} : memref<32xi32, #tpu.memory_space<vmem>>, vector<16xi32>,
      %get3A_46 = arith.constant 16 : index
      %get3A_47 = tpu.vector_load %arg7[%get3A_46] {strides = array<i32>} : memref<48xi32, #tpu.memory_space<vmem>>, vector<16xi32>,
      %shift_right_logical3A_48 = arith.constant 9 : i32
      %shift_right_logical3A_49 = vector.broadcast %shift_right_logical3A_48 : i32 to vector<16xi32>
      %shift_right_logical3A_50 = arith.shrui %get3A_47, %shift_right_logical3A_49 : vector<16xi32>
      %swap3A_51 = arith.constant 16 : index
      %swap3A_52 = tpu.vector_load %arg8[%swap3A_51] {strides = array<i32>} : memref<32xi32, #tpu.memory_space<vmem>>, vector<16xi32>,
      tpu.vector_store %arg8[%swap3A_51], %shift_right_logical3A_50 {strides = array<i32>} : memref<32xi32, #tpu.memory_space<vmem>>, vector<16xi32>,
      %dma_start3A = arith.constant 0 : i32
      %dma_start3A_53 = arith.constant 0 : i32
      %dma_start3A_54 = tpu.memref_slice %arg2[%dma_start3A, %dma_start3A_53] : memref<10240x128xf32, #tpu.memory_space<hbm>> -> memref<10240x128xf32, #tpu.memory_space<hbm>>
      tpu.enqueue_indirect_dma source(%dma_start3A_54 : memref<10240x128xf32, #tpu.memory_space<hbm>>) target(%arg9 : memref<32x128xf32, #tpu.memory_space<vmem>>) offsets(%arg8 : memref<32xi32, #tpu.memory_space<vmem>>) semaphore(%arg11 : memref<!tpu.dma_semaphore, #tpu.memory_space<semaphore_mem>>)
      %dma_wait3A = arith.constant 0 : i32
      %dma_wait3A_55 = arith.constant 0 : i32
      %dma_wait3A_56 = tpu.memref_slice %arg2[%dma_wait3A, %dma_wait3A_55] : memref<10240x128xf32, #tpu.memory_space<hbm>> -> memref<10240x128xf32, #tpu.memory_space<hbm>>
      tpu.wait_indirect_dma semaphore(%arg11 : memref<!tpu.dma_semaphore, #tpu.memory_space<semaphore_mem>>) src(%dma_wait3A_56 : memref<10240x128xf32, #tpu.memory_space<hbm>>) dst(%arg9 : memref<32x128xf32, #tpu.memory_space<vmem>>)
      %scan3A_57 = arith.constant 0 : i32
      %scan3A_58 = arith.constant 0 : i32
      %scan3A_59 = arith.constant 32 : i32
      %scan3A_60 = arith.addi %scan3A_58, %scan3A_59 : i32
      %scan3A_61 = arith.constant 1 : i32
      %scan3A_62 = scf.for %scan3A_65 = %scan3A_58 to %scan3A_60 step %scan3A_61 iter_args(%scan3A_66 = %scan3A_57) -> (i32)  : i32 {
        %get3A_67 = arith.index_cast %scan3A_65 : i32 to index
        %get3A_68 = tpu.vector_load %arg7[%get3A_67] {strides = array<i32>} : memref<48xi32, #tpu.memory_space<vmem>>, vector<16xi32>,
        %and3A = arith.constant 511 : i32
        %and3A_69 = vector.broadcast %and3A : i32 to vector<16xi32>
        %and3A_70 = arith.andi %get3A_68, %and3A_69 : vector<16xi32>
        %slice3A_71 = vector.extract_strided_slice %and3A_70 {offsets = [0], sizes = [1], strides = [1]} : vector<16xi32> to vector<1xi32>
        %squeeze3A_72 = vector.extract %slice3A_71[0] : i32 from vector<1xi32>
        %get3A_73 = arith.index_cast %squeeze3A_72 : i32 to index
        %get3A_74 = arith.constant 0 : index
        %get3A_75 = tpu.vector_load %arg6[%get3A_73, %get3A_74] {strides = array<i32>} : memref<336x128xf32, #tpu.memory_space<vmem>>, vector<16xf32>,
        %get3A_76 = arith.index_cast %scan3A_65 : i32 to index
        %get3A_77 = arith.constant 0 : index
        %get3A_78 = tpu.vector_load %arg9[%get3A_76, %get3A_77] {strides = array<i32>} : memref<32x128xf32, #tpu.memory_space<vmem>>, vector<16xf32>,
        %max3A = arith.maximumf %get3A_75, %get3A_78 : vector<16xf32>
        %swap3A_79 = arith.index_cast %squeeze3A_72 : i32 to index
        %swap3A_80 = arith.constant 0 : index
        %swap3A_81 = tpu.vector_load %arg6[%swap3A_79, %swap3A_80] {strides = array<i32>} : memref<336x128xf32, #tpu.memory_space<vmem>>, vector<16xf32>,
        tpu.vector_store %arg6[%swap3A_79, %swap3A_80], %max3A {strides = array<i32>} : memref<336x128xf32, #tpu.memory_space<vmem>>, vector<16xf32>,
        %get3A_82 = arith.index_cast %squeeze3A_72 : i32 to index
        %get3A_83 = arith.constant 16 : index
        %get3A_84 = tpu.vector_load %arg6[%get3A_82, %get3A_83] {strides = array<i32>} : memref<336x128xf32, #tpu.memory_space<vmem>>, vector<16xf32>,
        %get3A_85 = arith.index_cast %scan3A_65 : i32 to index
        %get3A_86 = arith.constant 16 : index
        %get3A_87 = tpu.vector_load %arg9[%get3A_85, %get3A_86] {strides = array<i32>} : memref<32x128xf32, #tpu.memory_space<vmem>>, vector<16xf32>,
        %max3A_88 = arith.maximumf %get3A_84, %get3A_87 : vector<16xf32>
        %swap3A_89 = arith.index_cast %squeeze3A_72 : i32 to index
        %swap3A_90 = arith.constant 16 : index
        %swap3A_91 = tpu.vector_load %arg6[%swap3A_89, %swap3A_90] {strides = array<i32>} : memref<336x128xf32, #tpu.memory_space<vmem>>, vector<16xf32>,
        tpu.vector_store %arg6[%swap3A_89, %swap3A_90], %max3A_88 {strides = array<i32>} : memref<336x128xf32, #tpu.memory_space<vmem>>, vector<16xf32>,
        %get3A_92 = arith.index_cast %squeeze3A_72 : i32 to index
        %get3A_93 = arith.constant 32 : index
        %get3A_94 = tpu.vector_load %arg6[%get3A_92, %get3A_93] {strides = array<i32>} : memref<336x128xf32, #tpu.memory_space<vmem>>, vector<16xf32>,
        %get3A_95 = arith.index_cast %scan3A_65 : i32 to index
        %get3A_96 = arith.constant 32 : index
        %get3A_97 = tpu.vector_load %arg9[%get3A_95, %get3A_96] {strides = array<i32>} : memref<32x128xf32, #tpu.memory_space<vmem>>, vector<16xf32>,
        %max3A_98 = arith.maximumf %get3A_94, %get3A_97 : vector<16xf32>
        %swap3A_99 = arith.index_cast %squeeze3A_72 : i32 to index
        %swap3A_100 = arith.constant 32 : index
        %swap3A_101 = tpu.vector_load %arg6[%swap3A_99, %swap3A_100] {strides = array<i32>} : memref<336x128xf32, #tpu.memory_space<vmem>>, vector<16xf32>,
        tpu.vector_store %arg6[%swap3A_99, %swap3A_100], %max3A_98 {strides = array<i32>} : memref<336x128xf32, #tpu.memory_space<vmem>>, vector<16xf32>,
        %get3A_102 = arith.index_cast %squeeze3A_72 : i32 to index
        %get3A_103 = arith.constant 48 : index
        %get3A_104 = tpu.vector_load %arg6[%get3A_102, %get3A_103] {strides = array<i32>} : memref<336x128xf32, #tpu.memory_space<vmem>>, vector<16xf32>,
        %get3A_105 = arith.index_cast %scan3A_65 : i32 to index
        %get3A_106 = arith.constant 48 : index
        %get3A_107 = tpu.vector_load %arg9[%get3A_105, %get3A_106] {strides = array<i32>} : memref<32x128xf32, #tpu.memory_space<vmem>>, vector<16xf32>,
        %max3A_108 = arith.maximumf %get3A_104, %get3A_107 : vector<16xf32>
        %swap3A_109 = arith.index_cast %squeeze3A_72 : i32 to index
        %swap3A_110 = arith.constant 48 : index
        %swap3A_111 = tpu.vector_load %arg6[%swap3A_109, %swap3A_110] {strides = array<i32>} : memref<336x128xf32, #tpu.memory_space<vmem>>, vector<16xf32>,
        tpu.vector_store %arg6[%swap3A_109, %swap3A_110], %max3A_108 {strides = array<i32>} : memref<336x128xf32, #tpu.memory_space<vmem>>, vector<16xf32>,
        %get3A_112 = arith.index_cast %squeeze3A_72 : i32 to index
        %get3A_113 = arith.constant 64 : index
        %get3A_114 = tpu.vector_load %arg6[%get3A_112, %get3A_113] {strides = array<i32>} : memref<336x128xf32, #tpu.memory_space<vmem>>, vector<16xf32>,
        %get3A_115 = arith.index_cast %scan3A_65 : i32 to index
        %get3A_116 = arith.constant 64 : index
        %get3A_117 = tpu.vector_load %arg9[%get3A_115, %get3A_116] {strides = array<i32>} : memref<32x128xf32, #tpu.memory_space<vmem>>, vector<16xf32>,
        %max3A_118 = arith.maximumf %get3A_114, %get3A_117 : vector<16xf32>
        %swap3A_119 = arith.index_cast %squeeze3A_72 : i32 to index
        %swap3A_120 = arith.constant 64 : index
        %swap3A_121 = tpu.vector_load %arg6[%swap3A_119, %swap3A_120] {strides = array<i32>} : memref<336x128xf32, #tpu.memory_space<vmem>>, vector<16xf32>,
        tpu.vector_store %arg6[%swap3A_119, %swap3A_120], %max3A_118 {strides = array<i32>} : memref<336x128xf32, #tpu.memory_space<vmem>>, vector<16xf32>,
        %get3A_122 = arith.index_cast %squeeze3A_72 : i32 to index
        %get3A_123 = arith.constant 80 : index
        %get3A_124 = tpu.vector_load %arg6[%get3A_122, %get3A_123] {strides = array<i32>} : memref<336x128xf32, #tpu.memory_space<vmem>>, vector<16xf32>,
        %get3A_125 = arith.index_cast %scan3A_65 : i32 to index
        %get3A_126 = arith.constant 80 : index
        %get3A_127 = tpu.vector_load %arg9[%get3A_125, %get3A_126] {strides = array<i32>} : memref<32x128xf32, #tpu.memory_space<vmem>>, vector<16xf32>,
        %max3A_128 = arith.maximumf %get3A_124, %get3A_127 : vector<16xf32>
        %swap3A_129 = arith.index_cast %squeeze3A_72 : i32 to index
        %swap3A_130 = arith.constant 80 : index
        %swap3A_131 = tpu.vector_load %arg6[%swap3A_129, %swap3A_130] {strides = array<i32>} : memref<336x128xf32, #tpu.memory_space<vmem>>, vector<16xf32>,
        tpu.vector_store %arg6[%swap3A_129, %swap3A_130], %max3A_128 {strides = array<i32>} : memref<336x128xf32, #tpu.memory_space<vmem>>, vector<16xf32>,
        %get3A_132 = arith.index_cast %squeeze3A_72 : i32 to index
        %get3A_133 = arith.constant 96 : index
        %get3A_134 = tpu.vector_load %arg6[%get3A_132, %get3A_133] {strides = array<i32>} : memref<336x128xf32, #tpu.memory_space<vmem>>, vector<16xf32>,
        %get3A_135 = arith.index_cast %scan3A_65 : i32 to index
        %get3A_136 = arith.constant 96 : index
        %get3A_137 = tpu.vector_load %arg9[%get3A_135, %get3A_136] {strides = array<i32>} : memref<32x128xf32, #tpu.memory_space<vmem>>, vector<16xf32>,
        %max3A_138 = arith.maximumf %get3A_134, %get3A_137 : vector<16xf32>
        %swap3A_139 = arith.index_cast %squeeze3A_72 : i32 to index
        %swap3A_140 = arith.constant 96 : index
        %swap3A_141 = tpu.vector_load %arg6[%swap3A_139, %swap3A_140] {strides = array<i32>} : memref<336x128xf32, #tpu.memory_space<vmem>>, vector<16xf32>,
        tpu.vector_store %arg6[%swap3A_139, %swap3A_140], %max3A_138 {strides = array<i32>} : memref<336x128xf32, #tpu.memory_space<vmem>>, vector<16xf32>,
        %get3A_142 = arith.index_cast %squeeze3A_72 : i32 to index
        %get3A_143 = arith.constant 112 : index
        %get3A_144 = tpu.vector_load %arg6[%get3A_142, %get3A_143] {strides = array<i32>} : memref<336x128xf32, #tpu.memory_space<vmem>>, vector<16xf32>,
        %get3A_145 = arith.index_cast %scan3A_65 : i32 to index
        %get3A_146 = arith.constant 112 : index
        %get3A_147 = tpu.vector_load %arg9[%get3A_145, %get3A_146] {strides = array<i32>} : memref<32x128xf32, #tpu.memory_space<vmem>>, vector<16xf32>,
        %max3A_148 = arith.maximumf %get3A_144, %get3A_147 : vector<16xf32>
        %swap3A_149 = arith.index_cast %squeeze3A_72 : i32 to index
        %swap3A_150 = arith.constant 112 : index
        %swap3A_151 = tpu.vector_load %arg6[%swap3A_149, %swap3A_150] {strides = array<i32>} : memref<336x128xf32, #tpu.memory_space<vmem>>, vector<16xf32>,
        tpu.vector_store %arg6[%swap3A_149, %swap3A_150], %max3A_148 {strides = array<i32>} : memref<336x128xf32, #tpu.memory_space<vmem>>, vector<16xf32>,
        %scan3A_152 = arith.constant 0 : i32
        scf.yield %scan3A_152 : i32
      }
      %scan3A_63 = arith.constant 32 : i32
      %while3A_64 = arith.constant 0 : i32
      scf.yield %while3A_64 : i32
    }
    %scan3A_28 = arith.constant 0 : i32
    %scan3A_29 = arith.constant 0 : i32
    %scan3A_30 = arith.constant 320 : i32
    %scan3A_31 = arith.addi %scan3A_29, %scan3A_30 : i32
    %scan3A_32 = arith.constant 1 : i32
    %scan3A_33 = scf.for %scan3A_35 = %scan3A_29 to %scan3A_31 step %scan3A_32 iter_args(%scan3A_36 = %scan3A_28) -> (i32)  : i32 {
      %get3A_37 = arith.index_cast %scan3A_35 : i32 to index
      %get3A_38 = arith.constant 0 : index
      %get3A_39 = tpu.vector_load %arg6[%get3A_37, %get3A_38] {strides = array<i32>} : memref<336x128xf32, #tpu.memory_space<vmem>>, vector<16xf32>,
      %gt3A = arith.constant -9.99999993E+36 : f32
      %gt3A_40 = vector.broadcast %gt3A : f32 to vector<16xf32>
      %gt3A_41 = arith.cmpf ogt, %get3A_39, %gt3A_40 : vector<16xf32>
      %jit3A = arith.constant 0.000000e+00 : f32
      %broadcast_in_dim3A_42 = vector.broadcast %jit3A : f32 to vector<16xf32>
      %select_n3A = arith.select %gt3A_41, %get3A_39, %broadcast_in_dim3A_42 : vector<16xi1>, vector<16xf32>
      %swap3A = arith.index_cast %scan3A_35 : i32 to index
      %swap3A_43 = arith.constant 0 : index
      %swap3A_44 = tpu.vector_load %arg6[%swap3A, %swap3A_43] {strides = array<i32>} : memref<336x128xf32, #tpu.memory_space<vmem>>, vector<16xf32>,
      tpu.vector_store %arg6[%swap3A, %swap3A_43], %select_n3A {strides = array<i32>} : memref<336x128xf32, #tpu.memory_space<vmem>>, vector<16xf32>,
      %get3A_45 = arith.index_cast %scan3A_35 : i32 to index
      %get3A_46 = arith.constant 16 : index
      %get3A_47 = tpu.vector_load %arg6[%get3A_45, %get3A_46] {strides = array<i32>} : memref<336x128xf32, #tpu.memory_space<vmem>>, vector<16xf32>,
      %gt3A_48 = arith.constant -9.99999993E+36 : f32
      %gt3A_49 = vector.broadcast %gt3A_48 : f32 to vector<16xf32>
      %gt3A_50 = arith.cmpf ogt, %get3A_47, %gt3A_49 : vector<16xf32>
      %jit3A_51 = arith.constant 0.000000e+00 : f32
      %broadcast_in_dim3A_52 = vector.broadcast %jit3A_51 : f32 to vector<16xf32>
      %select_n3A_53 = arith.select %gt3A_50, %get3A_47, %broadcast_in_dim3A_52 : vector<16xi1>, vector<16xf32>
      %swap3A_54 = arith.index_cast %scan3A_35 : i32 to index
      %swap3A_55 = arith.constant 16 : index
      %swap3A_56 = tpu.vector_load %arg6[%swap3A_54, %swap3A_55] {strides = array<i32>} : memref<336x128xf32, #tpu.memory_space<vmem>>, vector<16xf32>,
      tpu.vector_store %arg6[%swap3A_54, %swap3A_55], %select_n3A_53 {strides = array<i32>} : memref<336x128xf32, #tpu.memory_space<vmem>>, vector<16xf32>,
      %get3A_57 = arith.index_cast %scan3A_35 : i32 to index
      %get3A_58 = arith.constant 32 : index
      %get3A_59 = tpu.vector_load %arg6[%get3A_57, %get3A_58] {strides = array<i32>} : memref<336x128xf32, #tpu.memory_space<vmem>>, vector<16xf32>,
      %gt3A_60 = arith.constant -9.99999993E+36 : f32
      %gt3A_61 = vector.broadcast %gt3A_60 : f32 to vector<16xf32>
      %gt3A_62 = arith.cmpf ogt, %get3A_59, %gt3A_61 : vector<16xf32>
      %jit3A_63 = arith.constant 0.000000e+00 : f32
      %broadcast_in_dim3A_64 = vector.broadcast %jit3A_63 : f32 to vector<16xf32>
      %select_n3A_65 = arith.select %gt3A_62, %get3A_59, %broadcast_in_dim3A_64 : vector<16xi1>, vector<16xf32>
      %swap3A_66 = arith.index_cast %scan3A_35 : i32 to index
      %swap3A_67 = arith.constant 32 : index
      %swap3A_68 = tpu.vector_load %arg6[%swap3A_66, %swap3A_67] {strides = array<i32>} : memref<336x128xf32, #tpu.memory_space<vmem>>, vector<16xf32>,
      tpu.vector_store %arg6[%swap3A_66, %swap3A_67], %select_n3A_65 {strides = array<i32>} : memref<336x128xf32, #tpu.memory_space<vmem>>, vector<16xf32>,
      %get3A_69 = arith.index_cast %scan3A_35 : i32 to index
      %get3A_70 = arith.constant 48 : index
      %get3A_71 = tpu.vector_load %arg6[%get3A_69, %get3A_70] {strides = array<i32>} : memref<336x128xf32, #tpu.memory_space<vmem>>, vector<16xf32>,
      %gt3A_72 = arith.constant -9.99999993E+36 : f32
      %gt3A_73 = vector.broadcast %gt3A_72 : f32 to vector<16xf32>
      %gt3A_74 = arith.cmpf ogt, %get3A_71, %gt3A_73 : vector<16xf32>
      %jit3A_75 = arith.constant 0.000000e+00 : f32
      %broadcast_in_dim3A_76 = vector.broadcast %jit3A_75 : f32 to vector<16xf32>
      %select_n3A_77 = arith.select %gt3A_74, %get3A_71, %broadcast_in_dim3A_76 : vector<16xi1>, vector<16xf32>
      %swap3A_78 = arith.index_cast %scan3A_35 : i32 to index
      %swap3A_79 = arith.constant 48 : index
      %swap3A_80 = tpu.vector_load %arg6[%swap3A_78, %swap3A_79] {strides = array<i32>} : memref<336x128xf32, #tpu.memory_space<vmem>>, vector<16xf32>,
      tpu.vector_store %arg6[%swap3A_78, %swap3A_79], %select_n3A_77 {strides = array<i32>} : memref<336x128xf32, #tpu.memory_space<vmem>>, vector<16xf32>,
      %get3A_81 = arith.index_cast %scan3A_35 : i32 to index
      %get3A_82 = arith.constant 64 : index
      %get3A_83 = tpu.vector_load %arg6[%get3A_81, %get3A_82] {strides = array<i32>} : memref<336x128xf32, #tpu.memory_space<vmem>>, vector<16xf32>,
      %gt3A_84 = arith.constant -9.99999993E+36 : f32
      %gt3A_85 = vector.broadcast %gt3A_84 : f32 to vector<16xf32>
      %gt3A_86 = arith.cmpf ogt, %get3A_83, %gt3A_85 : vector<16xf32>
      %jit3A_87 = arith.constant 0.000000e+00 : f32
      %broadcast_in_dim3A_88 = vector.broadcast %jit3A_87 : f32 to vector<16xf32>
      %select_n3A_89 = arith.select %gt3A_86, %get3A_83, %broadcast_in_dim3A_88 : vector<16xi1>, vector<16xf32>
      %swap3A_90 = arith.index_cast %scan3A_35 : i32 to index
      %swap3A_91 = arith.constant 64 : index
      %swap3A_92 = tpu.vector_load %arg6[%swap3A_90, %swap3A_91] {strides = array<i32>} : memref<336x128xf32, #tpu.memory_space<vmem>>, vector<16xf32>,
      tpu.vector_store %arg6[%swap3A_90, %swap3A_91], %select_n3A_89 {strides = array<i32>} : memref<336x128xf32, #tpu.memory_space<vmem>>, vector<16xf32>,
      %get3A_93 = arith.index_cast %scan3A_35 : i32 to index
      %get3A_94 = arith.constant 80 : index
      %get3A_95 = tpu.vector_load %arg6[%get3A_93, %get3A_94] {strides = array<i32>} : memref<336x128xf32, #tpu.memory_space<vmem>>, vector<16xf32>,
      %gt3A_96 = arith.constant -9.99999993E+36 : f32
      %gt3A_97 = vector.broadcast %gt3A_96 : f32 to vector<16xf32>
      %gt3A_98 = arith.cmpf ogt, %get3A_95, %gt3A_97 : vector<16xf32>
      %jit3A_99 = arith.constant 0.000000e+00 : f32
      %broadcast_in_dim3A_100 = vector.broadcast %jit3A_99 : f32 to vector<16xf32>
      %select_n3A_101 = arith.select %gt3A_98, %get3A_95, %broadcast_in_dim3A_100 : vector<16xi1>, vector<16xf32>
      %swap3A_102 = arith.index_cast %scan3A_35 : i32 to index
      %swap3A_103 = arith.constant 80 : index
      %swap3A_104 = tpu.vector_load %arg6[%swap3A_102, %swap3A_103] {strides = array<i32>} : memref<336x128xf32, #tpu.memory_space<vmem>>, vector<16xf32>,
      tpu.vector_store %arg6[%swap3A_102, %swap3A_103], %select_n3A_101 {strides = array<i32>} : memref<336x128xf32, #tpu.memory_space<vmem>>, vector<16xf32>,
      %get3A_105 = arith.index_cast %scan3A_35 : i32 to index
      %get3A_106 = arith.constant 96 : index
      %get3A_107 = tpu.vector_load %arg6[%get3A_105, %get3A_106] {strides = array<i32>} : memref<336x128xf32, #tpu.memory_space<vmem>>, vector<16xf32>,
      %gt3A_108 = arith.constant -9.99999993E+36 : f32
      %gt3A_109 = vector.broadcast %gt3A_108 : f32 to vector<16xf32>
      %gt3A_110 = arith.cmpf ogt, %get3A_107, %gt3A_109 : vector<16xf32>
      %jit3A_111 = arith.constant 0.000000e+00 : f32
      %broadcast_in_dim3A_112 = vector.broadcast %jit3A_111 : f32 to vector<16xf32>
      %select_n3A_113 = arith.select %gt3A_110, %get3A_107, %broadcast_in_dim3A_112 : vector<16xi1>, vector<16xf32>
      %swap3A_114 = arith.index_cast %scan3A_35 : i32 to index
      %swap3A_115 = arith.constant 96 : index
      %swap3A_116 = tpu.vector_load %arg6[%swap3A_114, %swap3A_115] {strides = array<i32>} : memref<336x128xf32, #tpu.memory_space<vmem>>, vector<16xf32>,
      tpu.vector_store %arg6[%swap3A_114, %swap3A_115], %select_n3A_113 {strides = array<i32>} : memref<336x128xf32, #tpu.memory_space<vmem>>, vector<16xf32>,
      %get3A_117 = arith.index_cast %scan3A_35 : i32 to index
      %get3A_118 = arith.constant 112 : index
      %get3A_119 = tpu.vector_load %arg6[%get3A_117, %get3A_118] {strides = array<i32>} : memref<336x128xf32, #tpu.memory_space<vmem>>, vector<16xf32>,
      %gt3A_120 = arith.constant -9.99999993E+36 : f32
      %gt3A_121 = vector.broadcast %gt3A_120 : f32 to vector<16xf32>
      %gt3A_122 = arith.cmpf ogt, %get3A_119, %gt3A_121 : vector<16xf32>
      %jit3A_123 = arith.constant 0.000000e+00 : f32
      %broadcast_in_dim3A_124 = vector.broadcast %jit3A_123 : f32 to vector<16xf32>
      %select_n3A_125 = arith.select %gt3A_122, %get3A_119, %broadcast_in_dim3A_124 : vector<16xi1>, vector<16xf32>
      %swap3A_126 = arith.index_cast %scan3A_35 : i32 to index
      %swap3A_127 = arith.constant 112 : index
      %swap3A_128 = tpu.vector_load %arg6[%swap3A_126, %swap3A_127] {strides = array<i32>} : memref<336x128xf32, #tpu.memory_space<vmem>>, vector<16xf32>,
      tpu.vector_store %arg6[%swap3A_126, %swap3A_127], %select_n3A_125 {strides = array<i32>} : memref<336x128xf32, #tpu.memory_space<vmem>>, vector<16xf32>,
      %scan3A_129 = arith.constant 0 : i32
      scf.yield %scan3A_129 : i32
    }
    %scan3A_34 = arith.constant 320 : i32
    "tpu.region"() ({
      %run_scoped3A = tpu.sem_alloc : memref<!tpu.dma_semaphore, #tpu.memory_space<semaphore_mem>>
      %dma_start3A = arith.constant 0 : i32
      %dma_start3A_35 = arith.constant 0 : i32
      %dma_start3A_36 = tpu.memref_slice %arg6[%dma_start3A, %dma_start3A_35] : memref<336x128xf32, #tpu.memory_space<vmem>> -> memref<320x128xf32, #tpu.memory_space<vmem>>
      %dma_start3A_37 = arith.constant 0 : i32
      %dma_start3A_38 = tpu.memref_slice %arg5[%multiple_of3A, %dma_start3A_37] : memref<10240x128xf32, #tpu.memory_space<hbm>> -> memref<320x128xf32, #tpu.memory_space<hbm>>
      %dma_start3A_39 = arith.constant 0 : i32
      %dma_start3A_40 = tpu.memref_slice %arg5[%multiple_of3A, %dma_start3A_39] : memref<10240x128xf32, #tpu.memory_space<hbm>> -> memref<320x128xf32, #tpu.memory_space<hbm>>
      %dma_start3A_41 = arith.constant 0 : i32
      %dma_start3A_42 = arith.constant 0 : i32
      %dma_start3A_43 = tpu.memref_slice %arg6[%dma_start3A_41, %dma_start3A_42] : memref<336x128xf32, #tpu.memory_space<vmem>> -> memref<320x128xf32, #tpu.memory_space<vmem>>
      tpu.enqueue_dma source(%dma_start3A_43 : memref<320x128xf32, #tpu.memory_space<vmem>>) target(%dma_start3A_40 : memref<320x128xf32, #tpu.memory_space<hbm>>) target_semaphore(%run_scoped3A : memref<!tpu.dma_semaphore, #tpu.memory_space<semaphore_mem>>)
      %dma_wait3A = arith.constant 0 : i32
      %dma_wait3A_44 = arith.constant 0 : i32
      %dma_wait3A_45 = tpu.memref_slice %arg6[%dma_wait3A, %dma_wait3A_44] : memref<336x128xf32, #tpu.memory_space<vmem>> -> memref<320x128xf32, #tpu.memory_space<vmem>>
      %dma_wait3A_46 = arith.constant 0 : i32
      %dma_wait3A_47 = tpu.memref_slice %arg5[%multiple_of3A, %dma_wait3A_46] : memref<10240x128xf32, #tpu.memory_space<hbm>> -> memref<320x128xf32, #tpu.memory_space<hbm>>
      %dma_wait3A_48 = arith.constant 0 : i32
      %dma_wait3A_49 = tpu.memref_slice %arg5[%multiple_of3A, %dma_wait3A_48] : memref<10240x128xf32, #tpu.memory_space<hbm>> -> memref<320x128xf32, #tpu.memory_space<hbm>>
      %dma_wait3A_50 = arith.constant 0 : i32
      %dma_wait3A_51 = arith.constant 0 : i32
      %dma_wait3A_52 = tpu.memref_slice %arg6[%dma_wait3A_50, %dma_wait3A_51] : memref<336x128xf32, #tpu.memory_space<vmem>> -> memref<320x128xf32, #tpu.memory_space<vmem>>
      tpu.wait_dma2 semaphore(%run_scoped3A : memref<!tpu.dma_semaphore, #tpu.memory_space<semaphore_mem>>) src(%dma_wait3A_52 : memref<320x128xf32, #tpu.memory_space<vmem>>) dst(%dma_wait3A_49 : memref<320x128xf32, #tpu.memory_space<hbm>>)
      tpu.yield
    }) : () -> ()
    return
  }
}

module attributes {stable_mosaic.version = 14 : i64} {
  func.func @_dense_body(%arg0: i32, %arg1: memref<1024x128xf32, #tpu.memory_space<vmem>>, %arg2: memref<1024x128xf32, #tpu.memory_space<vmem>>, %arg3: memref<128x128xf32, #tpu.memory_space<vmem>>, %arg4: memref<1x128xf32, #tpu.memory_space<vmem>>, %arg5: memref<128x128xf32, #tpu.memory_space<vmem>>, %arg6: memref<1024x128xf32, #tpu.memory_space<vmem>>) attributes {dimension_semantics = [#tpu.dimension_semantics<arbitrary>], iteration_bounds = array<i64: 10>, scalar_prefetch = 0 : i64, scratch_operands = 0 : i64, tpu.core_type = #tpu.core_type<tc>, window_params = [{transform_indices = @transform_0, window_bounds = array<i64: 1024, 128>}, {transform_indices = @transform_1, window_bounds = array<i64: 1024, 128>}, {pipeline_mode = #tpu.pipeline_mode<synchronous>, transform_indices = @transform_2, window_bounds = array<i64: 128, 128>}, {pipeline_mode = #tpu.pipeline_mode<synchronous>, transform_indices = @transform_3, window_bounds = array<i64: 1, 128>}, {pipeline_mode = #tpu.pipeline_mode<synchronous>, transform_indices = @transform_4, window_bounds = array<i64: 128, 128>}, {transform_indices = @transform_5, window_bounds = array<i64: 1024, 128>}]} {
    %get3A = arith.constant 0 : index
    %get3A_0 = arith.constant 0 : index
    %get3A_1 = vector.load %arg1[%get3A, %get3A_0] : memref<1024x128xf32, #tpu.memory_space<vmem>>, vector<1024x128xf32>
    %get3A_2 = arith.constant 0 : index
    %get3A_3 = arith.constant 0 : index
    %get3A_4 = vector.load %arg3[%get3A_2, %get3A_3] : memref<128x128xf32, #tpu.memory_space<vmem>>, vector<128x128xf32>
    %dot_general3A = arith.constant dense<0.000000e+00> : vector<1024x128xf32>
    %dot_general3A_5 = tpu.matmul %get3A_1, %get3A_4, %dot_general3A {dimension_numbers = #tpu.dot_dimension_numbers<[1], [0], [0], [1], [0, 0, 1, 1], [], []>, transpose_lhs_hint = false} : vector<1024x128xf32>, vector<128x128xf32>, vector<1024x128xf32> -> vector<1024x128xf32>
    %get3A_6 = arith.constant 0 : index
    %get3A_7 = arith.constant 0 : index
    %get3A_8 = vector.load %arg2[%get3A_6, %get3A_7] : memref<1024x128xf32, #tpu.memory_space<vmem>>, vector<1024x128xf32>
    %get3A_9 = arith.constant 0 : index
    %get3A_10 = arith.constant 0 : index
    %get3A_11 = vector.load %arg5[%get3A_9, %get3A_10] : memref<128x128xf32, #tpu.memory_space<vmem>>, vector<128x128xf32>
    %dot_general3A_12 = arith.constant dense<0.000000e+00> : vector<1024x128xf32>
    %dot_general3A_13 = tpu.matmul %get3A_8, %get3A_11, %dot_general3A_12 {dimension_numbers = #tpu.dot_dimension_numbers<[1], [0], [0], [1], [0, 0, 1, 1], [], []>, transpose_lhs_hint = false} : vector<1024x128xf32>, vector<128x128xf32>, vector<1024x128xf32> -> vector<1024x128xf32>
    %add3A = arith.addf %dot_general3A_5, %dot_general3A_13 : vector<1024x128xf32>
    %get3A_14 = arith.constant 0 : index
    %get3A_15 = arith.constant 0 : index
    %get3A_16 = vector.load %arg4[%get3A_14, %get3A_15] : memref<1x128xf32, #tpu.memory_space<vmem>>, vector<1x128xf32>
    %add3A_17 = vector.broadcast %get3A_16 : vector<1x128xf32> to vector<1024x128xf32>
    %add3A_18 = arith.addf %add3A, %add3A_17 : vector<1024x128xf32>
    %max3A = arith.constant 0.000000e+00 : f32
    %max3A_19 = vector.broadcast %max3A : f32 to vector<1024x128xf32>
    %max3A_20 = arith.maximumf %add3A_18, %max3A_19 : vector<1024x128xf32>
    %swap3A = arith.constant 0 : index
    %swap3A_21 = arith.constant 0 : index
    %swap3A_22 = vector.load %arg6[%swap3A, %swap3A_21] : memref<1024x128xf32, #tpu.memory_space<vmem>>, vector<1024x128xf32>
    tpu.vector_store %arg6[%swap3A, %swap3A_21], %max3A_20 {strides = array<i32>} : memref<1024x128xf32, #tpu.memory_space<vmem>>, vector<1024x128xf32>,
    return
  }
  func.func @transform_0(%arg0: i32) -> (i32, i32) {
    %c0_i32 = arith.constant 0 : i32
    %c0_i32_0 = arith.constant 0 : i32
    return %arg0, %c0_i32 : i32, i32
  }
  func.func @transform_1(%arg0: i32) -> (i32, i32) {
    %c0_i32 = arith.constant 0 : i32
    %c0_i32_0 = arith.constant 0 : i32
    return %arg0, %c0_i32 : i32, i32
  }
  func.func @transform_2(%arg0: i32) -> (i32, i32) {
    %c0_i32 = arith.constant 0 : i32
    %c0_i32_0 = arith.constant 0 : i32
    %c0_i32_1 = arith.constant 0 : i32
    return %c0_i32, %c0_i32_0 : i32, i32
  }
  func.func @transform_3(%arg0: i32) -> (i32, i32) {
    %c0_i32 = arith.constant 0 : i32
    %c0_i32_0 = arith.constant 0 : i32
    %c0_i32_1 = arith.constant 0 : i32
    return %c0_i32, %c0_i32_0 : i32, i32
  }
  func.func @transform_4(%arg0: i32) -> (i32, i32) {
    %c0_i32 = arith.constant 0 : i32
    %c0_i32_0 = arith.constant 0 : i32
    %c0_i32_1 = arith.constant 0 : i32
    return %c0_i32, %c0_i32_0 : i32, i32
  }
  func.func @transform_5(%arg0: i32) -> (i32, i32) {
    %c0_i32 = arith.constant 0 : i32
    %c0_i32_0 = arith.constant 0 : i32
    return %arg0, %c0_i32 : i32, i32
  }
}

module attributes {stable_mosaic.version = 14 : i64} {
  func.func @_dec_body(%arg0: i32, %arg1: memref<1024x128xf32, #tpu.memory_space<vmem>>, %arg2: memref<128x128xf32, #tpu.memory_space<vmem>>, %arg3: memref<1x128xf32, #tpu.memory_space<vmem>>, %arg4: memref<1x128xf32, #tpu.memory_space<vmem>>, %arg5: memref<1024x1xf32, #tpu.memory_space<vmem>>) attributes {dimension_semantics = [#tpu.dimension_semantics<arbitrary>], iteration_bounds = array<i64: 10>, scalar_prefetch = 0 : i64, scratch_operands = 0 : i64, tpu.core_type = #tpu.core_type<tc>, window_params = [{transform_indices = @transform_0, window_bounds = array<i64: 1024, 128>}, {pipeline_mode = #tpu.pipeline_mode<synchronous>, transform_indices = @transform_1, window_bounds = array<i64: 128, 128>}, {pipeline_mode = #tpu.pipeline_mode<synchronous>, transform_indices = @transform_2, window_bounds = array<i64: 1, 128>}, {pipeline_mode = #tpu.pipeline_mode<synchronous>, transform_indices = @transform_3, window_bounds = array<i64: 1, 128>}, {transform_indices = @transform_4, window_bounds = array<i64: 1024, 1>}]} {
    %get3A = arith.constant 0 : index
    %get3A_0 = arith.constant 0 : index
    %get3A_1 = vector.load %arg1[%get3A, %get3A_0] : memref<1024x128xf32, #tpu.memory_space<vmem>>, vector<1024x128xf32>
    %get3A_2 = arith.constant 0 : index
    %get3A_3 = arith.constant 0 : index
    %get3A_4 = vector.load %arg2[%get3A_2, %get3A_3] : memref<128x128xf32, #tpu.memory_space<vmem>>, vector<128x128xf32>
    %dot_general3A = arith.constant dense<0.000000e+00> : vector<1024x128xf32>
    %dot_general3A_5 = tpu.matmul %get3A_1, %get3A_4, %dot_general3A {dimension_numbers = #tpu.dot_dimension_numbers<[1], [0], [0], [1], [0, 0, 1, 1], [], []>, transpose_lhs_hint = false} : vector<1024x128xf32>, vector<128x128xf32>, vector<1024x128xf32> -> vector<1024x128xf32>
    %get3A_6 = arith.constant 0 : index
    %get3A_7 = arith.constant 0 : index
    %get3A_8 = vector.load %arg3[%get3A_6, %get3A_7] : memref<1x128xf32, #tpu.memory_space<vmem>>, vector<1x128xf32>
    %add3A = vector.broadcast %get3A_8 : vector<1x128xf32> to vector<1024x128xf32>
    %add3A_9 = arith.addf %dot_general3A_5, %add3A : vector<1024x128xf32>
    %get3A_10 = arith.constant 0 : index
    %get3A_11 = arith.constant 0 : index
    %get3A_12 = vector.load %arg4[%get3A_10, %get3A_11] : memref<1x128xf32, #tpu.memory_space<vmem>>, vector<1x128xf32>
    %mul3A = arith.mulf %get3A_12, %get3A_12 : vector<1x128xf32>
    %reduce_sum3A = vector.shape_cast %mul3A : vector<1x128xf32> to vector<1x1x128xf32>
    %reduce_sum3A_13 = arith.constant dense<0.000000e+00> : vector<1xf32>
    %reduce_sum3A_14 = vector.multi_reduction <add>, %reduce_sum3A, %reduce_sum3A_13 [1, 2] : vector<1x1x128xf32> to vector<1xf32>
    %reduce_sum3A_15 = vector.shape_cast %reduce_sum3A_14 : vector<1xf32> to vector<1x1x1xf32>
    %reduce_sum3A_16 = vector.extract %reduce_sum3A_15[0, 0, 0] : f32 from vector<1x1x1xf32>
    %max3A = arith.constant 1.000000e-24 : f32
    %max3A_17 = arith.maximumf %reduce_sum3A_16, %max3A : f32
    %rsqrt3A = math.rsqrt %max3A_17 : f32
    %mul3A_18 = vector.broadcast %rsqrt3A : f32 to vector<1x128xf32>
    %mul3A_19 = arith.mulf %get3A_12, %mul3A_18 : vector<1x128xf32>
    %mul3A_20 = vector.broadcast %mul3A_19 : vector<1x128xf32> to vector<1024x128xf32>
    %mul3A_21 = arith.mulf %add3A_9, %mul3A_20 : vector<1024x128xf32>
    %reduce_sum3A_22 = arith.constant dense<0.000000e+00> : vector<1024xf32>
    %reduce_sum3A_23 = vector.multi_reduction <add>, %mul3A_21, %reduce_sum3A_22 [1] : vector<1024x128xf32> to vector<1024xf32>
    %broadcast_in_dim3A = vector.shape_cast %reduce_sum3A_23 : vector<1024xf32> to vector<1024x1xf32>
    %mul3A_24 = arith.mulf %add3A_9, %add3A_9 : vector<1024x128xf32>
    %reduce_sum3A_25 = arith.constant dense<0.000000e+00> : vector<1024xf32>
    %reduce_sum3A_26 = vector.multi_reduction <add>, %mul3A_24, %reduce_sum3A_25 [1] : vector<1024x128xf32> to vector<1024xf32>
    %broadcast_in_dim3A_27 = vector.shape_cast %reduce_sum3A_26 : vector<1024xf32> to vector<1024x1xf32>
    %sqrt3A = math.sqrt %broadcast_in_dim3A_27 : vector<1024x1xf32>
    %max3A_28 = arith.constant 9.99999996E-13 : f32
    %max3A_29 = vector.broadcast %max3A_28 : f32 to vector<1024x1xf32>
    %max3A_30 = arith.maximumf %sqrt3A, %max3A_29 : vector<1024x1xf32>
    %div3A = arith.divf %broadcast_in_dim3A, %max3A_30 : vector<1024x1xf32>
    %swap3A = arith.constant 0 : index
    %swap3A_31 = arith.constant 0 : index
    %swap3A_32 = vector.load %arg5[%swap3A, %swap3A_31] : memref<1024x1xf32, #tpu.memory_space<vmem>>, vector<1024x1xf32>
    tpu.vector_store %arg5[%swap3A, %swap3A_31], %div3A {strides = array<i32>} : memref<1024x1xf32, #tpu.memory_space<vmem>>, vector<1024x1xf32>,
    return
  }
  func.func @transform_0(%arg0: i32) -> (i32, i32) {
    %c0_i32 = arith.constant 0 : i32
    %c0_i32_0 = arith.constant 0 : i32
    return %arg0, %c0_i32 : i32, i32
  }
  func.func @transform_1(%arg0: i32) -> (i32, i32) {
    %c0_i32 = arith.constant 0 : i32
    %c0_i32_0 = arith.constant 0 : i32
    %c0_i32_1 = arith.constant 0 : i32
    return %c0_i32, %c0_i32_0 : i32, i32
  }
  func.func @transform_2(%arg0: i32) -> (i32, i32) {
    %c0_i32 = arith.constant 0 : i32
    %c0_i32_0 = arith.constant 0 : i32
    %c0_i32_1 = arith.constant 0 : i32
    return %c0_i32, %c0_i32_0 : i32, i32
  }
  func.func @transform_3(%arg0: i32) -> (i32, i32) {
    %c0_i32 = arith.constant 0 : i32
    %c0_i32_0 = arith.constant 0 : i32
    %c0_i32_1 = arith.constant 0 : i32
    return %c0_i32, %c0_i32_0 : i32, i32
  }
  func.func @transform_4(%arg0: i32) -> (i32, i32) {
    %c0_i32 = arith.constant 0 : i32
    %c0_i32_0 = arith.constant 0 : i32
    return %arg0, %c0_i32 : i32, i32
  }
}

</mosaic_0001>

<sc_bundles>
// kernel: kernel.10.cloned.1.call-start
scs
__scs_entry_jumppad:
0x0: {  	(pc) =	sbr.rel $0x88, $3  }
0x1: {  	(tag) =	ssettag $0x0;
	lr =	simm.s32 $0x1  }
0x2: {  	[smem:$0x3F93] =	sst lr;
	_ =	strace $0xD0000000  }
0x3: {  	_ = 	snop  }
0x4: {  	_ = 	snop  }
0x5: {  	_ = 	snop  }
0x6: {  	_ = 	snop  }
0x7: {  	_ = 	snop  }
__scs_overlays_trampoline_lowered:
0x8: {  	[smem:$0x3FA2] =	sst s0  }
0x9: {  	[smem:$0x3FA3] =	sst s1  }
0xa: {  	[smem:$0x3FA4] =	sst s2  }
0xb: {  	[smem:$0x3FA5] =	sst s3  }
0xc: {  	[smem:$0x3FA6] =	sst s4  }
0xd: {  	[smem:$0x3FA7] =	sst s5  }
0xe: {  	[smem:$0x3FA8] =	sst s6  }
0xf: {  	[smem:$0x3FA9] =	sst s7  }
0x10: {  	[smem:$0x3FAA] =	sst s8  }
0x11: {  	[smem:$0x3FAB] =	sst s9;
	s0 =	simm.s32 @!p0 $0x0  }
0x12: {  	s1 =	sld [smem:$0x3F91];
	s0 =	simm.s32 @p0 $0x1  }
0x13: {  	[smem:$0x3FAC] =	sst s0;
	s0 =	simm.s32 @!p1 $0x0  }
0x14: {  	s2 =	sld [smem:$0x3F90];
	s0 =	simm.s32 @p1 $0x1  }
0x15: {  	[smem:$0x3FAD] =	sst s0;
	s0 =	simm.s32 @!p2 $0x0  }
0x16: {  	s3 =	sld [smem:$0x3FDB];
	s0 =	simm.s32 @p2 $0x1  }
0x17: {  	s4 =	simm.s32 $0x1BF5;
	[smem:$0x3FAF] =	sst s0  }
0x18: {  	s0 =	sld [smem:$0x3F92];
	_ =	swait.ge [sflag:s4], $0x0  }
0x19: {  	s7 =	sld [smem:$0x3F93]  }
0x1a: {  	s8 =	sadd.s32 $0xFFFFE003, lr  }
0x1b: {  	s9 =	sadd.s32 $0xFFFFFEF7, lr;
	s5 =	simm.s32 $0xFFFFFFFF;
	p2 =	slt.u32 s8, $0xFFFFF086  }
0x1c: {  	p1 =	slt.u32 s9, $0xF7A;
	s5 =	simm.s32 @!p2 $0x0  }
0x1d: {  	s5 =	simm.s32 @p1 $0x1;
	p0 =	seq.s32 s7, s2  }
0x1e: {  	s7 =	smul.u32 @!p0 $0xF7A, s2;
	p2 =	seq.s32 @!p0 s5, $0x0  }
0x1f: {  	s9 =	smul.u32 $0xF7A, s1;
	s8 =	simm.s32 @!p0 $0x1BF5;
	p2 =	por !p2, p0  }
0x20: {  	[sflag:s8] =	ssyncset.s32 @!p0 $0xFFFFF086;
	s6 =	sadd.s32 @!p0 s3, s7;
	s7 =	simm.s32 @!p0 $0x108  }
0x21: {  	s3 =	sadd.s32 s3, s9;
	s6 =	sadd.s32 @!p0 $0x88, s6;
	s7 =	simm.s32 @p2 $0x1082  }
0x22: {  	[simem:s7], [sflag:s8] =	dma.local @!p0 [hbm:s6], $0xF7A  }
0x23: {  	s9 =	sor.u32 $0xD0000000, s2;
	s6 =	simm.s32 $0x108;
	_ =	swait.ge @!p0 [sflag:s8], $0x0  }
0x24: {  	s3 =	sadd.s32 $0x88, s3;
	s6 =	simm.s32 @!p1 $0x1082;
	[sflag:s4] =	ssyncset.s32 $0xFFFFF086  }
0x25: {  	[simem:s6], [sflag:s4] =	dma.local [hbm:s3], $0xF7A  }
0x26: {  	[smem:$0x3F93] =	sst s1;
	(tag) =	ssettag s2;
	_ =	strace s9  }
0x27: {  	s1 =	sld [smem:$0x3FA3]  }
0x28: {  	s2 =	sld [smem:$0x3FA4]  }
0x29: {  	s4 =	sld [smem:$0x3FA6]  }
0x2a: {  	p0 =	seq.s32 s5, $0x0;
	s5 =	sld [smem:$0x3FA7]  }
0x2b: {  	s6 =	sld [smem:$0x3FA8]  }
0x2c: {  	s7 =	sld [smem:$0x3FA9]  }
0x2d: {  	s3 =	simm.s32 $0x108;
	s8 =	sld [smem:$0x3FAA]  }
0x2e: {  	s3 =	simm.s32 @!p0 $0x1082;
	s9 =	sld [smem:$0x3FAB]  }
0x2f: {  	lr =	sadd.s32 s0, s3;
	s0 =	sld [smem:$0x3FA2]  }
0x30: {  	s3 =	sld [smem:$0x3FA5]  }
0x31: {  	[smem:$0x3FAE] =	sst s10  }
0x32: {  	s10 =	sld [smem:$0x3FAC];
	_ =	sdelay $0x3  }
0x33: {  	p0 =	seq.s32 s10, $0x1;
	s10 =	sld [smem:$0x3FAE];
	_ =	sdelay $0x3  }
0x34: {  	[smem:$0x3FAE] =	sst s10  }
0x35: {  	s10 =	sld [smem:$0x3FAD];
	_ =	sdelay $0x3  }
0x36: {  	p1 =	seq.s32 s10, $0x1;
	s10 =	sld [smem:$0x3FAE];
	_ =	sdelay $0x3  }
0x37: {  	[smem:$0x3FAE] =	sst s10  }
0x38: {  	s10 =	sld [smem:$0x3FAF]  }
0x39: {  	_ = 	snop;
	(pc) =	sbr.ind lr, $3  }
0x3a: {  	_ = 	snop  }
0x3b: {  	_ = 	snop  }
0x3c: {  	p2 =	seq.s32 s10, $0x1;
	s10 =	sld [smem:$0x3FAE]  }
0x3d: {  	_ =	shalt  }
0x3e: {  	_ =	shalt  }
0x3f: {  	_ =	shalt  }
0x40: {  	_ =	shalt  }
0x41: {  	_ =	shalt  }
0x42: {  	_ =	shalt  }
0x43: {  	_ =	shalt  }
0x44: {  	_ =	shalt  }
0x45: {  	_ =	shalt  }
0x46: {  	_ =	shalt  }
0x47: {  	_ =	shalt  }
0x48: {  	_ =	shalt  }
0x49: {  	_ =	shalt  }
0x4a: {  	_ =	shalt  }
0x4b: {  	_ =	shalt  }
0x4c: {  	_ =	shalt  }
0x4d: {  	_ =	shalt  }
0x4e: {  	_ =	shalt  }
0x4f: {  	_ =	shalt  }
0x50: {  	_ =	shalt  }
0x51: {  	_ =	shalt  }
0x52: {  	_ =	shalt  }
0x53: {  	_ =	shalt  }
0x54: {  	_ =	shalt  }
0x55: {  	_ =	shalt  }
0x56: {  	_ =	shalt  }
0x57: {  	_ =	shalt  }
0x58: {  	_ =	shalt  }
0x59: {  	_ =	shalt  }
0x5a: {  	_ =	shalt  }
0x5b: {  	_ =	shalt  }
0x5c: {  	_ =	shalt  }
0x5d: {  	_ =	shalt  }
0x5e: {  	_ =	shalt  }
0x5f: {  	_ =	shalt  }
0x60: {  	_ =	shalt  }
0x61: {  	_ =	shalt  }
0x62: {  	_ =	shalt  }
0x63: {  	_ =	shalt  }
0x64: {  	_ =	shalt  }
0x65: {  	_ =	shalt  }
0x66: {  	_ =	shalt  }
0x67: {  	_ =	shalt  }
0x68: {  	_ =	shalt  }
0x69: {  	_ =	shalt  }
0x6a: {  	_ =	shalt  }
0x6b: {  	_ =	shalt  }
0x6c: {  	_ =	shalt  }
0x6d: {  	_ =	shalt  }
0x6e: {  	_ =	shalt  }
0x6f: {  	_ =	shalt  }
0x70: {  	_ =	shalt  }
0x71: {  	_ =	shalt  }
0x72: {  	_ =	shalt  }
0x73: {  	_ =	shalt  }
0x74: {  	_ =	shalt  }
0x75: {  	_ =	shalt  }
0x76: {  	_ =	shalt  }
0x77: {  	_ =	shalt  }
0x78: {  	_ =	shalt  }
0x79: {  	_ =	shalt  }
0x7a: {  	_ =	shalt  }
0x7b: {  	_ =	shalt  }
0x7c: {  	_ =	shalt  }
0x7d: {  	_ =	shalt  }
0x7e: {  	_ =	shalt  }
0x7f: {  	_ =	shalt  }
0x80: {  	_ =	shalt  }
0x81: {  	_ =	shalt  }
0x82: {  	_ =	shalt  }
0x83: {  	_ =	shalt  }
0x84: {  	_ =	shalt  }
0x85: {  	_ =	shalt  }
0x86: {  	_ =	shalt  }
0x87: {  	_ =	shalt  }
.Lfunc_end0:
.L_simem_size_0:
called_computation_lowered:
.L_overlay_start_0:
0x88: {  	s2 =	sld [smem:$0x3FD9]  }
0x89: {  	s3 =	sld [smem:$0x3FFE];
	_ =	sdelay $0x1  }
0x8a: {  	s1 =	srdreg.scid  }
0x8b: {  	s0 =	sand.u32 $0x1, s1  }
0x8c: {  	s17 =	sshll.u32 s0, $0xA;
	s2 =	sadd.s32 s3, s2  }
0x8d: {  	s2 =	sadd.s32 s2, s17  }
0x8e: {  	[smem:$0x3FBA] =	sst s2  }
0x8f: {  	_ = 	snop  }
0x90: {  	s2 =	sld [smem:$0x3FD0];
	(tm) =	ssettm $0x1  }
0x91: {  	s18 =	sld [smem:$0x3FFB];
	_ =	sdelay $0x3  }
0x92: {  	_ =	strace s18  }
0x93: {  	s3 =	sld [smem:$0x3FFC];
	_ =	sdelay $0x3  }
0x94: {  	_ =	strace s3  }
0x95: {  	s3 =	sld [smem:$0x3FFD];
	_ =	sdelay $0x3  }
0x96: {  	_ =	strace s3  }
0x97: {  	_ =	strace $0x8FFFFFFF  }
0x98: {  	s19 =	sld [smem:$0x3FDB];
	_ =	sdelay $0x1  }
0x99: {  	s4 =	simm.s32 $_scs_section_size  }
0x9a: {  	s5 =	simm.s32 $_size__tile_overlayer_lowered;
	s6 =	simm.s32 $_tile_overlayer_lowered  }
0x9b: {  	s22 =	simm.s32 $0x1BFF;
	s21 =	sshll.u32 s6, $0x1;
	s3 =	sadd.s32 s4, s19  }
0x9c: {  	s7 =	simm.s32 $0x0;
	s20 =	sshll.u32 s5, $0x1;
	s5 =	sadd.s32 s21, s3  }
0x9d: {  	[timem:s7], [sflag:s22] =	dma.local [hbm:s5], s20  }
0x9e: {  	_ =	swait.ge [sflag:s22], s20  }
0x9f: {  	s4 =	ssub.s32 $0x0, s20;
	[sflag:s22] =	ssyncset.done $0x0  }
0xa0: {  	[sflag:s22] =	ssyncadd.s32 s4;
	_ =	sdelay $0x1  }
0xa1: {  	s23 =	simm.s32 $0x1B8B  }
0xa2: {  	_ =	swait.ge [sflag:s23], $0x1  }
0xa3: {  	[sflag:s23] =	ssyncset.done $0x0  }
0xa4: {  	s25 =	simm.s32 $0x1B8E;
	s24 =	sld [smem:$0x3FFE];
	[sflag:s23] =	ssyncadd.s32 $0xFFFFFFFF  }
0xa5: {  	s26 =	simm.s32 $execute0_lowered;
	[smem:$0x3FD2] =	sst s25  }
0xa6: {  	s5 =	sshll.u32 s26, $0x1;
	_ =	strace $0x80000046;
	[dreg:$0x1] =	wrdreg $0xFFFFFFFF  }
0xa7: {  	s28 =	simm.s32 $_size_execute0_lowered;
	s3 =	sadd.s32 s3, s5;
	[dreg:$0x0] =	wrdreg $0x0  }
0xa8: {  	s5 =	sshll.u32 s28, $0x1;
	[dreg:$0x2] =	wrdreg s3  }
0xa9: {  	[dreg:$0x3] =	wrdreg s5  }
0xaa: {  	[dreg:$0x4] =	wrdreg $0xC0  }
0xab: {  	_ =	task [dreg:s7], $0x5FFFF  }
0xac: {  	[dreg:$0x1] =	wrdreg $0xFFFFFFFF  }
0xad: {  	[dreg:$0x0] =	wrdreg $0x60  }
0xae: {  	[dreg:$0x2] =	wrdreg s24  }
0xaf: {  	[dreg:$0x3] =	wrdreg s2  }
0xb0: {  	[dreg:$0x4] =	wrdreg $0x9  }
0xb1: {  	_ =	task.clear_ibuf [dreg:s7], $0x5FFFF;
	_ =	strace $0x90000046  }
0xb2: {  	s29 =	simm.s32 $0x9;
	_ =	strace $0x80000048  }
0xb3: {  	_ =	swait.ge [sflag:s29], $0x1  }
0xb4: {  	[sflag:s29] =	ssyncadd.s32 $0xFFFFFFFF  }
0xb5: {  	_ =	strace $0x90000048  }
0xb6: {  	_ =	sfence  }
0xb7: {  	s30 =	sld [smem:$0x0];
	_ =	sdelay $0x2  }
0xb8: {  	s31 =	sshll.u32 s1, $0xD;
	s1 =	sshrl.u32 s1, $0x2  }
0xb9: {  	s3 =	sand.u32 $0x4000, s31;
	s1 =	sadd.s32 s1, s30  }
0xba: {  	s0 =	sor.u32 s3, s0;
	s1 =	sshll.u32 s1, $0x11  }
0xbb: {  	s0 =	sor.u32 s1, s0  }
0xbc: {  	s0 =	sadd.s32 $0x8F2B, s0  }
0xbd: {  	[sflag:s0] =	ssyncadd.remote.s32 $0x1  }
0xbe: {  	_ =	sfence.sel $0xFFFF  }
0xbf: {  	[dreg:$0x0] =	wrdreg $0xFFFFFFFF;
	(pc) =	sbr.abs _section_cstart, $3  }
0xc0: {  	[dreg:$0x1] =	wrdreg $0xFFFFFFFF  }
0xc1: {  	_ =	task.clear_ibuf [dreg:s7], $0x2FFFF;
	_ =	strace $0x9FFFFFFF  }
0xc2: {  	(tm) =	ssettm $0x7FFFFFFF  }
0xc3: {  	_ =	shalt  }
tec
execute0_lowered:
.L_overlay_start_1:
0x0: {  	(tag) =	ssettag $0x1  }
0x1: {  	s5 =	rddreg [dreg:$0x0]  }
0x2: {  	s7 =	rddreg [dreg:$0x1]  }
0x3: {  	s0 =	rddreg [dreg:$0x2];
	s2 =	simm.s32 $0x0  }
0x4: {  	s3 =	srdreg.scid;
	s1 =	stileid.u32;
	s12 =	simm.s32 $0xBC00  }
0x5: {  	s13 =	simm.s32 $0x0;
	[smem:$0x7FF] =	sst s2;
	s4 =	sand.u32 $0x1, s3  }
0x6: {  	s6 =	sshll.u32 s1, $0x1;
	s3 =	sadd.s32 $0xD400, s5;
	_ =	strace $0x80000047  }
0x7: {  	s8 =	ssub.s32 $0x2, s4;
	s6 =	sor.u32 s4, s6;
	s4 =	sadd.s32 $0x3600, s5  }
0x8: {  	s5 =	sadd.s32 $0x17200, s5;
	s9 =	sshrl.u32 s8, $0x1;
	s10 =	smul.u32 $0x140, s6  }
0x9: {  	s31 =	sshll.u32 s6, $0x1;
	s6 =	smul.u32 $0x52200, s6;
	s8 =	ssub.s32 s8, s9  }
0xa: {  	v2 =	vimm.s32 $0x0;
	s7 =	sadd.s32 s7, s31;
	s9 =	simm.s32 $0x1;
	s11 =	sadd.s32 $0x140, s10  }
0xb: {  	v3 =	vimm.s32 $0x140;
	v0 =	vmov s10;
	s8 =	smax.u32 s8, $0x1;
	s10 =	simm.s32 $0x3E80;
	v1 =	vmov s11;
	s11 =	simm.s32 $0x7D00  }
.LBB2_1:
0xc: {  	s14 =	simm.s32 $0x0;
	s15 =	simm.s32 $0x0  }
.LBB2_2:
0xd: {  	s17 =	smul.u32 $0x7D0, s15;
	_ =	sdelay $0x1  }
0xe: {  	s16 =	simm.s32 $0x0;
	s18 =	sadd.s32 s3, s17  }
0xf: {  	[tilespmem:s16], [sflag:$0x1] =	stream.linear.gather [hbm4b:s18+s16], $0x3E80, $0x38;
	[tilespmem:$0xBC80] =	vst v63  }
0x10: {  	_ =	swait.ge [sflag:s9], $0x3E80  }
0x11: {  	[sflag:s9] =	ssyncset.done $0x0  }
0x12: {  	s17 =	sadd.s32 s4, s17;
	[sflag:s9] =	ssyncadd.s32 $0xFFFFC180  }
0x13: {  	[tilespmem:s10], [sflag:$0x1] =	stream.linear.gather [hbm4b:s17+s16], $0x3E80, $0x38;
	[tilespmem:$0xBC80] =	vst v63  }
0x14: {  	_ =	swait.ge [sflag:s9], $0x3E80  }
0x15: {  	[sflag:s9] =	ssyncset.done $0x0  }
0x16: {  	s31 =	simm.s32 $0x0;
	[sflag:s9] =	ssyncadd.s32 $0xFFFFC180  }
0x17: {  	v4 =	vld [tilespmem:s31+$0x3E80];
	_ =	sdelay $0x1  }
0x18: {  	v5 =	vld [tilespmem:s31+$0x0];
	_ =	sdelay $0x2  }
0x19: {  	vm0 =	vge.s32 v4, v0;
	vm1 =	vlt.s32 v4, v1  }
0x1a: {  	vm0 =	vmand vm0, vm1  }
0x1b: {  	v5 =	vshll.u32 v5, $0x9;
	v4 =	vsub.s32 v4, v0;
	v6 =	vsel vm0, $0x1, v2  }
0x1c: {  	v4 =	vadd.s32 v5, v4;
	v5 =	vxor.u32 $0x80000001, v6  }
0x1d: {  	(xrf1) =	vsort.ascd.msk.u32 $0xffff, v5, v4;
	v4 =	vmpcnt.ones.xlane vm0;
	_ =	sdelay $0x1  }
0x1e: {  	(v2sf) =	vpush v4, $0x0;
	_ =	sdelay $0xd  }
0x1f: {  	s18 =	simm.s32 $0x40;
	s17 =	simm.s32 $0x80;
	_, v4, _ =	vpop (xrf1)  }
.LBB2_3:
0x20: {  	p0 =	sne.s32 s17, $0xF9C0;
	s19 =	sshra.s32 s18, $0x2;
	[tilespmem:s16+$0x7D00] =	vst v4;
	s18 =	spop (v2sf)  }
0x21: {  	v4 =	vld [tilespmem:s19+$0x3E80];
	s16 =	sadd.s32 s16, s18;
	s18 =	smov.u32 s17  }
0x22: {  	v5 =	vld [tilespmem:s19+$0x0];
	_ =	sdelay $0x3  }
0x23: {  	vm0 =	vge.s32 v4, v0;
	vm1 =	vlt.s32 v4, v1  }
0x24: {  	vm0 =	vmand vm0, vm1;
	v5 =	vshll.u32 v5, $0x9  }
0x25: {  	v4 =	vsub.s32 v4, v0;
	v6 =	vsel vm0, $0x1, v2;
	v7 =	vmpcnt.ones.xlane vm0  }
0x26: {  	v4 =	vadd.s32 v5, v4;
	v5 =	vxor.u32 $0x80000001, v6  }
0x27: {  	(xrf1) =	vsort.ascd.msk.u32 $0xffff, v5, v4;
	(v2sf) =	vpush v7, $0x0;
	_ =	sdelay $0x9  }
.Ltmp0:
0x28: {  	(pc) =	sbr.rel @p0 .LBB2_3-.Ltmp0, $2  }
0x29: {  	_ =	sdelay $0x2  }
0x2a: {  	s17 =	sadd.s32 $0x40, s17;
	_, v4, _ =	vpop (xrf1)  }
0x2b: {  	s17 =	sshra.s32 s18, $0x2;
	[tilespmem:s16+$0x7D00] =	vst v4  }
0x2c: {  	v4 =	vld [tilespmem:s17+$0x3E80];
	_ =	sdelay $0x4  }
0x2d: {  	vm0 =	vge.s32 v4, v0;
	vm1 =	vlt.s32 v4, v1  }
0x2e: {  	vm0 =	vmand vm0, vm1  }
0x2f: {  	v5 =	vmpcnt.ones.xlane vm0;
	_ =	sdelay $0x1  }
0x30: {  	v6 =	vld [tilespmem:s17+$0x0];
	(v2sf) =	vpush v5, $0x0;
	_ =	sdelay $0x4  }
0x31: {  	v4 =	vsub.s32 v4, v0;
	v63 =	vsel vm0, $0x1, v2;
	v5 =	vshll.u32 v6, $0x9  }
0x32: {  	v4 =	vadd.s32 v5, v4;
	v5 =	vxor.u32 $0x80000001, v63  }
0x33: {  	(xrf1) =	vsort.ascd.msk.u32 $0xffff, v5, v4;
	_ =	sdelay $0x6  }
0x34: {  	s24 =	spop (v2sf)  }
0x35: {  	s25 =	sadd.s32 s16, s24;
	s26 =	spop (v2sf)  }
0x36: {  	s17 =	sadd.s32 s25, s26  }
0x37: {  	s28 =	sadd.s32 $0xF, s17  }
0x38: {  	s29 =	sadd.s32 s6, s14;
	s20 =	sand.u32 $0xF, s28  }
0x39: {  	s19 =	sshra.s32 s28, $0x1F;
	p1 =	slt.s32 s28, $0x1;
	p0 =	sne.s32 s20, $0x0  }
0x3a: {  	s15 =	sadd.s32 $0x1, s15;
	s19 =	sshrl.u32 s19, $0x1C;
	p0 =	por !p1, !p0  }
0x3b: {  	s16 =	simm.s32 $0x1;
	_, v4, _ =	vpop (xrf1);
	s18 =	sadd.s32 s19, s28;
	p0 =	por !p0, !p0  }
0x3c: {  	[tilespmem:s25+$0x7D00] =	vst v4;
	s19 =	sshrl.u32 s29, $0x3;
	s16 =	simm.s32 @!p0 $0x0;
	p0 =	sne.s32 s15, $0x14  }
.Ltmp1:
0x3d: {  	[tilespmem:s17+$0x7D00] =	vst v3;
	s30 =	sshrl.u32 s18, $0x4;
	s31 =	sadd.s32 s5, s19;
	(pc) =	sbr.rel @p0 .LBB2_2-.Ltmp1, $4  }
0x3e: {  	[hbm4b:s31+s2] =	stream.linear.scatter [tilespmem:s11], [sflag:$0x1], $0x3E80, $0x38;
	[tilespmem:$0xBC80] =	vst v63  }
0x3f: {  	s16 =	ssub.s32 s30, s16;
	_ =	swait.ge [sflag:s9], $0x3E80  }
0x40: {  	s16 =	sshll.u32 s16, $0x4;
	[sflag:s9] =	ssyncset.done $0x0  }
0x41: {  	[sflag:s9] =	ssyncadd.s32 $0xFFFFC180;
	s14 =	sadd.s32 s14, s16  }
0x42: {  	s15 =	sadd.s32 s6, s14;
	s30 =	sadd.s32 $0x1F, s14  }
0x43: {  	[tilespmem:$0x7D00] =	vst v3;
	s15 =	sshrl.u32 s15, $0x3;
	s31 =	sshra.s32 s30, $0x1F  }
0x44: {  	[tilespmem:$0x7D10] =	vst v3;
	s15 =	sadd.s32 s5, s15;
	s16 =	sshrl.u32 s31, $0x1B  }
0x45: {  	[hbm4b:s15+s2] =	stream.linear.scatter [tilespmem:s11], [sflag:$0x1], $0x20, $0x38;
	[tilespmem:$0xBC80] =	vst v63  }
0x46: {  	s14 =	sadd.s32 s16, s30  }
0x47: {  	_ =	swait.ge [sflag:s9], $0x20;
	s14 =	sshra.s32 s14, $0x5  }
0x48: {  	s13 =	sadd.s32 $0x1, s13;
	[sflag:s9] =	ssyncset.done $0x0;
	s14 =	sadd.s32 s31, s14  }
0x49: {  	p0 =	sne.s32 s13, s8;
	[sflag:s9] =	ssyncadd.s32 $0xFFFFFFE0;
	v4 =	vmov s14  }
.Ltmp2:
0x4a: {  	[tilespmem:$0xBC00] =	vst v4;
	(pc) =	sbr.rel @p0 .LBB2_1-.Ltmp2, $4  }
0x4b: {  	[hbm4b:s7+s2] =	stream.linear.scatter [tilespmem:s12], [sflag:$0x1], $0x10, $0x38;
	[tilespmem:$0xBC80] =	vst v63  }
0x4c: {  	_ =	swait.ge [sflag:s9], $0x10  }
0x4d: {  	[sflag:s9] =	ssyncset.done $0x0  }
0x4e: {  	[sflag:s9] =	ssyncadd.s32 $0xFFFFFFF0  }
0x4f: {  	_ =	sfence.sel $0x180000  }
0x50: {  	[bflag:$0x0] =	sbarrier.arrive $0xFFFF  }
0x51: {  	p0 =	sne.s32 s1, $0x0;
	_ =	strace $0x90000047  }
0x52: {  	s0 =	sadd.s32 @!p0 $0x100000, s0;
	[bflag:$0x2] =	sbarrier.arrive $0xFFFF  }
0x53: {  	[sflag:s0] =	ssyncadd.tile.s32 @!p0 $0x1;
	_ =	shalt  }
.Lfunc_end2:
_tile_overlayer_lowered:
.L_overlay_start_2:
0x54: {  	(tag) =	ssettag $0x2  }
0x55: {  	s0 =	rddreg [dreg:$0x0];
	s2 =	stileid.u32  }
0x56: {  	s1 =	rddreg [dreg:$0x1];
	p0 =	sne.s32 s2, $0x0  }
0x57: {  	s3 =	rddreg [dreg:$0x2];
	[bflag:$0x3] =	sbarrier.arrive $0xFFFF;
	s2 =	simm.s32 @!p0 $0x1C01  }
0x58: {  	[timem:s3], [sflag:s2] =	dma.local @!p0 [hbm:s0], s1  }
0x59: {  	s0 =	simm.s32 @!p0 $0x1  }
0x5a: {  	_ =	swait.ge @!p0 [sflag:s0], s1  }
0x5b: {  	s1 =	ssub.s32 @!p0 $0x0, s1;
	[sflag:s0] =	ssyncset.done @!p0 $0x0  }
0x5c: {  	[sflag:s0] =	ssyncadd.s32 @!p0 s1  }
0x5d: {  	[bflag:$0x3] =	sbarrier.arrive $0xFFFF  }
0x5e: {  	_ =	shalt  }

// kernel: kernel.13.cloned.1.call-start
scs
__scs_entry_jumppad:
0x0: {  	(pc) =	sbr.rel $0x88, $3  }
0x1: {  	(tag) =	ssettag $0x0;
	lr =	simm.s32 $0x1  }
0x2: {  	[smem:$0x3F93] =	sst lr;
	_ =	strace $0xD0000000  }
0x3: {  	_ = 	snop  }
0x4: {  	_ = 	snop  }
0x5: {  	_ = 	snop  }
0x6: {  	_ = 	snop  }
0x7: {  	_ = 	snop  }
__scs_overlays_trampoline_lowered:
0x8: {  	[smem:$0x3FA2] =	sst s0  }
0x9: {  	[smem:$0x3FA3] =	sst s1  }
0xa: {  	[smem:$0x3FA4] =	sst s2  }
0xb: {  	[smem:$0x3FA5] =	sst s3  }
0xc: {  	[smem:$0x3FA6] =	sst s4  }
0xd: {  	[smem:$0x3FA7] =	sst s5  }
0xe: {  	[smem:$0x3FA8] =	sst s6  }
0xf: {  	[smem:$0x3FA9] =	sst s7  }
0x10: {  	[smem:$0x3FAA] =	sst s8  }
0x11: {  	[smem:$0x3FAB] =	sst s9;
	s0 =	simm.s32 @!p0 $0x0  }
0x12: {  	s1 =	sld [smem:$0x3F91];
	s0 =	simm.s32 @p0 $0x1  }
0x13: {  	[smem:$0x3FAC] =	sst s0;
	s0 =	simm.s32 @!p1 $0x0  }
0x14: {  	s2 =	sld [smem:$0x3F90];
	s0 =	simm.s32 @p1 $0x1  }
0x15: {  	[smem:$0x3FAD] =	sst s0;
	s0 =	simm.s32 @!p2 $0x0  }
0x16: {  	s3 =	sld [smem:$0x3FDB];
	s0 =	simm.s32 @p2 $0x1  }
0x17: {  	s4 =	simm.s32 $0x1BF5;
	[smem:$0x3FAF] =	sst s0  }
0x18: {  	s0 =	sld [smem:$0x3F92];
	_ =	swait.ge [sflag:s4], $0x0  }
0x19: {  	s7 =	sld [smem:$0x3F93]  }
0x1a: {  	s8 =	sadd.s32 $0xFFFFE003, lr  }
0x1b: {  	s9 =	sadd.s32 $0xFFFFFEF7, lr;
	s5 =	simm.s32 $0xFFFFFFFF;
	p2 =	slt.u32 s8, $0xFFFFF086  }
0x1c: {  	p1 =	slt.u32 s9, $0xF7A;
	s5 =	simm.s32 @!p2 $0x0  }
0x1d: {  	s5 =	simm.s32 @p1 $0x1;
	p0 =	seq.s32 s7, s2  }
0x1e: {  	s7 =	smul.u32 @!p0 $0xF7A, s2;
	p2 =	seq.s32 @!p0 s5, $0x0  }
0x1f: {  	s9 =	smul.u32 $0xF7A, s1;
	s8 =	simm.s32 @!p0 $0x1BF5;
	p2 =	por !p2, p0  }
0x20: {  	[sflag:s8] =	ssyncset.s32 @!p0 $0xFFFFF086;
	s6 =	sadd.s32 @!p0 s3, s7;
	s7 =	simm.s32 @!p0 $0x108  }
0x21: {  	s3 =	sadd.s32 s3, s9;
	s6 =	sadd.s32 @!p0 $0x88, s6;
	s7 =	simm.s32 @p2 $0x1082  }
0x22: {  	[simem:s7], [sflag:s8] =	dma.local @!p0 [hbm:s6], $0xF7A  }
0x23: {  	s9 =	sor.u32 $0xD0000000, s2;
	s6 =	simm.s32 $0x108;
	_ =	swait.ge @!p0 [sflag:s8], $0x0  }
0x24: {  	s3 =	sadd.s32 $0x88, s3;
	s6 =	simm.s32 @!p1 $0x1082;
	[sflag:s4] =	ssyncset.s32 $0xFFFFF086  }
0x25: {  	[simem:s6], [sflag:s4] =	dma.local [hbm:s3], $0xF7A  }
0x26: {  	[smem:$0x3F93] =	sst s1;
	(tag) =	ssettag s2;
	_ =	strace s9  }
0x27: {  	s1 =	sld [smem:$0x3FA3]  }
0x28: {  	s2 =	sld [smem:$0x3FA4]  }
0x29: {  	s4 =	sld [smem:$0x3FA6]  }
0x2a: {  	p0 =	seq.s32 s5, $0x0;
	s5 =	sld [smem:$0x3FA7]  }
0x2b: {  	s6 =	sld [smem:$0x3FA8]  }
0x2c: {  	s7 =	sld [smem:$0x3FA9]  }
0x2d: {  	s3 =	simm.s32 $0x108;
	s8 =	sld [smem:$0x3FAA]  }
0x2e: {  	s3 =	simm.s32 @!p0 $0x1082;
	s9 =	sld [smem:$0x3FAB]  }
0x2f: {  	lr =	sadd.s32 s0, s3;
	s0 =	sld [smem:$0x3FA2]  }
0x30: {  	s3 =	sld [smem:$0x3FA5]  }
0x31: {  	[smem:$0x3FAE] =	sst s10  }
0x32: {  	s10 =	sld [smem:$0x3FAC];
	_ =	sdelay $0x3  }
0x33: {  	p0 =	seq.s32 s10, $0x1;
	s10 =	sld [smem:$0x3FAE];
	_ =	sdelay $0x3  }
0x34: {  	[smem:$0x3FAE] =	sst s10  }
0x35: {  	s10 =	sld [smem:$0x3FAD];
	_ =	sdelay $0x3  }
0x36: {  	p1 =	seq.s32 s10, $0x1;
	s10 =	sld [smem:$0x3FAE];
	_ =	sdelay $0x3  }
0x37: {  	[smem:$0x3FAE] =	sst s10  }
0x38: {  	s10 =	sld [smem:$0x3FAF]  }
0x39: {  	_ = 	snop;
	(pc) =	sbr.ind lr, $3  }
0x3a: {  	_ = 	snop  }
0x3b: {  	_ = 	snop  }
0x3c: {  	p2 =	seq.s32 s10, $0x1;
	s10 =	sld [smem:$0x3FAE]  }
0x3d: {  	_ =	shalt  }
0x3e: {  	_ =	shalt  }
0x3f: {  	_ =	shalt  }
0x40: {  	_ =	shalt  }
0x41: {  	_ =	shalt  }
0x42: {  	_ =	shalt  }
0x43: {  	_ =	shalt  }
0x44: {  	_ =	shalt  }
0x45: {  	_ =	shalt  }
0x46: {  	_ =	shalt  }
0x47: {  	_ =	shalt  }
0x48: {  	_ =	shalt  }
0x49: {  	_ =	shalt  }
0x4a: {  	_ =	shalt  }
0x4b: {  	_ =	shalt  }
0x4c: {  	_ =	shalt  }
0x4d: {  	_ =	shalt  }
0x4e: {  	_ =	shalt  }
0x4f: {  	_ =	shalt  }
0x50: {  	_ =	shalt  }
0x51: {  	_ =	shalt  }
0x52: {  	_ =	shalt  }
0x53: {  	_ =	shalt  }
0x54: {  	_ =	shalt  }
0x55: {  	_ =	shalt  }
0x56: {  	_ =	shalt  }
0x57: {  	_ =	shalt  }
0x58: {  	_ =	shalt  }
0x59: {  	_ =	shalt  }
0x5a: {  	_ =	shalt  }
0x5b: {  	_ =	shalt  }
0x5c: {  	_ =	shalt  }
0x5d: {  	_ =	shalt  }
0x5e: {  	_ =	shalt  }
0x5f: {  	_ =	shalt  }
0x60: {  	_ =	shalt  }
0x61: {  	_ =	shalt  }
0x62: {  	_ =	shalt  }
0x63: {  	_ =	shalt  }
0x64: {  	_ =	shalt  }
0x65: {  	_ =	shalt  }
0x66: {  	_ =	shalt  }
0x67: {  	_ =	shalt  }
0x68: {  	_ =	shalt  }
0x69: {  	_ =	shalt  }
0x6a: {  	_ =	shalt  }
0x6b: {  	_ =	shalt  }
0x6c: {  	_ =	shalt  }
0x6d: {  	_ =	shalt  }
0x6e: {  	_ =	shalt  }
0x6f: {  	_ =	shalt  }
0x70: {  	_ =	shalt  }
0x71: {  	_ =	shalt  }
0x72: {  	_ =	shalt  }
0x73: {  	_ =	shalt  }
0x74: {  	_ =	shalt  }
0x75: {  	_ =	shalt  }
0x76: {  	_ =	shalt  }
0x77: {  	_ =	shalt  }
0x78: {  	_ =	shalt  }
0x79: {  	_ =	shalt  }
0x7a: {  	_ =	shalt  }
0x7b: {  	_ =	shalt  }
0x7c: {  	_ =	shalt  }
0x7d: {  	_ =	shalt  }
0x7e: {  	_ =	shalt  }
0x7f: {  	_ =	shalt  }
0x80: {  	_ =	shalt  }
0x81: {  	_ =	shalt  }
0x82: {  	_ =	shalt  }
0x83: {  	_ =	shalt  }
0x84: {  	_ =	shalt  }
0x85: {  	_ =	shalt  }
0x86: {  	_ =	shalt  }
0x87: {  	_ =	shalt  }
.Lfunc_end0:
.L_simem_size_0:
called_computation.1_lowered:
.L_overlay_start_0:
0x88: {  	s2 =	sld [smem:$0x3FD9]  }
0x89: {  	s3 =	sld [smem:$0x3FFE];
	_ =	sdelay $0x1  }
0x8a: {  	s1 =	srdreg.scid  }
0x8b: {  	s0 =	sand.u32 $0x1, s1  }
0x8c: {  	s17 =	sshll.u32 s0, $0xA;
	s2 =	sadd.s32 s3, s2  }
0x8d: {  	s2 =	sadd.s32 s2, s17  }
0x8e: {  	[smem:$0x3FBA] =	sst s2  }
0x8f: {  	_ = 	snop  }
0x90: {  	s2 =	sld [smem:$0x3FD0];
	(tm) =	ssettm $0x1  }
0x91: {  	s18 =	sld [smem:$0x3FFB];
	_ =	sdelay $0x3  }
0x92: {  	_ =	strace s18  }
0x93: {  	s3 =	sld [smem:$0x3FFC];
	_ =	sdelay $0x3  }
0x94: {  	_ =	strace s3  }
0x95: {  	s3 =	sld [smem:$0x3FFD];
	_ =	sdelay $0x3  }
0x96: {  	_ =	strace s3  }
0x97: {  	_ =	strace $0x8FFFFFFF  }
0x98: {  	s19 =	sld [smem:$0x3FDB];
	_ =	sdelay $0x1  }
0x99: {  	s4 =	simm.s32 $_scs_section_size  }
0x9a: {  	s5 =	simm.s32 $_size__tile_overlayer_lowered;
	s6 =	simm.s32 $_tile_overlayer_lowered  }
0x9b: {  	s22 =	simm.s32 $0x1BFF;
	s21 =	sshll.u32 s6, $0x1;
	s3 =	sadd.s32 s4, s19  }
0x9c: {  	s7 =	simm.s32 $0x0;
	s20 =	sshll.u32 s5, $0x1;
	s5 =	sadd.s32 s21, s3  }
0x9d: {  	[timem:s7], [sflag:s22] =	dma.local [hbm:s5], s20  }
0x9e: {  	_ =	swait.ge [sflag:s22], s20  }
0x9f: {  	s4 =	ssub.s32 $0x0, s20;
	[sflag:s22] =	ssyncset.done $0x0  }
0xa0: {  	[sflag:s22] =	ssyncadd.s32 s4;
	_ =	sdelay $0x1  }
0xa1: {  	s23 =	simm.s32 $0x1B8B  }
0xa2: {  	_ =	swait.ge [sflag:s23], $0x1  }
0xa3: {  	[sflag:s23] =	ssyncset.done $0x0  }
0xa4: {  	s25 =	simm.s32 $0x1B8E;
	s24 =	sld [smem:$0x3FFE];
	[sflag:s23] =	ssyncadd.s32 $0xFFFFFFFF  }
0xa5: {  	s26 =	simm.s32 $execute0_lowered;
	[smem:$0x3FD2] =	sst s25  }
0xa6: {  	s5 =	sshll.u32 s26, $0x1;
	_ =	strace $0x80000049;
	[dreg:$0x1] =	wrdreg $0xFFFFFFFF  }
0xa7: {  	s28 =	simm.s32 $_size_execute0_lowered;
	s3 =	sadd.s32 s3, s5;
	[dreg:$0x0] =	wrdreg $0x0  }
0xa8: {  	s5 =	sshll.u32 s28, $0x1;
	[dreg:$0x2] =	wrdreg s3  }
0xa9: {  	[dreg:$0x3] =	wrdreg s5  }
0xaa: {  	[dreg:$0x4] =	wrdreg $0xC0  }
0xab: {  	_ =	task [dreg:s7], $0x5FFFF  }
0xac: {  	[dreg:$0x1] =	wrdreg $0xFFFFFFFF  }
0xad: {  	[dreg:$0x0] =	wrdreg $0x60  }
0xae: {  	[dreg:$0x2] =	wrdreg s24  }
0xaf: {  	[dreg:$0x3] =	wrdreg s2  }
0xb0: {  	[dreg:$0x4] =	wrdreg $0x9  }
0xb1: {  	_ =	task.clear_ibuf [dreg:s7], $0x5FFFF;
	_ =	strace $0x90000049  }
0xb2: {  	s29 =	simm.s32 $0x9;
	_ =	strace $0x8000004B  }
0xb3: {  	_ =	swait.ge [sflag:s29], $0x1  }
0xb4: {  	[sflag:s29] =	ssyncadd.s32 $0xFFFFFFFF  }
0xb5: {  	_ =	strace $0x9000004B  }
0xb6: {  	_ =	sfence  }
0xb7: {  	s30 =	sld [smem:$0x0];
	_ =	sdelay $0x2  }
0xb8: {  	s31 =	sshll.u32 s1, $0xD;
	s1 =	sshrl.u32 s1, $0x2  }
0xb9: {  	s3 =	sand.u32 $0x4000, s31;
	s1 =	sadd.s32 s1, s30  }
0xba: {  	s0 =	sor.u32 s3, s0;
	s1 =	sshll.u32 s1, $0x11  }
0xbb: {  	s0 =	sor.u32 s1, s0  }
0xbc: {  	s0 =	sadd.s32 $0x8F2B, s0  }
0xbd: {  	[sflag:s0] =	ssyncadd.remote.s32 $0x1  }
0xbe: {  	_ =	sfence.sel $0xFFFF  }
0xbf: {  	[dreg:$0x0] =	wrdreg $0xFFFFFFFF;
	(pc) =	sbr.abs _section_cstart, $3  }
0xc0: {  	[dreg:$0x1] =	wrdreg $0xFFFFFFFF  }
0xc1: {  	_ =	task.clear_ibuf [dreg:s7], $0x2FFFF;
	_ =	strace $0x9FFFFFFF  }
0xc2: {  	(tm) =	ssettm $0x7FFFFFFF  }
0xc3: {  	_ =	shalt  }
tec
execute0_lowered:
.L_overlay_start_1:
0x0: {  	(tag) =	ssettag $0x1  }
0x1: {  	s5 =	rddreg [dreg:$0x0]  }
0x2: {  	s6 =	rddreg [dreg:$0x1]  }
0x3: {  	s0 =	rddreg [dreg:$0x2];
	s3 =	srdreg.scid  }
0x4: {  	s1 =	stileid.u32;
	s2 =	simm.s32 $0x0;
	s11 =	simm.s32 $0xA800  }
0x5: {  	s12 =	simm.s32 $0x20;
	s13 =	simm.s32 $0xA880;
	s14 =	simm.s32 $0xA900  }
0x6: {  	s15 =	simm.s32 $0x1;
	s3 =	sand.u32 $0x1, s3;
	s4 =	sshll.u32 s1, $0x1  }
0x7: {  	s16 =	simm.s32 $0x0;
	[smem:$0x7FF] =	sst s2;
	s7 =	sor.u32 s3, s4  }
0x8: {  	_ =	strace $0x8000004A;
	s9 =	ssub.s32 $0x2, s3;
	s3 =	sadd.s32 $0x15FA00, s5  }
0x9: {  	s8 =	smul.u32 $0x1400, s7;
	s10 =	sshrl.u32 s9, $0x1;
	s31 =	sshll.u32 s7, $0x1  }
0xa: {  	s4 =	sadd.s32 $0x17200, s5;
	s9 =	ssub.s32 s9, s10;
	s6 =	sadd.s32 s6, s31  }
0xb: {  	s10 =	simm.s32 $0x2;
	s8 =	sadd.s32 s8, s5;
	s5 =	smul.u32 $0x52200, s7  }
0xc: {  	v0 =	vimm.f32 $-3.000000010e+38;
	s7 =	sadd.s32 $0x187A00, s8;
	s8 =	smax.u32 s9, $0x1;
	s9 =	simm.s32 $0xB900  }
.LBB2_1:
0xd: {  	s17 =	simm.s32 $0x0;
	s18 =	simm.s32 $0x200  }
.LBB2_2:
0xe: {  	p0 =	sne.s32 s18, $0x29E00;
	[tilespmem:s17+$0x70] =	vst v0  }
0xf: {  	[tilespmem:s17+$0x0] =	vst v0  }
0x10: {  	[tilespmem:s17+$0x10] =	vst v0  }
.Ltmp0:
0x11: {  	[tilespmem:s17+$0x20] =	vst v0;
	(pc) =	sbr.rel @p0 .LBB2_2-.Ltmp0, $4  }
0x12: {  	[tilespmem:s17+$0x30] =	vst v0  }
0x13: {  	[tilespmem:s17+$0x40] =	vst v0  }
0x14: {  	[tilespmem:s17+$0x50] =	vst v0  }
0x15: {  	[tilespmem:s17+$0x60] =	vst v0;
	s17 =	sshra.s32 s18, $0x2;
	s18 =	sadd.s32 $0x200, s18  }
0x16: {  	[tilespmem:s17+$0x70] =	vst v0  }
0x17: {  	[tilespmem:s17+$0x0] =	vst v0  }
0x18: {  	[tilespmem:s17+$0x10] =	vst v0  }
0x19: {  	[tilespmem:s17+$0x20] =	vst v0  }
0x1a: {  	[tilespmem:s17+$0x30] =	vst v0  }
0x1b: {  	[tilespmem:s17+$0x40] =	vst v0  }
0x1c: {  	[tilespmem:s17+$0x50] =	vst v0  }
0x1d: {  	[tilespmem:s17+$0x60] =	vst v0;
	s17 =	simm.s32 $0x0  }
0x1e: {  	[tilespmem:s9], [sflag:$0x2] =	stream.linear.gather [hbm4b:s6+s17], $0x10, $0x38;
	[tilespmem:$0xB980] =	vst v63  }
0x1f: {  	_ =	swait.ge [sflag:s10], $0x10  }
0x20: {  	[sflag:s10] =	ssyncset.done $0x0  }
0x21: {  	[sflag:s10] =	ssyncadd.s32 $0xFFFFFFF0  }
0x22: {  	v1 =	vld [tilespmem:$0xB900];
	_ =	sdelay $0x4  }
0x23: {  	(v2sf) =	vpush v1, $0x0;
	_ =	sdelay $0xe  }
0x24: {  	s18 =	spop (v2sf)  }
0x25: {  	p0 =	slt.s32 s18, $0x1  }
.Ltmp1:
0x26: {  	_ = 	snop;
	(pc) =	sbr.rel @p0 .LBB2_7-.Ltmp1, $2  }
0x27: {  	_ =	sdelay $0x2  }
0x28: {  	s19 =	simm.s32 $0x0  }
.LBB2_4:
0x29: {  	s20 =	sshll.u32 s19, $0x5  }
0x2a: {  	s20 =	sadd.s32 s5, s20  }
0x2b: {  	s20 =	sshrl.u32 s20, $0x3  }
0x2c: {  	s20 =	sadd.s32 s4, s20  }
0x2d: {  	[tilespmem:s11], [sflag:$0x2] =	stream.linear.gather [hbm4b:s20+s17], $0x20, $0x38;
	[tilespmem:$0xB980] =	vst v63  }
0x2e: {  	_ =	swait.ge [sflag:s10], $0x20  }
0x2f: {  	[sflag:s10] =	ssyncset.done $0x0  }
0x30: {  	[sflag:s10] =	ssyncadd.s32 $0xFFFFFFE0  }
0x31: {  	v1 =	vld [tilespmem:$0xA800]  }
0x32: {  	v2 =	vld [tilespmem:$0xA810];
	_ =	sdelay $0x3  }
0x33: {  	v1 =	vshrl.u32 v1, $0x9  }
0x34: {  	[tilespmem:$0xA880] =	vst v1;
	v1 =	vshrl.u32 v2, $0x9  }
0x35: {  	[tilespmem:$0xA890] =	vst v1  }
0x36: {  	[tilespmem:s14], [sflag:$0x1] =	stream.indirect.gather [hbm4b:s3+s12], $0x80, s13, s12, $0xb8;
	[tilespmem:$0xB980] =	vst v63  }
0x37: {  	_ =	swait.ge [sflag:s15], $0x1000  }
0x38: {  	[sflag:s15] =	ssyncset.done $0x0  }
0x39: {  	s31 =	simm.s32 $0x0;
	[sflag:s15] =	ssyncadd.s32 $0xFFFFF000  }
0x3a: {  	v1 =	vld [tilespmem:s31+$0xA800];
	_ =	sdelay $0x4  }
0x3b: {  	(v2sf) =	vpush v1, $0x0;
	_ =	sdelay $0xe  }
0x3c: {  	s21 =	spop (v2sf)  }
0x3d: {  	s20 =	simm.s32 $0xA940;
	s21 =	sshll.u32 s21, $0x7  }
0x3e: {  	v1 =	vld [tilespmem:s20+$0xFFFFFFC0];
	s21 =	sand.u32 $0xFF80, s21  }
0x3f: {  	v2 =	vld [tilespmem:s21+$0x0];
	_ =	sdelay $0x4  }
0x40: {  	v1 =	vmax.f32 v2, v1  }
0x41: {  	[tilespmem:s21+$0x0] =	vst v1;
	v1 =	vld [tilespmem:s21+$0x10]  }
0x42: {  	v2 =	vld [tilespmem:s20+$0xFFFFFFD0];
	_ =	sdelay $0x4  }
0x43: {  	v1 =	vmax.f32 v1, v2  }
0x44: {  	[tilespmem:s21+$0x10] =	vst v1;
	v1 =	vld [tilespmem:s21+$0x20]  }
0x45: {  	v2 =	vld [tilespmem:s20+$0xFFFFFFE0];
	_ =	sdelay $0x4  }
0x46: {  	v1 =	vmax.f32 v1, v2  }
0x47: {  	[tilespmem:s21+$0x20] =	vst v1;
	v1 =	vld [tilespmem:s21+$0x30]  }
0x48: {  	v2 =	vld [tilespmem:s20+$0xFFFFFFF0];
	_ =	sdelay $0x4  }
0x49: {  	v1 =	vmax.f32 v1, v2  }
0x4a: {  	[tilespmem:s21+$0x30] =	vst v1;
	v1 =	vld [tilespmem:s21+$0x40]  }
0x4b: {  	v2 =	vld [tilespmem:s20+$0x0];
	_ =	sdelay $0x4  }
0x4c: {  	v1 =	vmax.f32 v1, v2  }
0x4d: {  	[tilespmem:s21+$0x40] =	vst v1;
	v1 =	vld [tilespmem:s21+$0x50]  }
0x4e: {  	v2 =	vld [tilespmem:s20+$0x10];
	_ =	sdelay $0x4  }
0x4f: {  	v1 =	vmax.f32 v1, v2  }
0x50: {  	[tilespmem:s21+$0x50] =	vst v1;
	v1 =	vld [tilespmem:s21+$0x60]  }
0x51: {  	v2 =	vld [tilespmem:s20+$0x20];
	_ =	sdelay $0x4  }
0x52: {  	v1 =	vmax.f32 v1, v2  }
0x53: {  	[tilespmem:s21+$0x60] =	vst v1;
	v1 =	vld [tilespmem:s21+$0x70]  }
0x54: {  	v2 =	vld [tilespmem:s20+$0x30];
	_ =	sdelay $0x4  }
0x55: {  	s22 =	simm.s32 $0x4;
	s24 =	simm.s32 $0x8;
	v1 =	vmax.f32 v1, v2  }
.LBB2_5:
0x56: {  	s25 =	sshra.s32 s22, $0x2  }
0x57: {  	[tilespmem:s21+$0x70] =	vst v1;
	s20 =	sadd.s32 $0x80, s20;
	s22 =	smov.u32 s24;
	s23 =	sadd.s32 $0x4, s24  }
0x58: {  	p0 =	sne.s32 s24, $0x7C;
	v1 =	vld [tilespmem:s25+$0xA800];
	_ =	sdelay $0x4  }
0x59: {  	(v2sf) =	vpush v1, $0x0;
	_ =	sdelay $0xe  }
0x5a: {  	s21 =	spop (v2sf)  }
0x5b: {  	s21 =	sshll.u32 s21, $0x7  }
0x5c: {  	s21 =	sand.u32 $0xFF80, s21;
	v1 =	vld [tilespmem:s20+$0xFFFFFFC0]  }
0x5d: {  	v2 =	vld [tilespmem:s21+$0x0];
	_ =	sdelay $0x4  }
0x5e: {  	v1 =	vmax.f32 v2, v1  }
0x5f: {  	[tilespmem:s21+$0x0] =	vst v1;
	v1 =	vld [tilespmem:s21+$0x10]  }
0x60: {  	v2 =	vld [tilespmem:s20+$0xFFFFFFD0];
	_ =	sdelay $0x4  }
0x61: {  	v1 =	vmax.f32 v1, v2  }
0x62: {  	[tilespmem:s21+$0x10] =	vst v1;
	v1 =	vld [tilespmem:s21+$0x20]  }
0x63: {  	v2 =	vld [tilespmem:s20+$0xFFFFFFE0];
	_ =	sdelay $0x4  }
0x64: {  	v1 =	vmax.f32 v1, v2  }
0x65: {  	[tilespmem:s21+$0x20] =	vst v1;
	v1 =	vld [tilespmem:s21+$0x30]  }
0x66: {  	v2 =	vld [tilespmem:s20+$0xFFFFFFF0];
	_ =	sdelay $0x4  }
0x67: {  	v1 =	vmax.f32 v1, v2  }
0x68: {  	[tilespmem:s21+$0x30] =	vst v1;
	v1 =	vld [tilespmem:s21+$0x40]  }
0x69: {  	v2 =	vld [tilespmem:s20+$0x0];
	_ =	sdelay $0x4  }
0x6a: {  	v1 =	vmax.f32 v1, v2  }
0x6b: {  	[tilespmem:s21+$0x40] =	vst v1;
	v1 =	vld [tilespmem:s21+$0x50]  }
0x6c: {  	v2 =	vld [tilespmem:s20+$0x10];
	_ =	sdelay $0x4  }
0x6d: {  	v1 =	vmax.f32 v1, v2  }
0x6e: {  	[tilespmem:s21+$0x50] =	vst v1;
	v1 =	vld [tilespmem:s21+$0x60]  }
0x6f: {  	v2 =	vld [tilespmem:s20+$0x20];
	_ =	sdelay $0x4  }
0x70: {  	v1 =	vmax.f32 v1, v2  }
0x71: {  	[tilespmem:s21+$0x60] =	vst v1;
	v1 =	vld [tilespmem:s21+$0x70]  }
0x72: {  	v2 =	vld [tilespmem:s20+$0x30]  }
.Ltmp2:
0x73: {  	(pc) =	sbr.rel @p0 .LBB2_5-.Ltmp2, $2  }
0x74: {  	_ =	sdelay $0x2  }
0x75: {  	s24 =	smov.u32 s23;
	v1 =	vmax.f32 v1, v2  }
0x76: {  	s22 =	sshra.s32 s22, $0x2;
	[tilespmem:s21+$0x70] =	vst v1  }
0x77: {  	v1 =	vld [tilespmem:s22+$0xA800];
	_ =	sdelay $0x4  }
0x78: {  	(v2sf) =	vpush v1, $0x0;
	_ =	sdelay $0xe  }
0x79: {  	s31 =	spop (v2sf)  }
0x7a: {  	s20 =	sadd.s32 $0x80, s20;
	s21 =	sshll.u32 s31, $0x7  }
0x7b: {  	v1 =	vld [tilespmem:s20+$0xFFFFFFC0];
	s21 =	sand.u32 $0xFF80, s21  }
0x7c: {  	v2 =	vld [tilespmem:s21+$0x0];
	_ =	sdelay $0x4  }
0x7d: {  	v1 =	vmax.f32 v2, v1  }
0x7e: {  	[tilespmem:s21+$0x0] =	vst v1;
	v1 =	vld [tilespmem:s21+$0x10]  }
0x7f: {  	v2 =	vld [tilespmem:s20+$0xFFFFFFD0];
	_ =	sdelay $0x4  }
0x80: {  	v1 =	vmax.f32 v1, v2  }
0x81: {  	[tilespmem:s21+$0x10] =	vst v1;
	v1 =	vld [tilespmem:s21+$0x20]  }
0x82: {  	v2 =	vld [tilespmem:s20+$0xFFFFFFE0];
	_ =	sdelay $0x4  }
0x83: {  	v1 =	vmax.f32 v1, v2  }
0x84: {  	[tilespmem:s21+$0x20] =	vst v1;
	v1 =	vld [tilespmem:s21+$0x30]  }
0x85: {  	v2 =	vld [tilespmem:s20+$0xFFFFFFF0];
	_ =	sdelay $0x4  }
0x86: {  	v1 =	vmax.f32 v1, v2  }
0x87: {  	[tilespmem:s21+$0x30] =	vst v1;
	v1 =	vld [tilespmem:s21+$0x40]  }
0x88: {  	v2 =	vld [tilespmem:s20+$0x0];
	_ =	sdelay $0x4  }
0x89: {  	v1 =	vmax.f32 v1, v2  }
0x8a: {  	[tilespmem:s21+$0x40] =	vst v1;
	v1 =	vld [tilespmem:s21+$0x50]  }
0x8b: {  	v2 =	vld [tilespmem:s20+$0x10];
	_ =	sdelay $0x4  }
0x8c: {  	v1 =	vmax.f32 v1, v2  }
0x8d: {  	[tilespmem:s21+$0x50] =	vst v1;
	v1 =	vld [tilespmem:s21+$0x60]  }
0x8e: {  	v2 =	vld [tilespmem:s20+$0x20];
	_ =	sdelay $0x4  }
0x8f: {  	v1 =	vmax.f32 v1, v2  }
0x90: {  	[tilespmem:s21+$0x60] =	vst v1;
	v1 =	vld [tilespmem:s21+$0x70]  }
0x91: {  	s19 =	sadd.s32 $0x1, s19;
	v2 =	vld [tilespmem:s20+$0x30]  }
0x92: {  	p0 =	sne.s32 s19, s18  }
.Ltmp3:
0x93: {  	_ = 	snop;
	(pc) =	sbr.rel @p0 .LBB2_4-.Ltmp3, $3  }
0x94: {  	_ =	sdelay $0x1  }
0x95: {  	v1 =	vmax.f32 v1, v2  }
0x96: {  	[tilespmem:s21+$0x70] =	vst v1  }
.LBB2_7:
0x97: {  	s17 =	simm.s32 $0x0  }
0x98: {  	v3 =	vld [tilespmem:s17+$0x0]  }
0x99: {  	v6 =	vld [tilespmem:s17+$0x10]  }
0x9a: {  	v5 =	vld [tilespmem:s17+$0x20]  }
0x9b: {  	v4 =	vld [tilespmem:s17+$0x30]  }
0x9c: {  	v1 =	vld [tilespmem:s17+$0x40]  }
0x9d: {  	v2 =	vld [tilespmem:s17+$0x50];
	vm0 =	vgt.f32 v3, $-9.999999930e+36  }
0x9e: {  	s18 =	simm.s32 $0x200;
	v7 =	vnsel vm0, $0x0, v3;
	vm0 =	vgt.f32 v6, $-9.999999930e+36;
	v3 =	vld [tilespmem:s17+$0x60]  }
.LBB2_8:
0x9f: {  	s19 =	sshra.s32 s18, $0x2;
	p0 =	sne.s32 s18, $0x27E00;
	[tilespmem:s17+$0x0] =	vst v7;
	v6 =	vnsel vm0, $0x0, v6;
	vm0 =	vgt.f32 v5, $-9.999999930e+36;
	v7 =	vld [tilespmem:s17+$0x70]  }
0xa0: {  	v8 =	vld [tilespmem:s19+$0x0];
	[tilespmem:s17+$0x10] =	vst v6;
	v5 =	vnsel vm0, $0x0, v5;
	vm0 =	vgt.f32 v4, $-9.999999930e+36  }
0xa1: {  	v6 =	vld [tilespmem:s19+$0x10];
	[tilespmem:s17+$0x20] =	vst v5;
	v4 =	vnsel vm0, $0x0, v4;
	vm0 =	vgt.f32 v1, $-9.999999930e+36  }
.Ltmp4:
0xa2: {  	v5 =	vld [tilespmem:s19+$0x20];
	[tilespmem:s17+$0x30] =	vst v4;
	v1 =	vnsel vm0, $0x0, v1;
	vm0 =	vgt.f32 v2, $-9.999999930e+36;
	(pc) =	sbr.rel @p0 .LBB2_8-.Ltmp4, $4  }
0xa3: {  	v4 =	vld [tilespmem:s19+$0x30];
	[tilespmem:s17+$0x40] =	vst v1;
	v2 =	vnsel vm0, $0x0, v2;
	vm0 =	vgt.f32 v3, $-9.999999930e+36  }
0xa4: {  	v1 =	vld [tilespmem:s19+$0x40];
	[tilespmem:s17+$0x50] =	vst v2;
	v3 =	vnsel vm0, $0x0, v3;
	vm0 =	vgt.f32 v7, $-9.999999930e+36  }
0xa5: {  	vm1 =	vgt.f32 v8, $-9.999999930e+36;
	v2 =	vld [tilespmem:s19+$0x50];
	[tilespmem:s17+$0x60] =	vst v3;
	v9 =	vnsel vm0, $0x0, v7  }
0xa6: {  	s18 =	sadd.s32 $0x200, s18;
	v7 =	vnsel vm1, $0x0, v8;
	vm0 =	vgt.f32 v6, $-9.999999930e+36;
	v3 =	vld [tilespmem:s19+$0x60];
	[tilespmem:s17+$0x70] =	vst v9;
	s17 =	smov.u32 s19  }
0xa7: {  	[tilespmem:s17+$0x0] =	vst v7;
	v6 =	vnsel vm0, $0x0, v6;
	vm10 =	vgt.f32 v5, $-9.999999930e+36;
	v63 =	vld [tilespmem:s17+$0x70]  }
0xa8: {  	[tilespmem:s17+$0x10] =	vst v6;
	v5 =	vnsel vm10, $0x0, v5;
	vm11 =	vgt.f32 v4, $-9.999999930e+36  }
0xa9: {  	[tilespmem:s17+$0x20] =	vst v5;
	v4 =	vnsel vm11, $0x0, v4;
	vm12 =	vgt.f32 v1, $-9.999999930e+36  }
0xaa: {  	[tilespmem:s17+$0x30] =	vst v4;
	v1 =	vnsel vm12, $0x0, v1;
	vm13 =	vgt.f32 v2, $-9.999999930e+36  }
0xab: {  	[tilespmem:s17+$0x40] =	vst v1;
	v1 =	vnsel vm13, $0x0, v2;
	vm14 =	vgt.f32 v3, $-9.999999930e+36  }
0xac: {  	s16 =	sadd.s32 $0x1, s16;
	[tilespmem:s17+$0x50] =	vst v1;
	v1 =	vnsel vm14, $0x0, v3;
	vm15 =	vgt.f32 v63, $-9.999999930e+36  }
0xad: {  	p0 =	sne.s32 s16, s8;
	[tilespmem:s17+$0x60] =	vst v1;
	v1 =	vnsel vm15, $0x0, v63  }
.Ltmp5:
0xae: {  	[tilespmem:s17+$0x70] =	vst v1;
	(pc) =	sbr.rel @p0 .LBB2_1-.Ltmp5, $4  }
0xaf: {  	[hbm4b:s7+s2] =	stream.linear.scatter [tilespmem:s2], [sflag:$0x2], $0xA000, $0x38;
	[tilespmem:$0xB980] =	vst v63  }
0xb0: {  	_ =	swait.ge [sflag:s10], $0xA000  }
0xb1: {  	[sflag:s10] =	ssyncset.done $0x0  }
0xb2: {  	[sflag:s10] =	ssyncadd.s32 $0xFFFF6000  }
0xb3: {  	_ =	sfence.sel $0x180000  }
0xb4: {  	[bflag:$0x0] =	sbarrier.arrive $0xFFFF  }
0xb5: {  	p0 =	sne.s32 s1, $0x0;
	_ =	strace $0x9000004A  }
0xb6: {  	s0 =	sadd.s32 @!p0 $0x100000, s0;
	[bflag:$0x2] =	sbarrier.arrive $0xFFFF  }
0xb7: {  	[sflag:s0] =	ssyncadd.tile.s32 @!p0 $0x1;
	_ =	shalt  }
.Lfunc_end2:
_tile_overlayer_lowered:
.L_overlay_start_2:
0xb8: {  	(tag) =	ssettag $0x2  }
0xb9: {  	s0 =	rddreg [dreg:$0x0];
	s2 =	stileid.u32  }
0xba: {  	s1 =	rddreg [dreg:$0x1];
	p0 =	sne.s32 s2, $0x0  }
0xbb: {  	s3 =	rddreg [dreg:$0x2];
	[bflag:$0x3] =	sbarrier.arrive $0xFFFF;
	s2 =	simm.s32 @!p0 $0x1C02  }
0xbc: {  	[timem:s3], [sflag:s2] =	dma.local @!p0 [hbm:s0], s1  }
0xbd: {  	s0 =	simm.s32 @!p0 $0x2  }
0xbe: {  	_ =	swait.ge @!p0 [sflag:s0], s1  }
0xbf: {  	s1 =	ssub.s32 @!p0 $0x0, s1;
	[sflag:s0] =	ssyncset.done @!p0 $0x0  }
0xc0: {  	[sflag:s0] =	ssyncadd.s32 @!p0 s1  }
0xc1: {  	[bflag:$0x3] =	sbarrier.arrive $0xFFFF  }
0xc2: {  	_ =	shalt  }

// kernel: kernel.16.cloned.1.call-start
scs
__scs_entry_jumppad:
0x0: {  	(pc) =	sbr.rel $0x88, $3  }
0x1: {  	(tag) =	ssettag $0x0;
	lr =	simm.s32 $0x1  }
0x2: {  	[smem:$0x3F93] =	sst lr;
	_ =	strace $0xD0000000  }
0x3: {  	_ = 	snop  }
0x4: {  	_ = 	snop  }
0x5: {  	_ = 	snop  }
0x6: {  	_ = 	snop  }
0x7: {  	_ = 	snop  }
__scs_overlays_trampoline_lowered:
0x8: {  	[smem:$0x3FA2] =	sst s0  }
0x9: {  	[smem:$0x3FA3] =	sst s1  }
0xa: {  	[smem:$0x3FA4] =	sst s2  }
0xb: {  	[smem:$0x3FA5] =	sst s3  }
0xc: {  	[smem:$0x3FA6] =	sst s4  }
0xd: {  	[smem:$0x3FA7] =	sst s5  }
0xe: {  	[smem:$0x3FA8] =	sst s6  }
0xf: {  	[smem:$0x3FA9] =	sst s7  }
0x10: {  	[smem:$0x3FAA] =	sst s8  }
0x11: {  	[smem:$0x3FAB] =	sst s9;
	s0 =	simm.s32 @!p0 $0x0  }
0x12: {  	s1 =	sld [smem:$0x3F91];
	s0 =	simm.s32 @p0 $0x1  }
0x13: {  	[smem:$0x3FAC] =	sst s0;
	s0 =	simm.s32 @!p1 $0x0  }
0x14: {  	s2 =	sld [smem:$0x3F90];
	s0 =	simm.s32 @p1 $0x1  }
0x15: {  	[smem:$0x3FAD] =	sst s0;
	s0 =	simm.s32 @!p2 $0x0  }
0x16: {  	s3 =	sld [smem:$0x3FDB];
	s0 =	simm.s32 @p2 $0x1  }
0x17: {  	s4 =	simm.s32 $0x1BF5;
	[smem:$0x3FAF] =	sst s0  }
0x18: {  	s0 =	sld [smem:$0x3F92];
	_ =	swait.ge [sflag:s4], $0x0  }
0x19: {  	s7 =	sld [smem:$0x3F93]  }
0x1a: {  	s8 =	sadd.s32 $0xFFFFE003, lr  }
0x1b: {  	s9 =	sadd.s32 $0xFFFFFEF7, lr;
	s5 =	simm.s32 $0xFFFFFFFF;
	p2 =	slt.u32 s8, $0xFFFFF086  }
0x1c: {  	p1 =	slt.u32 s9, $0xF7A;
	s5 =	simm.s32 @!p2 $0x0  }
0x1d: {  	s5 =	simm.s32 @p1 $0x1;
	p0 =	seq.s32 s7, s2  }
0x1e: {  	s7 =	smul.u32 @!p0 $0xF7A, s2;
	p2 =	seq.s32 @!p0 s5, $0x0  }
0x1f: {  	s9 =	smul.u32 $0xF7A, s1;
	s8 =	simm.s32 @!p0 $0x1BF5;
	p2 =	por !p2, p0  }
0x20: {  	[sflag:s8] =	ssyncset.s32 @!p0 $0xFFFFF086;
	s6 =	sadd.s32 @!p0 s3, s7;
	s7 =	simm.s32 @!p0 $0x108  }
0x21: {  	s3 =	sadd.s32 s3, s9;
	s6 =	sadd.s32 @!p0 $0x88, s6;
	s7 =	simm.s32 @p2 $0x1082  }
0x22: {  	[simem:s7], [sflag:s8] =	dma.local @!p0 [hbm:s6], $0xF7A  }
0x23: {  	s9 =	sor.u32 $0xD0000000, s2;
	s6 =	simm.s32 $0x108;
	_ =	swait.ge @!p0 [sflag:s8], $0x0  }
0x24: {  	s3 =	sadd.s32 $0x88, s3;
	s6 =	simm.s32 @!p1 $0x1082;
	[sflag:s4] =	ssyncset.s32 $0xFFFFF086  }
0x25: {  	[simem:s6], [sflag:s4] =	dma.local [hbm:s3], $0xF7A  }
0x26: {  	[smem:$0x3F93] =	sst s1;
	(tag) =	ssettag s2;
	_ =	strace s9  }
0x27: {  	s1 =	sld [smem:$0x3FA3]  }
0x28: {  	s2 =	sld [smem:$0x3FA4]  }
0x29: {  	s4 =	sld [smem:$0x3FA6]  }
0x2a: {  	p0 =	seq.s32 s5, $0x0;
	s5 =	sld [smem:$0x3FA7]  }
0x2b: {  	s6 =	sld [smem:$0x3FA8]  }
0x2c: {  	s7 =	sld [smem:$0x3FA9]  }
0x2d: {  	s3 =	simm.s32 $0x108;
	s8 =	sld [smem:$0x3FAA]  }
0x2e: {  	s3 =	simm.s32 @!p0 $0x1082;
	s9 =	sld [smem:$0x3FAB]  }
0x2f: {  	lr =	sadd.s32 s0, s3;
	s0 =	sld [smem:$0x3FA2]  }
0x30: {  	s3 =	sld [smem:$0x3FA5]  }
0x31: {  	[smem:$0x3FAE] =	sst s10  }
0x32: {  	s10 =	sld [smem:$0x3FAC];
	_ =	sdelay $0x3  }
0x33: {  	p0 =	seq.s32 s10, $0x1;
	s10 =	sld [smem:$0x3FAE];
	_ =	sdelay $0x3  }
0x34: {  	[smem:$0x3FAE] =	sst s10  }
0x35: {  	s10 =	sld [smem:$0x3FAD];
	_ =	sdelay $0x3  }
0x36: {  	p1 =	seq.s32 s10, $0x1;
	s10 =	sld [smem:$0x3FAE];
	_ =	sdelay $0x3  }
0x37: {  	[smem:$0x3FAE] =	sst s10  }
0x38: {  	s10 =	sld [smem:$0x3FAF]  }
0x39: {  	_ = 	snop;
	(pc) =	sbr.ind lr, $3  }
0x3a: {  	_ = 	snop  }
0x3b: {  	_ = 	snop  }
0x3c: {  	p2 =	seq.s32 s10, $0x1;
	s10 =	sld [smem:$0x3FAE]  }
0x3d: {  	_ =	shalt  }
0x3e: {  	_ =	shalt  }
0x3f: {  	_ =	shalt  }
0x40: {  	_ =	shalt  }
0x41: {  	_ =	shalt  }
0x42: {  	_ =	shalt  }
0x43: {  	_ =	shalt  }
0x44: {  	_ =	shalt  }
0x45: {  	_ =	shalt  }
0x46: {  	_ =	shalt  }
0x47: {  	_ =	shalt  }
0x48: {  	_ =	shalt  }
0x49: {  	_ =	shalt  }
0x4a: {  	_ =	shalt  }
0x4b: {  	_ =	shalt  }
0x4c: {  	_ =	shalt  }
0x4d: {  	_ =	shalt  }
0x4e: {  	_ =	shalt  }
0x4f: {  	_ =	shalt  }
0x50: {  	_ =	shalt  }
0x51: {  	_ =	shalt  }
0x52: {  	_ =	shalt  }
0x53: {  	_ =	shalt  }
0x54: {  	_ =	shalt  }
0x55: {  	_ =	shalt  }
0x56: {  	_ =	shalt  }
0x57: {  	_ =	shalt  }
0x58: {  	_ =	shalt  }
0x59: {  	_ =	shalt  }
0x5a: {  	_ =	shalt  }
0x5b: {  	_ =	shalt  }
0x5c: {  	_ =	shalt  }
0x5d: {  	_ =	shalt  }
0x5e: {  	_ =	shalt  }
0x5f: {  	_ =	shalt  }
0x60: {  	_ =	shalt  }
0x61: {  	_ =	shalt  }
0x62: {  	_ =	shalt  }
0x63: {  	_ =	shalt  }
0x64: {  	_ =	shalt  }
0x65: {  	_ =	shalt  }
0x66: {  	_ =	shalt  }
0x67: {  	_ =	shalt  }
0x68: {  	_ =	shalt  }
0x69: {  	_ =	shalt  }
0x6a: {  	_ =	shalt  }
0x6b: {  	_ =	shalt  }
0x6c: {  	_ =	shalt  }
0x6d: {  	_ =	shalt  }
0x6e: {  	_ =	shalt  }
0x6f: {  	_ =	shalt  }
0x70: {  	_ =	shalt  }
0x71: {  	_ =	shalt  }
0x72: {  	_ =	shalt  }
0x73: {  	_ =	shalt  }
0x74: {  	_ =	shalt  }
0x75: {  	_ =	shalt  }
0x76: {  	_ =	shalt  }
0x77: {  	_ =	shalt  }
0x78: {  	_ =	shalt  }
0x79: {  	_ =	shalt  }
0x7a: {  	_ =	shalt  }
0x7b: {  	_ =	shalt  }
0x7c: {  	_ =	shalt  }
0x7d: {  	_ =	shalt  }
0x7e: {  	_ =	shalt  }
0x7f: {  	_ =	shalt  }
0x80: {  	_ =	shalt  }
0x81: {  	_ =	shalt  }
0x82: {  	_ =	shalt  }
0x83: {  	_ =	shalt  }
0x84: {  	_ =	shalt  }
0x85: {  	_ =	shalt  }
0x86: {  	_ =	shalt  }
0x87: {  	_ =	shalt  }
.Lfunc_end0:
.L_simem_size_0:
called_computation.2_lowered:
.L_overlay_start_0:
0x88: {  	s2 =	sld [smem:$0x3FD9]  }
0x89: {  	s3 =	sld [smem:$0x3FFE];
	_ =	sdelay $0x1  }
0x8a: {  	s1 =	srdreg.scid  }
0x8b: {  	s0 =	sand.u32 $0x1, s1  }
0x8c: {  	s17 =	sshll.u32 s0, $0xA;
	s2 =	sadd.s32 s3, s2  }
0x8d: {  	s2 =	sadd.s32 s2, s17  }
0x8e: {  	[smem:$0x3FBA] =	sst s2  }
0x8f: {  	_ = 	snop  }
0x90: {  	s2 =	sld [smem:$0x3FD0];
	(tm) =	ssettm $0x1  }
0x91: {  	s18 =	sld [smem:$0x3FFB];
	_ =	sdelay $0x3  }
0x92: {  	_ =	strace s18  }
0x93: {  	s3 =	sld [smem:$0x3FFC];
	_ =	sdelay $0x3  }
0x94: {  	_ =	strace s3  }
0x95: {  	s3 =	sld [smem:$0x3FFD];
	_ =	sdelay $0x3  }
0x96: {  	_ =	strace s3  }
0x97: {  	_ =	strace $0x8FFFFFFF  }
0x98: {  	s19 =	sld [smem:$0x3FDB];
	_ =	sdelay $0x1  }
0x99: {  	s4 =	simm.s32 $_scs_section_size  }
0x9a: {  	s5 =	simm.s32 $_size__tile_overlayer_lowered;
	s6 =	simm.s32 $_tile_overlayer_lowered  }
0x9b: {  	s22 =	simm.s32 $0x1BFF;
	s21 =	sshll.u32 s6, $0x1;
	s3 =	sadd.s32 s4, s19  }
0x9c: {  	s7 =	simm.s32 $0x0;
	s20 =	sshll.u32 s5, $0x1;
	s5 =	sadd.s32 s21, s3  }
0x9d: {  	[timem:s7], [sflag:s22] =	dma.local [hbm:s5], s20  }
0x9e: {  	_ =	swait.ge [sflag:s22], s20  }
0x9f: {  	s4 =	ssub.s32 $0x0, s20;
	[sflag:s22] =	ssyncset.done $0x0  }
0xa0: {  	[sflag:s22] =	ssyncadd.s32 s4;
	_ =	sdelay $0x1  }
0xa1: {  	s23 =	simm.s32 $0x1B8B  }
0xa2: {  	_ =	swait.ge [sflag:s23], $0x1  }
0xa3: {  	[sflag:s23] =	ssyncset.done $0x0  }
0xa4: {  	s25 =	simm.s32 $0x1B8E;
	s24 =	sld [smem:$0x3FFE];
	[sflag:s23] =	ssyncadd.s32 $0xFFFFFFFF  }
0xa5: {  	s26 =	simm.s32 $execute0_lowered;
	[smem:$0x3FD2] =	sst s25  }
0xa6: {  	s5 =	sshll.u32 s26, $0x1;
	_ =	strace $0x8000004C;
	[dreg:$0x1] =	wrdreg $0xFFFFFFFF  }
0xa7: {  	s28 =	simm.s32 $_size_execute0_lowered;
	s3 =	sadd.s32 s3, s5;
	[dreg:$0x0] =	wrdreg $0x0  }
0xa8: {  	s5 =	sshll.u32 s28, $0x1;
	[dreg:$0x2] =	wrdreg s3  }
0xa9: {  	[dreg:$0x3] =	wrdreg s5  }
0xaa: {  	[dreg:$0x4] =	wrdreg $0xC0  }
0xab: {  	_ =	task [dreg:s7], $0x5FFFF  }
0xac: {  	[dreg:$0x1] =	wrdreg $0xFFFFFFFF  }
0xad: {  	[dreg:$0x0] =	wrdreg $0x60  }
0xae: {  	[dreg:$0x2] =	wrdreg s24  }
0xaf: {  	[dreg:$0x3] =	wrdreg s2  }
0xb0: {  	[dreg:$0x4] =	wrdreg $0x9  }
0xb1: {  	_ =	task.clear_ibuf [dreg:s7], $0x5FFFF;
	_ =	strace $0x9000004C  }
0xb2: {  	s29 =	simm.s32 $0x9;
	_ =	strace $0x8000004E  }
0xb3: {  	_ =	swait.ge [sflag:s29], $0x1  }
0xb4: {  	[sflag:s29] =	ssyncadd.s32 $0xFFFFFFFF  }
0xb5: {  	_ =	strace $0x9000004E  }
0xb6: {  	_ =	sfence  }
0xb7: {  	s30 =	sld [smem:$0x0];
	_ =	sdelay $0x2  }
0xb8: {  	s31 =	sshll.u32 s1, $0xD;
	s1 =	sshrl.u32 s1, $0x2  }
0xb9: {  	s3 =	sand.u32 $0x4000, s31;
	s1 =	sadd.s32 s1, s30  }
0xba: {  	s0 =	sor.u32 s3, s0;
	s1 =	sshll.u32 s1, $0x11  }
0xbb: {  	s0 =	sor.u32 s1, s0  }
0xbc: {  	s0 =	sadd.s32 $0x8F2B, s0  }
0xbd: {  	[sflag:s0] =	ssyncadd.remote.s32 $0x1  }
0xbe: {  	_ =	sfence.sel $0xFFFF  }
0xbf: {  	[dreg:$0x0] =	wrdreg $0xFFFFFFFF;
	(pc) =	sbr.abs _section_cstart, $3  }
0xc0: {  	[dreg:$0x1] =	wrdreg $0xFFFFFFFF  }
0xc1: {  	_ =	task.clear_ibuf [dreg:s7], $0x2FFFF;
	_ =	strace $0x9FFFFFFF  }
0xc2: {  	(tm) =	ssettm $0x7FFFFFFF  }
0xc3: {  	_ =	shalt  }
tec
execute0_lowered:
.L_overlay_start_1:
0x0: {  	(tag) =	ssettag $0x1  }
0x1: {  	s5 =	rddreg [dreg:$0x0]  }
0x2: {  	s6 =	rddreg [dreg:$0x1]  }
0x3: {  	s0 =	rddreg [dreg:$0x2];
	s3 =	srdreg.scid  }
0x4: {  	s1 =	stileid.u32;
	s2 =	simm.s32 $0x0;
	s11 =	simm.s32 $0xA800  }
0x5: {  	s12 =	simm.s32 $0x20;
	s13 =	simm.s32 $0xA880;
	s14 =	simm.s32 $0xA900  }
0x6: {  	s15 =	simm.s32 $0x1;
	s3 =	sand.u32 $0x1, s3;
	s4 =	sshll.u32 s1, $0x1  }
0x7: {  	s16 =	simm.s32 $0x0;
	[smem:$0x7FF] =	sst s2;
	s7 =	sor.u32 s3, s4  }
0x8: {  	_ =	strace $0x8000004D;
	s9 =	ssub.s32 $0x2, s3;
	s3 =	sadd.s32 $0x15FA00, s5  }
0x9: {  	s8 =	smul.u32 $0x1400, s7;
	s10 =	sshrl.u32 s9, $0x1;
	s31 =	sshll.u32 s7, $0x1  }
0xa: {  	s4 =	sadd.s32 $0x17200, s5;
	s9 =	ssub.s32 s9, s10;
	s6 =	sadd.s32 s6, s31  }
0xb: {  	s10 =	simm.s32 $0x2;
	s8 =	sadd.s32 s8, s5;
	s5 =	smul.u32 $0x52200, s7  }
0xc: {  	v0 =	vimm.f32 $-3.000000010e+38;
	s7 =	sadd.s32 $0x187A00, s8;
	s8 =	smax.u32 s9, $0x1;
	s9 =	simm.s32 $0xB900  }
.LBB2_1:
0xd: {  	s17 =	simm.s32 $0x0;
	s18 =	simm.s32 $0x200  }
.LBB2_2:
0xe: {  	p0 =	sne.s32 s18, $0x29E00;
	[tilespmem:s17+$0x70] =	vst v0  }
0xf: {  	[tilespmem:s17+$0x0] =	vst v0  }
0x10: {  	[tilespmem:s17+$0x10] =	vst v0  }
.Ltmp0:
0x11: {  	[tilespmem:s17+$0x20] =	vst v0;
	(pc) =	sbr.rel @p0 .LBB2_2-.Ltmp0, $4  }
0x12: {  	[tilespmem:s17+$0x30] =	vst v0  }
0x13: {  	[tilespmem:s17+$0x40] =	vst v0  }
0x14: {  	[tilespmem:s17+$0x50] =	vst v0  }
0x15: {  	[tilespmem:s17+$0x60] =	vst v0;
	s17 =	sshra.s32 s18, $0x2;
	s18 =	sadd.s32 $0x200, s18  }
0x16: {  	[tilespmem:s17+$0x70] =	vst v0  }
0x17: {  	[tilespmem:s17+$0x0] =	vst v0  }
0x18: {  	[tilespmem:s17+$0x10] =	vst v0  }
0x19: {  	[tilespmem:s17+$0x20] =	vst v0  }
0x1a: {  	[tilespmem:s17+$0x30] =	vst v0  }
0x1b: {  	[tilespmem:s17+$0x40] =	vst v0  }
0x1c: {  	[tilespmem:s17+$0x50] =	vst v0  }
0x1d: {  	[tilespmem:s17+$0x60] =	vst v0;
	s17 =	simm.s32 $0x0  }
0x1e: {  	[tilespmem:s9], [sflag:$0x2] =	stream.linear.gather [hbm4b:s6+s17], $0x10, $0x38;
	[tilespmem:$0xB980] =	vst v63  }
0x1f: {  	_ =	swait.ge [sflag:s10], $0x10  }
0x20: {  	[sflag:s10] =	ssyncset.done $0x0  }
0x21: {  	[sflag:s10] =	ssyncadd.s32 $0xFFFFFFF0  }
0x22: {  	v1 =	vld [tilespmem:$0xB900];
	_ =	sdelay $0x4  }
0x23: {  	(v2sf) =	vpush v1, $0x0;
	_ =	sdelay $0xe  }
0x24: {  	s18 =	spop (v2sf)  }
0x25: {  	p0 =	slt.s32 s18, $0x1  }
.Ltmp1:
0x26: {  	_ = 	snop;
	(pc) =	sbr.rel @p0 .LBB2_7-.Ltmp1, $2  }
0x27: {  	_ =	sdelay $0x2  }
0x28: {  	s19 =	simm.s32 $0x0  }
.LBB2_4:
0x29: {  	s20 =	sshll.u32 s19, $0x5  }
0x2a: {  	s20 =	sadd.s32 s5, s20  }
0x2b: {  	s20 =	sshrl.u32 s20, $0x3  }
0x2c: {  	s20 =	sadd.s32 s4, s20  }
0x2d: {  	[tilespmem:s11], [sflag:$0x2] =	stream.linear.gather [hbm4b:s20+s17], $0x20, $0x38;
	[tilespmem:$0xB980] =	vst v63  }
0x2e: {  	_ =	swait.ge [sflag:s10], $0x20  }
0x2f: {  	[sflag:s10] =	ssyncset.done $0x0  }
0x30: {  	[sflag:s10] =	ssyncadd.s32 $0xFFFFFFE0  }
0x31: {  	v1 =	vld [tilespmem:$0xA800]  }
0x32: {  	v2 =	vld [tilespmem:$0xA810];
	_ =	sdelay $0x3  }
0x33: {  	v1 =	vshrl.u32 v1, $0x9  }
0x34: {  	[tilespmem:$0xA880] =	vst v1;
	v1 =	vshrl.u32 v2, $0x9  }
0x35: {  	[tilespmem:$0xA890] =	vst v1  }
0x36: {  	[tilespmem:s14], [sflag:$0x1] =	stream.indirect.gather [hbm4b:s3+s12], $0x80, s13, s12, $0xb8;
	[tilespmem:$0xB980] =	vst v63  }
0x37: {  	_ =	swait.ge [sflag:s15], $0x1000  }
0x38: {  	[sflag:s15] =	ssyncset.done $0x0  }
0x39: {  	s31 =	simm.s32 $0x0;
	[sflag:s15] =	ssyncadd.s32 $0xFFFFF000  }
0x3a: {  	v1 =	vld [tilespmem:s31+$0xA800];
	_ =	sdelay $0x4  }
0x3b: {  	(v2sf) =	vpush v1, $0x0;
	_ =	sdelay $0xe  }
0x3c: {  	s21 =	spop (v2sf)  }
0x3d: {  	s20 =	simm.s32 $0xA940;
	s21 =	sshll.u32 s21, $0x7  }
0x3e: {  	v1 =	vld [tilespmem:s20+$0xFFFFFFC0];
	s21 =	sand.u32 $0xFF80, s21  }
0x3f: {  	v2 =	vld [tilespmem:s21+$0x0];
	_ =	sdelay $0x4  }
0x40: {  	v1 =	vmax.f32 v2, v1  }
0x41: {  	[tilespmem:s21+$0x0] =	vst v1;
	v1 =	vld [tilespmem:s21+$0x10]  }
0x42: {  	v2 =	vld [tilespmem:s20+$0xFFFFFFD0];
	_ =	sdelay $0x4  }
0x43: {  	v1 =	vmax.f32 v1, v2  }
0x44: {  	[tilespmem:s21+$0x10] =	vst v1;
	v1 =	vld [tilespmem:s21+$0x20]  }
0x45: {  	v2 =	vld [tilespmem:s20+$0xFFFFFFE0];
	_ =	sdelay $0x4  }
0x46: {  	v1 =	vmax.f32 v1, v2  }
0x47: {  	[tilespmem:s21+$0x20] =	vst v1;
	v1 =	vld [tilespmem:s21+$0x30]  }
0x48: {  	v2 =	vld [tilespmem:s20+$0xFFFFFFF0];
	_ =	sdelay $0x4  }
0x49: {  	v1 =	vmax.f32 v1, v2  }
0x4a: {  	[tilespmem:s21+$0x30] =	vst v1;
	v1 =	vld [tilespmem:s21+$0x40]  }
0x4b: {  	v2 =	vld [tilespmem:s20+$0x0];
	_ =	sdelay $0x4  }
0x4c: {  	v1 =	vmax.f32 v1, v2  }
0x4d: {  	[tilespmem:s21+$0x40] =	vst v1;
	v1 =	vld [tilespmem:s21+$0x50]  }
0x4e: {  	v2 =	vld [tilespmem:s20+$0x10];
	_ =	sdelay $0x4  }
0x4f: {  	v1 =	vmax.f32 v1, v2  }
0x50: {  	[tilespmem:s21+$0x50] =	vst v1;
	v1 =	vld [tilespmem:s21+$0x60]  }
0x51: {  	v2 =	vld [tilespmem:s20+$0x20];
	_ =	sdelay $0x4  }
0x52: {  	v1 =	vmax.f32 v1, v2  }
0x53: {  	[tilespmem:s21+$0x60] =	vst v1;
	v1 =	vld [tilespmem:s21+$0x70]  }
0x54: {  	v2 =	vld [tilespmem:s20+$0x30];
	_ =	sdelay $0x4  }
0x55: {  	s22 =	simm.s32 $0x4;
	s24 =	simm.s32 $0x8;
	v1 =	vmax.f32 v1, v2  }
.LBB2_5:
0x56: {  	s25 =	sshra.s32 s22, $0x2  }
0x57: {  	[tilespmem:s21+$0x70] =	vst v1;
	s20 =	sadd.s32 $0x80, s20;
	s22 =	smov.u32 s24;
	s23 =	sadd.s32 $0x4, s24  }
0x58: {  	p0 =	sne.s32 s24, $0x7C;
	v1 =	vld [tilespmem:s25+$0xA800];
	_ =	sdelay $0x4  }
0x59: {  	(v2sf) =	vpush v1, $0x0;
	_ =	sdelay $0xe  }
0x5a: {  	s21 =	spop (v2sf)  }
0x5b: {  	s21 =	sshll.u32 s21, $0x7  }
0x5c: {  	s21 =	sand.u32 $0xFF80, s21;
	v1 =	vld [tilespmem:s20+$0xFFFFFFC0]  }
0x5d: {  	v2 =	vld [tilespmem:s21+$0x0];
	_ =	sdelay $0x4  }
0x5e: {  	v1 =	vmax.f32 v2, v1  }
0x5f: {  	[tilespmem:s21+$0x0] =	vst v1;
	v1 =	vld [tilespmem:s21+$0x10]  }
0x60: {  	v2 =	vld [tilespmem:s20+$0xFFFFFFD0];
	_ =	sdelay $0x4  }
0x61: {  	v1 =	vmax.f32 v1, v2  }
0x62: {  	[tilespmem:s21+$0x10] =	vst v1;
	v1 =	vld [tilespmem:s21+$0x20]  }
0x63: {  	v2 =	vld [tilespmem:s20+$0xFFFFFFE0];
	_ =	sdelay $0x4  }
0x64: {  	v1 =	vmax.f32 v1, v2  }
0x65: {  	[tilespmem:s21+$0x20] =	vst v1;
	v1 =	vld [tilespmem:s21+$0x30]  }
0x66: {  	v2 =	vld [tilespmem:s20+$0xFFFFFFF0];
	_ =	sdelay $0x4  }
0x67: {  	v1 =	vmax.f32 v1, v2  }
0x68: {  	[tilespmem:s21+$0x30] =	vst v1;
	v1 =	vld [tilespmem:s21+$0x40]  }
0x69: {  	v2 =	vld [tilespmem:s20+$0x0];
	_ =	sdelay $0x4  }
0x6a: {  	v1 =	vmax.f32 v1, v2  }
0x6b: {  	[tilespmem:s21+$0x40] =	vst v1;
	v1 =	vld [tilespmem:s21+$0x50]  }
0x6c: {  	v2 =	vld [tilespmem:s20+$0x10];
	_ =	sdelay $0x4  }
0x6d: {  	v1 =	vmax.f32 v1, v2  }
0x6e: {  	[tilespmem:s21+$0x50] =	vst v1;
	v1 =	vld [tilespmem:s21+$0x60]  }
0x6f: {  	v2 =	vld [tilespmem:s20+$0x20];
	_ =	sdelay $0x4  }
0x70: {  	v1 =	vmax.f32 v1, v2  }
0x71: {  	[tilespmem:s21+$0x60] =	vst v1;
	v1 =	vld [tilespmem:s21+$0x70]  }
0x72: {  	v2 =	vld [tilespmem:s20+$0x30]  }
.Ltmp2:
0x73: {  	(pc) =	sbr.rel @p0 .LBB2_5-.Ltmp2, $2  }
0x74: {  	_ =	sdelay $0x2  }
0x75: {  	s24 =	smov.u32 s23;
	v1 =	vmax.f32 v1, v2  }
0x76: {  	s22 =	sshra.s32 s22, $0x2;
	[tilespmem:s21+$0x70] =	vst v1  }
0x77: {  	v1 =	vld [tilespmem:s22+$0xA800];
	_ =	sdelay $0x4  }
0x78: {  	(v2sf) =	vpush v1, $0x0;
	_ =	sdelay $0xe  }
0x79: {  	s31 =	spop (v2sf)  }
0x7a: {  	s20 =	sadd.s32 $0x80, s20;
	s21 =	sshll.u32 s31, $0x7  }
0x7b: {  	v1 =	vld [tilespmem:s20+$0xFFFFFFC0];
	s21 =	sand.u32 $0xFF80, s21  }
0x7c: {  	v2 =	vld [tilespmem:s21+$0x0];
	_ =	sdelay $0x4  }
0x7d: {  	v1 =	vmax.f32 v2, v1  }
0x7e: {  	[tilespmem:s21+$0x0] =	vst v1;
	v1 =	vld [tilespmem:s21+$0x10]  }
0x7f: {  	v2 =	vld [tilespmem:s20+$0xFFFFFFD0];
	_ =	sdelay $0x4  }
0x80: {  	v1 =	vmax.f32 v1, v2  }
0x81: {  	[tilespmem:s21+$0x10] =	vst v1;
	v1 =	vld [tilespmem:s21+$0x20]  }
0x82: {  	v2 =	vld [tilespmem:s20+$0xFFFFFFE0];
	_ =	sdelay $0x4  }
0x83: {  	v1 =	vmax.f32 v1, v2  }
0x84: {  	[tilespmem:s21+$0x20] =	vst v1;
	v1 =	vld [tilespmem:s21+$0x30]  }
0x85: {  	v2 =	vld [tilespmem:s20+$0xFFFFFFF0];
	_ =	sdelay $0x4  }
0x86: {  	v1 =	vmax.f32 v1, v2  }
0x87: {  	[tilespmem:s21+$0x30] =	vst v1;
	v1 =	vld [tilespmem:s21+$0x40]  }
0x88: {  	v2 =	vld [tilespmem:s20+$0x0];
	_ =	sdelay $0x4  }
0x89: {  	v1 =	vmax.f32 v1, v2  }
0x8a: {  	[tilespmem:s21+$0x40] =	vst v1;
	v1 =	vld [tilespmem:s21+$0x50]  }
0x8b: {  	v2 =	vld [tilespmem:s20+$0x10];
	_ =	sdelay $0x4  }
0x8c: {  	v1 =	vmax.f32 v1, v2  }
0x8d: {  	[tilespmem:s21+$0x50] =	vst v1;
	v1 =	vld [tilespmem:s21+$0x60]  }
0x8e: {  	v2 =	vld [tilespmem:s20+$0x20];
	_ =	sdelay $0x4  }
0x8f: {  	v1 =	vmax.f32 v1, v2  }
0x90: {  	[tilespmem:s21+$0x60] =	vst v1;
	v1 =	vld [tilespmem:s21+$0x70]  }
0x91: {  	s19 =	sadd.s32 $0x1, s19;
	v2 =	vld [tilespmem:s20+$0x30]  }
0x92: {  	p0 =	sne.s32 s19, s18  }
.Ltmp3:
0x93: {  	_ = 	snop;
	(pc) =	sbr.rel @p0 .LBB2_4-.Ltmp3, $3  }
0x94: {  	_ =	sdelay $0x1  }
0x95: {  	v1 =	vmax.f32 v1, v2  }
0x96: {  	[tilespmem:s21+$0x70] =	vst v1  }
.LBB2_7:
0x97: {  	s17 =	simm.s32 $0x0  }
0x98: {  	v3 =	vld [tilespmem:s17+$0x0]  }
0x99: {  	v6 =	vld [tilespmem:s17+$0x10]  }
0x9a: {  	v5 =	vld [tilespmem:s17+$0x20]  }
0x9b: {  	v4 =	vld [tilespmem:s17+$0x30]  }
0x9c: {  	v1 =	vld [tilespmem:s17+$0x40]  }
0x9d: {  	v2 =	vld [tilespmem:s17+$0x50];
	vm0 =	vgt.f32 v3, $-9.999999930e+36  }
0x9e: {  	s18 =	simm.s32 $0x200;
	v7 =	vnsel vm0, $0x0, v3;
	vm0 =	vgt.f32 v6, $-9.999999930e+36;
	v3 =	vld [tilespmem:s17+$0x60]  }
.LBB2_8:
0x9f: {  	s19 =	sshra.s32 s18, $0x2;
	p0 =	sne.s32 s18, $0x27E00;
	[tilespmem:s17+$0x0] =	vst v7;
	v6 =	vnsel vm0, $0x0, v6;
	vm0 =	vgt.f32 v5, $-9.999999930e+36;
	v7 =	vld [tilespmem:s17+$0x70]  }
0xa0: {  	v8 =	vld [tilespmem:s19+$0x0];
	[tilespmem:s17+$0x10] =	vst v6;
	v5 =	vnsel vm0, $0x0, v5;
	vm0 =	vgt.f32 v4, $-9.999999930e+36  }
0xa1: {  	v6 =	vld [tilespmem:s19+$0x10];
	[tilespmem:s17+$0x20] =	vst v5;
	v4 =	vnsel vm0, $0x0, v4;
	vm0 =	vgt.f32 v1, $-9.999999930e+36  }
.Ltmp4:
0xa2: {  	v5 =	vld [tilespmem:s19+$0x20];
	[tilespmem:s17+$0x30] =	vst v4;
	v1 =	vnsel vm0, $0x0, v1;
	vm0 =	vgt.f32 v2, $-9.999999930e+36;
	(pc) =	sbr.rel @p0 .LBB2_8-.Ltmp4, $4  }
0xa3: {  	v4 =	vld [tilespmem:s19+$0x30];
	[tilespmem:s17+$0x40] =	vst v1;
	v2 =	vnsel vm0, $0x0, v2;
	vm0 =	vgt.f32 v3, $-9.999999930e+36  }
0xa4: {  	v1 =	vld [tilespmem:s19+$0x40];
	[tilespmem:s17+$0x50] =	vst v2;
	v3 =	vnsel vm0, $0x0, v3;
	vm0 =	vgt.f32 v7, $-9.999999930e+36  }
0xa5: {  	vm1 =	vgt.f32 v8, $-9.999999930e+36;
	v2 =	vld [tilespmem:s19+$0x50];
	[tilespmem:s17+$0x60] =	vst v3;
	v9 =	vnsel vm0, $0x0, v7  }
0xa6: {  	s18 =	sadd.s32 $0x200, s18;
	v7 =	vnsel vm1, $0x0, v8;
	vm0 =	vgt.f32 v6, $-9.999999930e+36;
	v3 =	vld [tilespmem:s19+$0x60];
	[tilespmem:s17+$0x70] =	vst v9;
	s17 =	smov.u32 s19  }
0xa7: {  	[tilespmem:s17+$0x0] =	vst v7;
	v6 =	vnsel vm0, $0x0, v6;
	vm10 =	vgt.f32 v5, $-9.999999930e+36;
	v63 =	vld [tilespmem:s17+$0x70]  }
0xa8: {  	[tilespmem:s17+$0x10] =	vst v6;
	v5 =	vnsel vm10, $0x0, v5;
	vm11 =	vgt.f32 v4, $-9.999999930e+36  }
0xa9: {  	[tilespmem:s17+$0x20] =	vst v5;
	v4 =	vnsel vm11, $0x0, v4;
	vm12 =	vgt.f32 v1, $-9.999999930e+36  }
0xaa: {  	[tilespmem:s17+$0x30] =	vst v4;
	v1 =	vnsel vm12, $0x0, v1;
	vm13 =	vgt.f32 v2, $-9.999999930e+36  }
0xab: {  	[tilespmem:s17+$0x40] =	vst v1;
	v1 =	vnsel vm13, $0x0, v2;
	vm14 =	vgt.f32 v3, $-9.999999930e+36  }
0xac: {  	s16 =	sadd.s32 $0x1, s16;
	[tilespmem:s17+$0x50] =	vst v1;
	v1 =	vnsel vm14, $0x0, v3;
	vm15 =	vgt.f32 v63, $-9.999999930e+36  }
0xad: {  	p0 =	sne.s32 s16, s8;
	[tilespmem:s17+$0x60] =	vst v1;
	v1 =	vnsel vm15, $0x0, v63  }
.Ltmp5:
0xae: {  	[tilespmem:s17+$0x70] =	vst v1;
	(pc) =	sbr.rel @p0 .LBB2_1-.Ltmp5, $4  }
0xaf: {  	[hbm4b:s7+s2] =	stream.linear.scatter [tilespmem:s2], [sflag:$0x2], $0xA000, $0x38;
	[tilespmem:$0xB980] =	vst v63  }
0xb0: {  	_ =	swait.ge [sflag:s10], $0xA000  }
0xb1: {  	[sflag:s10] =	ssyncset.done $0x0  }
0xb2: {  	[sflag:s10] =	ssyncadd.s32 $0xFFFF6000  }
0xb3: {  	_ =	sfence.sel $0x180000  }
0xb4: {  	[bflag:$0x0] =	sbarrier.arrive $0xFFFF  }
0xb5: {  	p0 =	sne.s32 s1, $0x0;
	_ =	strace $0x9000004D  }
0xb6: {  	s0 =	sadd.s32 @!p0 $0x100000, s0;
	[bflag:$0x2] =	sbarrier.arrive $0xFFFF  }
0xb7: {  	[sflag:s0] =	ssyncadd.tile.s32 @!p0 $0x1;
	_ =	shalt  }
.Lfunc_end2:
_tile_overlayer_lowered:
.L_overlay_start_2:
0xb8: {  	(tag) =	ssettag $0x2  }
0xb9: {  	s0 =	rddreg [dreg:$0x0];
	s2 =	stileid.u32  }
0xba: {  	s1 =	rddreg [dreg:$0x1];
	p0 =	sne.s32 s2, $0x0  }
0xbb: {  	s3 =	rddreg [dreg:$0x2];
	[bflag:$0x3] =	sbarrier.arrive $0xFFFF;
	s2 =	simm.s32 @!p0 $0x1C02  }
0xbc: {  	[timem:s3], [sflag:s2] =	dma.local @!p0 [hbm:s0], s1  }
0xbd: {  	s0 =	simm.s32 @!p0 $0x2  }
0xbe: {  	_ =	swait.ge @!p0 [sflag:s0], s1  }
0xbf: {  	s1 =	ssub.s32 @!p0 $0x0, s1;
	[sflag:s0] =	ssyncset.done @!p0 $0x0  }
0xc0: {  	[sflag:s0] =	ssyncadd.s32 @!p0 s1  }
0xc1: {  	[bflag:$0x3] =	sbarrier.arrive $0xFFFF  }
0xc2: {  	_ =	shalt  }

// kernel: kernel.19.cloned.1.call-start
scs
__scs_entry_jumppad:
0x0: {  	(pc) =	sbr.rel $0x88, $3  }
0x1: {  	(tag) =	ssettag $0x0;
	lr =	simm.s32 $0x1  }
0x2: {  	[smem:$0x3F93] =	sst lr;
	_ =	strace $0xD0000000  }
0x3: {  	_ = 	snop  }
0x4: {  	_ = 	snop  }
0x5: {  	_ = 	snop  }
0x6: {  	_ = 	snop  }
0x7: {  	_ = 	snop  }
__scs_overlays_trampoline_lowered:
0x8: {  	[smem:$0x3FA2] =	sst s0  }
0x9: {  	[smem:$0x3FA3] =	sst s1  }
0xa: {  	[smem:$0x3FA4] =	sst s2  }
0xb: {  	[smem:$0x3FA5] =	sst s3  }
0xc: {  	[smem:$0x3FA6] =	sst s4  }
0xd: {  	[smem:$0x3FA7] =	sst s5  }
0xe: {  	[smem:$0x3FA8] =	sst s6  }
0xf: {  	[smem:$0x3FA9] =	sst s7  }
0x10: {  	[smem:$0x3FAA] =	sst s8  }
0x11: {  	[smem:$0x3FAB] =	sst s9;
	s0 =	simm.s32 @!p0 $0x0  }
0x12: {  	s1 =	sld [smem:$0x3F91];
	s0 =	simm.s32 @p0 $0x1  }
0x13: {  	[smem:$0x3FAC] =	sst s0;
	s0 =	simm.s32 @!p1 $0x0  }
0x14: {  	s2 =	sld [smem:$0x3F90];
	s0 =	simm.s32 @p1 $0x1  }
0x15: {  	[smem:$0x3FAD] =	sst s0;
	s0 =	simm.s32 @!p2 $0x0  }
0x16: {  	s3 =	sld [smem:$0x3FDB];
	s0 =	simm.s32 @p2 $0x1  }
0x17: {  	s4 =	simm.s32 $0x1BF5;
	[smem:$0x3FAF] =	sst s0  }
0x18: {  	s0 =	sld [smem:$0x3F92];
	_ =	swait.ge [sflag:s4], $0x0  }
0x19: {  	s7 =	sld [smem:$0x3F93]  }
0x1a: {  	s8 =	sadd.s32 $0xFFFFE003, lr  }
0x1b: {  	s9 =	sadd.s32 $0xFFFFFEF7, lr;
	s5 =	simm.s32 $0xFFFFFFFF;
	p2 =	slt.u32 s8, $0xFFFFF086  }
0x1c: {  	p1 =	slt.u32 s9, $0xF7A;
	s5 =	simm.s32 @!p2 $0x0  }
0x1d: {  	s5 =	simm.s32 @p1 $0x1;
	p0 =	seq.s32 s7, s2  }
0x1e: {  	s7 =	smul.u32 @!p0 $0xF7A, s2;
	p2 =	seq.s32 @!p0 s5, $0x0  }
0x1f: {  	s9 =	smul.u32 $0xF7A, s1;
	s8 =	simm.s32 @!p0 $0x1BF5;
	p2 =	por !p2, p0  }
0x20: {  	[sflag:s8] =	ssyncset.s32 @!p0 $0xFFFFF086;
	s6 =	sadd.s32 @!p0 s3, s7;
	s7 =	simm.s32 @!p0 $0x108  }
0x21: {  	s3 =	sadd.s32 s3, s9;
	s6 =	sadd.s32 @!p0 $0x88, s6;
	s7 =	simm.s32 @p2 $0x1082  }
0x22: {  	[simem:s7], [sflag:s8] =	dma.local @!p0 [hbm:s6], $0xF7A  }
0x23: {  	s9 =	sor.u32 $0xD0000000, s2;
	s6 =	simm.s32 $0x108;
	_ =	swait.ge @!p0 [sflag:s8], $0x0  }
0x24: {  	s3 =	sadd.s32 $0x88, s3;
	s6 =	simm.s32 @!p1 $0x1082;
	[sflag:s4] =	ssyncset.s32 $0xFFFFF086  }
0x25: {  	[simem:s6], [sflag:s4] =	dma.local [hbm:s3], $0xF7A  }
0x26: {  	[smem:$0x3F93] =	sst s1;
	(tag) =	ssettag s2;
	_ =	strace s9  }
0x27: {  	s1 =	sld [smem:$0x3FA3]  }
0x28: {  	s2 =	sld [smem:$0x3FA4]  }
0x29: {  	s4 =	sld [smem:$0x3FA6]  }
0x2a: {  	p0 =	seq.s32 s5, $0x0;
	s5 =	sld [smem:$0x3FA7]  }
0x2b: {  	s6 =	sld [smem:$0x3FA8]  }
0x2c: {  	s7 =	sld [smem:$0x3FA9]  }
0x2d: {  	s3 =	simm.s32 $0x108;
	s8 =	sld [smem:$0x3FAA]  }
0x2e: {  	s3 =	simm.s32 @!p0 $0x1082;
	s9 =	sld [smem:$0x3FAB]  }
0x2f: {  	lr =	sadd.s32 s0, s3;
	s0 =	sld [smem:$0x3FA2]  }
0x30: {  	s3 =	sld [smem:$0x3FA5]  }
0x31: {  	[smem:$0x3FAE] =	sst s10  }
0x32: {  	s10 =	sld [smem:$0x3FAC];
	_ =	sdelay $0x3  }
0x33: {  	p0 =	seq.s32 s10, $0x1;
	s10 =	sld [smem:$0x3FAE];
	_ =	sdelay $0x3  }
0x34: {  	[smem:$0x3FAE] =	sst s10  }
0x35: {  	s10 =	sld [smem:$0x3FAD];
	_ =	sdelay $0x3  }
0x36: {  	p1 =	seq.s32 s10, $0x1;
	s10 =	sld [smem:$0x3FAE];
	_ =	sdelay $0x3  }
0x37: {  	[smem:$0x3FAE] =	sst s10  }
0x38: {  	s10 =	sld [smem:$0x3FAF]  }
0x39: {  	_ = 	snop;
	(pc) =	sbr.ind lr, $3  }
0x3a: {  	_ = 	snop  }
0x3b: {  	_ = 	snop  }
0x3c: {  	p2 =	seq.s32 s10, $0x1;
	s10 =	sld [smem:$0x3FAE]  }
0x3d: {  	_ =	shalt  }
0x3e: {  	_ =	shalt  }
0x3f: {  	_ =	shalt  }
0x40: {  	_ =	shalt  }
0x41: {  	_ =	shalt  }
0x42: {  	_ =	shalt  }
0x43: {  	_ =	shalt  }
0x44: {  	_ =	shalt  }
0x45: {  	_ =	shalt  }
0x46: {  	_ =	shalt  }
0x47: {  	_ =	shalt  }
0x48: {  	_ =	shalt  }
0x49: {  	_ =	shalt  }
0x4a: {  	_ =	shalt  }
0x4b: {  	_ =	shalt  }
0x4c: {  	_ =	shalt  }
0x4d: {  	_ =	shalt  }
0x4e: {  	_ =	shalt  }
0x4f: {  	_ =	shalt  }
0x50: {  	_ =	shalt  }
0x51: {  	_ =	shalt  }
0x52: {  	_ =	shalt  }
0x53: {  	_ =	shalt  }
0x54: {  	_ =	shalt  }
0x55: {  	_ =	shalt  }
0x56: {  	_ =	shalt  }
0x57: {  	_ =	shalt  }
0x58: {  	_ =	shalt  }
0x59: {  	_ =	shalt  }
0x5a: {  	_ =	shalt  }
0x5b: {  	_ =	shalt  }
0x5c: {  	_ =	shalt  }
0x5d: {  	_ =	shalt  }
0x5e: {  	_ =	shalt  }
0x5f: {  	_ =	shalt  }
0x60: {  	_ =	shalt  }
0x61: {  	_ =	shalt  }
0x62: {  	_ =	shalt  }
0x63: {  	_ =	shalt  }
0x64: {  	_ =	shalt  }
0x65: {  	_ =	shalt  }
0x66: {  	_ =	shalt  }
0x67: {  	_ =	shalt  }
0x68: {  	_ =	shalt  }
0x69: {  	_ =	shalt  }
0x6a: {  	_ =	shalt  }
0x6b: {  	_ =	shalt  }
0x6c: {  	_ =	shalt  }
0x6d: {  	_ =	shalt  }
0x6e: {  	_ =	shalt  }
0x6f: {  	_ =	shalt  }
0x70: {  	_ =	shalt  }
0x71: {  	_ =	shalt  }
0x72: {  	_ =	shalt  }
0x73: {  	_ =	shalt  }
0x74: {  	_ =	shalt  }
0x75: {  	_ =	shalt  }
0x76: {  	_ =	shalt  }
0x77: {  	_ =	shalt  }
0x78: {  	_ =	shalt  }
0x79: {  	_ =	shalt  }
0x7a: {  	_ =	shalt  }
0x7b: {  	_ =	shalt  }
0x7c: {  	_ =	shalt  }
0x7d: {  	_ =	shalt  }
0x7e: {  	_ =	shalt  }
0x7f: {  	_ =	shalt  }
0x80: {  	_ =	shalt  }
0x81: {  	_ =	shalt  }
0x82: {  	_ =	shalt  }
0x83: {  	_ =	shalt  }
0x84: {  	_ =	shalt  }
0x85: {  	_ =	shalt  }
0x86: {  	_ =	shalt  }
0x87: {  	_ =	shalt  }
.Lfunc_end0:
.L_simem_size_0:
called_computation.3_lowered:
.L_overlay_start_0:
0x88: {  	s2 =	sld [smem:$0x3FD9]  }
0x89: {  	s3 =	sld [smem:$0x3FFE];
	_ =	sdelay $0x1  }
0x8a: {  	s1 =	srdreg.scid  }
0x8b: {  	s0 =	sand.u32 $0x1, s1  }
0x8c: {  	s17 =	sshll.u32 s0, $0xA;
	s2 =	sadd.s32 s3, s2  }
0x8d: {  	s2 =	sadd.s32 s2, s17  }
0x8e: {  	[smem:$0x3FBA] =	sst s2  }
0x8f: {  	_ = 	snop  }
0x90: {  	s2 =	sld [smem:$0x3FD0];
	(tm) =	ssettm $0x1  }
0x91: {  	s18 =	sld [smem:$0x3FFB];
	_ =	sdelay $0x3  }
0x92: {  	_ =	strace s18  }
0x93: {  	s3 =	sld [smem:$0x3FFC];
	_ =	sdelay $0x3  }
0x94: {  	_ =	strace s3  }
0x95: {  	s3 =	sld [smem:$0x3FFD];
	_ =	sdelay $0x3  }
0x96: {  	_ =	strace s3  }
0x97: {  	_ =	strace $0x8FFFFFFF  }
0x98: {  	s19 =	sld [smem:$0x3FDB];
	_ =	sdelay $0x1  }
0x99: {  	s4 =	simm.s32 $_scs_section_size  }
0x9a: {  	s5 =	simm.s32 $_size__tile_overlayer_lowered;
	s6 =	simm.s32 $_tile_overlayer_lowered  }
0x9b: {  	s22 =	simm.s32 $0x1BFF;
	s21 =	sshll.u32 s6, $0x1;
	s3 =	sadd.s32 s4, s19  }
0x9c: {  	s7 =	simm.s32 $0x0;
	s20 =	sshll.u32 s5, $0x1;
	s5 =	sadd.s32 s21, s3  }
0x9d: {  	[timem:s7], [sflag:s22] =	dma.local [hbm:s5], s20  }
0x9e: {  	_ =	swait.ge [sflag:s22], s20  }
0x9f: {  	s4 =	ssub.s32 $0x0, s20;
	[sflag:s22] =	ssyncset.done $0x0  }
0xa0: {  	[sflag:s22] =	ssyncadd.s32 s4;
	_ =	sdelay $0x1  }
0xa1: {  	s23 =	simm.s32 $0x1B8B  }
0xa2: {  	_ =	swait.ge [sflag:s23], $0x1  }
0xa3: {  	[sflag:s23] =	ssyncset.done $0x0  }
0xa4: {  	s25 =	simm.s32 $0x1B8E;
	s24 =	sld [smem:$0x3FFE];
	[sflag:s23] =	ssyncadd.s32 $0xFFFFFFFF  }
0xa5: {  	s26 =	simm.s32 $execute0_lowered;
	[smem:$0x3FD2] =	sst s25  }
0xa6: {  	s5 =	sshll.u32 s26, $0x1;
	_ =	strace $0x8000004F;
	[dreg:$0x1] =	wrdreg $0xFFFFFFFF  }
0xa7: {  	s28 =	simm.s32 $_size_execute0_lowered;
	s3 =	sadd.s32 s3, s5;
	[dreg:$0x0] =	wrdreg $0x0  }
0xa8: {  	s5 =	sshll.u32 s28, $0x1;
	[dreg:$0x2] =	wrdreg s3  }
0xa9: {  	[dreg:$0x3] =	wrdreg s5  }
0xaa: {  	[dreg:$0x4] =	wrdreg $0xC0  }
0xab: {  	_ =	task [dreg:s7], $0x5FFFF  }
0xac: {  	[dreg:$0x1] =	wrdreg $0xFFFFFFFF  }
0xad: {  	[dreg:$0x0] =	wrdreg $0x60  }
0xae: {  	[dreg:$0x2] =	wrdreg s24  }
0xaf: {  	[dreg:$0x3] =	wrdreg s2  }
0xb0: {  	[dreg:$0x4] =	wrdreg $0x9  }
0xb1: {  	_ =	task.clear_ibuf [dreg:s7], $0x5FFFF;
	_ =	strace $0x9000004F  }
0xb2: {  	s29 =	simm.s32 $0x9;
	_ =	strace $0x80000051  }
0xb3: {  	_ =	swait.ge [sflag:s29], $0x1  }
0xb4: {  	[sflag:s29] =	ssyncadd.s32 $0xFFFFFFFF  }
0xb5: {  	_ =	strace $0x90000051  }
0xb6: {  	_ =	sfence  }
0xb7: {  	s30 =	sld [smem:$0x0];
	_ =	sdelay $0x2  }
0xb8: {  	s31 =	sshll.u32 s1, $0xD;
	s1 =	sshrl.u32 s1, $0x2  }
0xb9: {  	s3 =	sand.u32 $0x4000, s31;
	s1 =	sadd.s32 s1, s30  }
0xba: {  	s0 =	sor.u32 s3, s0;
	s1 =	sshll.u32 s1, $0x11  }
0xbb: {  	s0 =	sor.u32 s1, s0  }
0xbc: {  	s0 =	sadd.s32 $0x8F2B, s0  }
0xbd: {  	[sflag:s0] =	ssyncadd.remote.s32 $0x1  }
0xbe: {  	_ =	sfence.sel $0xFFFF  }
0xbf: {  	[dreg:$0x0] =	wrdreg $0xFFFFFFFF;
	(pc) =	sbr.abs _section_cstart, $3  }
0xc0: {  	[dreg:$0x1] =	wrdreg $0xFFFFFFFF  }
0xc1: {  	_ =	task.clear_ibuf [dreg:s7], $0x2FFFF;
	_ =	strace $0x9FFFFFFF  }
0xc2: {  	(tm) =	ssettm $0x7FFFFFFF  }
0xc3: {  	_ =	shalt  }
tec
execute0_lowered:
.L_overlay_start_1:
0x0: {  	(tag) =	ssettag $0x1  }
0x1: {  	s5 =	rddreg [dreg:$0x0]  }
0x2: {  	s6 =	rddreg [dreg:$0x1]  }
0x3: {  	s0 =	rddreg [dreg:$0x2];
	s3 =	srdreg.scid  }
0x4: {  	s1 =	stileid.u32;
	s2 =	simm.s32 $0x0;
	s11 =	simm.s32 $0xA800  }
0x5: {  	s12 =	simm.s32 $0x20;
	s13 =	simm.s32 $0xA880;
	s14 =	simm.s32 $0xA900  }
0x6: {  	s15 =	simm.s32 $0x1;
	s3 =	sand.u32 $0x1, s3;
	s4 =	sshll.u32 s1, $0x1  }
0x7: {  	s16 =	simm.s32 $0x0;
	[smem:$0x7FF] =	sst s2;
	s7 =	sor.u32 s3, s4  }
0x8: {  	_ =	strace $0x80000050;
	s9 =	ssub.s32 $0x2, s3;
	s3 =	sadd.s32 $0x15FA00, s5  }
0x9: {  	s8 =	smul.u32 $0x1400, s7;
	s10 =	sshrl.u32 s9, $0x1;
	s31 =	sshll.u32 s7, $0x1  }
0xa: {  	s4 =	sadd.s32 $0x17200, s5;
	s9 =	ssub.s32 s9, s10;
	s6 =	sadd.s32 s6, s31  }
0xb: {  	s10 =	simm.s32 $0x2;
	s8 =	sadd.s32 s8, s5;
	s5 =	smul.u32 $0x52200, s7  }
0xc: {  	v0 =	vimm.f32 $-3.000000010e+38;
	s7 =	sadd.s32 $0x187A00, s8;
	s8 =	smax.u32 s9, $0x1;
	s9 =	simm.s32 $0xB900  }
.LBB2_1:
0xd: {  	s17 =	simm.s32 $0x0;
	s18 =	simm.s32 $0x200  }
.LBB2_2:
0xe: {  	p0 =	sne.s32 s18, $0x29E00;
	[tilespmem:s17+$0x70] =	vst v0  }
0xf: {  	[tilespmem:s17+$0x0] =	vst v0  }
0x10: {  	[tilespmem:s17+$0x10] =	vst v0  }
.Ltmp0:
0x11: {  	[tilespmem:s17+$0x20] =	vst v0;
	(pc) =	sbr.rel @p0 .LBB2_2-.Ltmp0, $4  }
0x12: {  	[tilespmem:s17+$0x30] =	vst v0  }
0x13: {  	[tilespmem:s17+$0x40] =	vst v0  }
0x14: {  	[tilespmem:s17+$0x50] =	vst v0  }
0x15: {  	[tilespmem:s17+$0x60] =	vst v0;
	s17 =	sshra.s32 s18, $0x2;
	s18 =	sadd.s32 $0x200, s18  }
0x16: {  	[tilespmem:s17+$0x70] =	vst v0  }
0x17: {  	[tilespmem:s17+$0x0] =	vst v0  }
0x18: {  	[tilespmem:s17+$0x10] =	vst v0  }
0x19: {  	[tilespmem:s17+$0x20] =	vst v0  }
0x1a: {  	[tilespmem:s17+$0x30] =	vst v0  }
0x1b: {  	[tilespmem:s17+$0x40] =	vst v0  }
0x1c: {  	[tilespmem:s17+$0x50] =	vst v0  }
0x1d: {  	[tilespmem:s17+$0x60] =	vst v0;
	s17 =	simm.s32 $0x0  }
0x1e: {  	[tilespmem:s9], [sflag:$0x2] =	stream.linear.gather [hbm4b:s6+s17], $0x10, $0x38;
	[tilespmem:$0xB980] =	vst v63  }
0x1f: {  	_ =	swait.ge [sflag:s10], $0x10  }
0x20: {  	[sflag:s10] =	ssyncset.done $0x0  }
0x21: {  	[sflag:s10] =	ssyncadd.s32 $0xFFFFFFF0  }
0x22: {  	v1 =	vld [tilespmem:$0xB900];
	_ =	sdelay $0x4  }
0x23: {  	(v2sf) =	vpush v1, $0x0;
	_ =	sdelay $0xe  }
0x24: {  	s18 =	spop (v2sf)  }
0x25: {  	p0 =	slt.s32 s18, $0x1  }
.Ltmp1:
0x26: {  	_ = 	snop;
	(pc) =	sbr.rel @p0 .LBB2_7-.Ltmp1, $2  }
0x27: {  	_ =	sdelay $0x2  }
0x28: {  	s19 =	simm.s32 $0x0  }
.LBB2_4:
0x29: {  	s20 =	sshll.u32 s19, $0x5  }
0x2a: {  	s20 =	sadd.s32 s5, s20  }
0x2b: {  	s20 =	sshrl.u32 s20, $0x3  }
0x2c: {  	s20 =	sadd.s32 s4, s20  }
0x2d: {  	[tilespmem:s11], [sflag:$0x2] =	stream.linear.gather [hbm4b:s20+s17], $0x20, $0x38;
	[tilespmem:$0xB980] =	vst v63  }
0x2e: {  	_ =	swait.ge [sflag:s10], $0x20  }
0x2f: {  	[sflag:s10] =	ssyncset.done $0x0  }
0x30: {  	[sflag:s10] =	ssyncadd.s32 $0xFFFFFFE0  }
0x31: {  	v1 =	vld [tilespmem:$0xA800]  }
0x32: {  	v2 =	vld [tilespmem:$0xA810];
	_ =	sdelay $0x3  }
0x33: {  	v1 =	vshrl.u32 v1, $0x9  }
0x34: {  	[tilespmem:$0xA880] =	vst v1;
	v1 =	vshrl.u32 v2, $0x9  }
0x35: {  	[tilespmem:$0xA890] =	vst v1  }
0x36: {  	[tilespmem:s14], [sflag:$0x1] =	stream.indirect.gather [hbm4b:s3+s12], $0x80, s13, s12, $0xb8;
	[tilespmem:$0xB980] =	vst v63  }
0x37: {  	_ =	swait.ge [sflag:s15], $0x1000  }
0x38: {  	[sflag:s15] =	ssyncset.done $0x0  }
0x39: {  	s31 =	simm.s32 $0x0;
	[sflag:s15] =	ssyncadd.s32 $0xFFFFF000  }
0x3a: {  	v1 =	vld [tilespmem:s31+$0xA800];
	_ =	sdelay $0x4  }
0x3b: {  	(v2sf) =	vpush v1, $0x0;
	_ =	sdelay $0xe  }
0x3c: {  	s21 =	spop (v2sf)  }
0x3d: {  	s20 =	simm.s32 $0xA940;
	s21 =	sshll.u32 s21, $0x7  }
0x3e: {  	v1 =	vld [tilespmem:s20+$0xFFFFFFC0];
	s21 =	sand.u32 $0xFF80, s21  }
0x3f: {  	v2 =	vld [tilespmem:s21+$0x0];
	_ =	sdelay $0x4  }
0x40: {  	v1 =	vmax.f32 v2, v1  }
0x41: {  	[tilespmem:s21+$0x0] =	vst v1;
	v1 =	vld [tilespmem:s21+$0x10]  }
0x42: {  	v2 =	vld [tilespmem:s20+$0xFFFFFFD0];
	_ =	sdelay $0x4  }
0x43: {  	v1 =	vmax.f32 v1, v2  }
0x44: {  	[tilespmem:s21+$0x10] =	vst v1;
	v1 =	vld [tilespmem:s21+$0x20]  }
0x45: {  	v2 =	vld [tilespmem:s20+$0xFFFFFFE0];
	_ =	sdelay $0x4  }
0x46: {  	v1 =	vmax.f32 v1, v2  }
0x47: {  	[tilespmem:s21+$0x20] =	vst v1;
	v1 =	vld [tilespmem:s21+$0x30]  }
0x48: {  	v2 =	vld [tilespmem:s20+$0xFFFFFFF0];
	_ =	sdelay $0x4  }
0x49: {  	v1 =	vmax.f32 v1, v2  }
0x4a: {  	[tilespmem:s21+$0x30] =	vst v1;
	v1 =	vld [tilespmem:s21+$0x40]  }
0x4b: {  	v2 =	vld [tilespmem:s20+$0x0];
	_ =	sdelay $0x4  }
0x4c: {  	v1 =	vmax.f32 v1, v2  }
0x4d: {  	[tilespmem:s21+$0x40] =	vst v1;
	v1 =	vld [tilespmem:s21+$0x50]  }
0x4e: {  	v2 =	vld [tilespmem:s20+$0x10];
	_ =	sdelay $0x4  }
0x4f: {  	v1 =	vmax.f32 v1, v2  }
0x50: {  	[tilespmem:s21+$0x50] =	vst v1;
	v1 =	vld [tilespmem:s21+$0x60]  }
0x51: {  	v2 =	vld [tilespmem:s20+$0x20];
	_ =	sdelay $0x4  }
0x52: {  	v1 =	vmax.f32 v1, v2  }
0x53: {  	[tilespmem:s21+$0x60] =	vst v1;
	v1 =	vld [tilespmem:s21+$0x70]  }
0x54: {  	v2 =	vld [tilespmem:s20+$0x30];
	_ =	sdelay $0x4  }
0x55: {  	s22 =	simm.s32 $0x4;
	s24 =	simm.s32 $0x8;
	v1 =	vmax.f32 v1, v2  }
.LBB2_5:
0x56: {  	s25 =	sshra.s32 s22, $0x2  }
0x57: {  	[tilespmem:s21+$0x70] =	vst v1;
	s20 =	sadd.s32 $0x80, s20;
	s22 =	smov.u32 s24;
	s23 =	sadd.s32 $0x4, s24  }
0x58: {  	p0 =	sne.s32 s24, $0x7C;
	v1 =	vld [tilespmem:s25+$0xA800];
	_ =	sdelay $0x4  }
0x59: {  	(v2sf) =	vpush v1, $0x0;
	_ =	sdelay $0xe  }
0x5a: {  	s21 =	spop (v2sf)  }
0x5b: {  	s21 =	sshll.u32 s21, $0x7  }
0x5c: {  	s21 =	sand.u32 $0xFF80, s21;
	v1 =	vld [tilespmem:s20+$0xFFFFFFC0]  }
0x5d: {  	v2 =	vld [tilespmem:s21+$0x0];
	_ =	sdelay $0x4  }
0x5e: {  	v1 =	vmax.f32 v2, v1  }
0x5f: {  	[tilespmem:s21+$0x0] =	vst v1;
	v1 =	vld [tilespmem:s21+$0x10]  }
0x60: {  	v2 =	vld [tilespmem:s20+$0xFFFFFFD0];
	_ =	sdelay $0x4  }
0x61: {  	v1 =	vmax.f32 v1, v2  }
0x62: {  	[tilespmem:s21+$0x10] =	vst v1;
	v1 =	vld [tilespmem:s21+$0x20]  }
0x63: {  	v2 =	vld [tilespmem:s20+$0xFFFFFFE0];
	_ =	sdelay $0x4  }
0x64: {  	v1 =	vmax.f32 v1, v2  }
0x65: {  	[tilespmem:s21+$0x20] =	vst v1;
	v1 =	vld [tilespmem:s21+$0x30]  }
0x66: {  	v2 =	vld [tilespmem:s20+$0xFFFFFFF0];
	_ =	sdelay $0x4  }
0x67: {  	v1 =	vmax.f32 v1, v2  }
0x68: {  	[tilespmem:s21+$0x30] =	vst v1;
	v1 =	vld [tilespmem:s21+$0x40]  }
0x69: {  	v2 =	vld [tilespmem:s20+$0x0];
	_ =	sdelay $0x4  }
0x6a: {  	v1 =	vmax.f32 v1, v2  }
0x6b: {  	[tilespmem:s21+$0x40] =	vst v1;
	v1 =	vld [tilespmem:s21+$0x50]  }
0x6c: {  	v2 =	vld [tilespmem:s20+$0x10];
	_ =	sdelay $0x4  }
0x6d: {  	v1 =	vmax.f32 v1, v2  }
0x6e: {  	[tilespmem:s21+$0x50] =	vst v1;
	v1 =	vld [tilespmem:s21+$0x60]  }
0x6f: {  	v2 =	vld [tilespmem:s20+$0x20];
	_ =	sdelay $0x4  }
0x70: {  	v1 =	vmax.f32 v1, v2  }
0x71: {  	[tilespmem:s21+$0x60] =	vst v1;
	v1 =	vld [tilespmem:s21+$0x70]  }
0x72: {  	v2 =	vld [tilespmem:s20+$0x30]  }
.Ltmp2:
0x73: {  	(pc) =	sbr.rel @p0 .LBB2_5-.Ltmp2, $2  }
0x74: {  	_ =	sdelay $0x2  }
0x75: {  	s24 =	smov.u32 s23;
	v1 =	vmax.f32 v1, v2  }
0x76: {  	s22 =	sshra.s32 s22, $0x2;
	[tilespmem:s21+$0x70] =	vst v1  }
0x77: {  	v1 =	vld [tilespmem:s22+$0xA800];
	_ =	sdelay $0x4  }
0x78: {  	(v2sf) =	vpush v1, $0x0;
	_ =	sdelay $0xe  }
0x79: {  	s31 =	spop (v2sf)  }
0x7a: {  	s20 =	sadd.s32 $0x80, s20;
	s21 =	sshll.u32 s31, $0x7  }
0x7b: {  	v1 =	vld [tilespmem:s20+$0xFFFFFFC0];
	s21 =	sand.u32 $0xFF80, s21  }
0x7c: {  	v2 =	vld [tilespmem:s21+$0x0];
	_ =	sdelay $0x4  }
0x7d: {  	v1 =	vmax.f32 v2, v1  }
0x7e: {  	[tilespmem:s21+$0x0] =	vst v1;
	v1 =	vld [tilespmem:s21+$0x10]  }
0x7f: {  	v2 =	vld [tilespmem:s20+$0xFFFFFFD0];
	_ =	sdelay $0x4  }
0x80: {  	v1 =	vmax.f32 v1, v2  }
0x81: {  	[tilespmem:s21+$0x10] =	vst v1;
	v1 =	vld [tilespmem:s21+$0x20]  }
0x82: {  	v2 =	vld [tilespmem:s20+$0xFFFFFFE0];
	_ =	sdelay $0x4  }
0x83: {  	v1 =	vmax.f32 v1, v2  }
0x84: {  	[tilespmem:s21+$0x20] =	vst v1;
	v1 =	vld [tilespmem:s21+$0x30]  }
0x85: {  	v2 =	vld [tilespmem:s20+$0xFFFFFFF0];
	_ =	sdelay $0x4  }
0x86: {  	v1 =	vmax.f32 v1, v2  }
0x87: {  	[tilespmem:s21+$0x30] =	vst v1;
	v1 =	vld [tilespmem:s21+$0x40]  }
0x88: {  	v2 =	vld [tilespmem:s20+$0x0];
	_ =	sdelay $0x4  }
0x89: {  	v1 =	vmax.f32 v1, v2  }
0x8a: {  	[tilespmem:s21+$0x40] =	vst v1;
	v1 =	vld [tilespmem:s21+$0x50]  }
0x8b: {  	v2 =	vld [tilespmem:s20+$0x10];
	_ =	sdelay $0x4  }
0x8c: {  	v1 =	vmax.f32 v1, v2  }
0x8d: {  	[tilespmem:s21+$0x50] =	vst v1;
	v1 =	vld [tilespmem:s21+$0x60]  }
0x8e: {  	v2 =	vld [tilespmem:s20+$0x20];
	_ =	sdelay $0x4  }
0x8f: {  	v1 =	vmax.f32 v1, v2  }
0x90: {  	[tilespmem:s21+$0x60] =	vst v1;
	v1 =	vld [tilespmem:s21+$0x70]  }
0x91: {  	s19 =	sadd.s32 $0x1, s19;
	v2 =	vld [tilespmem:s20+$0x30]  }
0x92: {  	p0 =	sne.s32 s19, s18  }
.Ltmp3:
0x93: {  	_ = 	snop;
	(pc) =	sbr.rel @p0 .LBB2_4-.Ltmp3, $3  }
0x94: {  	_ =	sdelay $0x1  }
0x95: {  	v1 =	vmax.f32 v1, v2  }
0x96: {  	[tilespmem:s21+$0x70] =	vst v1  }
.LBB2_7:
0x97: {  	s17 =	simm.s32 $0x0  }
0x98: {  	v3 =	vld [tilespmem:s17+$0x0]  }
0x99: {  	v6 =	vld [tilespmem:s17+$0x10]  }
0x9a: {  	v5 =	vld [tilespmem:s17+$0x20]  }
0x9b: {  	v4 =	vld [tilespmem:s17+$0x30]  }
0x9c: {  	v1 =	vld [tilespmem:s17+$0x40]  }
0x9d: {  	v2 =	vld [tilespmem:s17+$0x50];
	vm0 =	vgt.f32 v3, $-9.999999930e+36  }
0x9e: {  	s18 =	simm.s32 $0x200;
	v7 =	vnsel vm0, $0x0, v3;
	vm0 =	vgt.f32 v6, $-9.999999930e+36;
	v3 =	vld [tilespmem:s17+$0x60]  }
.LBB2_8:
0x9f: {  	s19 =	sshra.s32 s18, $0x2;
	p0 =	sne.s32 s18, $0x27E00;
	[tilespmem:s17+$0x0] =	vst v7;
	v6 =	vnsel vm0, $0x0, v6;
	vm0 =	vgt.f32 v5, $-9.999999930e+36;
	v7 =	vld [tilespmem:s17+$0x70]  }
0xa0: {  	v8 =	vld [tilespmem:s19+$0x0];
	[tilespmem:s17+$0x10] =	vst v6;
	v5 =	vnsel vm0, $0x0, v5;
	vm0 =	vgt.f32 v4, $-9.999999930e+36  }
0xa1: {  	v6 =	vld [tilespmem:s19+$0x10];
	[tilespmem:s17+$0x20] =	vst v5;
	v4 =	vnsel vm0, $0x0, v4;
	vm0 =	vgt.f32 v1, $-9.999999930e+36  }
.Ltmp4:
0xa2: {  	v5 =	vld [tilespmem:s19+$0x20];
	[tilespmem:s17+$0x30] =	vst v4;
	v1 =	vnsel vm0, $0x0, v1;
	vm0 =	vgt.f32 v2, $-9.999999930e+36;
	(pc) =	sbr.rel @p0 .LBB2_8-.Ltmp4, $4  }
0xa3: {  	v4 =	vld [tilespmem:s19+$0x30];
	[tilespmem:s17+$0x40] =	vst v1;
	v2 =	vnsel vm0, $0x0, v2;
	vm0 =	vgt.f32 v3, $-9.999999930e+36  }
0xa4: {  	v1 =	vld [tilespmem:s19+$0x40];
	[tilespmem:s17+$0x50] =	vst v2;
	v3 =	vnsel vm0, $0x0, v3;
	vm0 =	vgt.f32 v7, $-9.999999930e+36  }
0xa5: {  	vm1 =	vgt.f32 v8, $-9.999999930e+36;
	v2 =	vld [tilespmem:s19+$0x50];
	[tilespmem:s17+$0x60] =	vst v3;
	v9 =	vnsel vm0, $0x0, v7  }
0xa6: {  	s18 =	sadd.s32 $0x200, s18;
	v7 =	vnsel vm1, $0x0, v8;
	vm0 =	vgt.f32 v6, $-9.999999930e+36;
	v3 =	vld [tilespmem:s19+$0x60];
	[tilespmem:s17+$0x70] =	vst v9;
	s17 =	smov.u32 s19  }
0xa7: {  	[tilespmem:s17+$0x0] =	vst v7;
	v6 =	vnsel vm0, $0x0, v6;
	vm10 =	vgt.f32 v5, $-9.999999930e+36;
	v63 =	vld [tilespmem:s17+$0x70]  }
0xa8: {  	[tilespmem:s17+$0x10] =	vst v6;
	v5 =	vnsel vm10, $0x0, v5;
	vm11 =	vgt.f32 v4, $-9.999999930e+36  }
0xa9: {  	[tilespmem:s17+$0x20] =	vst v5;
	v4 =	vnsel vm11, $0x0, v4;
	vm12 =	vgt.f32 v1, $-9.999999930e+36  }
0xaa: {  	[tilespmem:s17+$0x30] =	vst v4;
	v1 =	vnsel vm12, $0x0, v1;
	vm13 =	vgt.f32 v2, $-9.999999930e+36  }
0xab: {  	[tilespmem:s17+$0x40] =	vst v1;
	v1 =	vnsel vm13, $0x0, v2;
	vm14 =	vgt.f32 v3, $-9.999999930e+36  }
0xac: {  	s16 =	sadd.s32 $0x1, s16;
	[tilespmem:s17+$0x50] =	vst v1;
	v1 =	vnsel vm14, $0x0, v3;
	vm15 =	vgt.f32 v63, $-9.999999930e+36  }
0xad: {  	p0 =	sne.s32 s16, s8;
	[tilespmem:s17+$0x60] =	vst v1;
	v1 =	vnsel vm15, $0x0, v63  }
.Ltmp5:
0xae: {  	[tilespmem:s17+$0x70] =	vst v1;
	(pc) =	sbr.rel @p0 .LBB2_1-.Ltmp5, $4  }
0xaf: {  	[hbm4b:s7+s2] =	stream.linear.scatter [tilespmem:s2], [sflag:$0x2], $0xA000, $0x38;
	[tilespmem:$0xB980] =	vst v63  }
0xb0: {  	_ =	swait.ge [sflag:s10], $0xA000  }
0xb1: {  	[sflag:s10] =	ssyncset.done $0x0  }
0xb2: {  	[sflag:s10] =	ssyncadd.s32 $0xFFFF6000  }
0xb3: {  	_ =	sfence.sel $0x180000  }
0xb4: {  	[bflag:$0x0] =	sbarrier.arrive $0xFFFF  }
0xb5: {  	p0 =	sne.s32 s1, $0x0;
	_ =	strace $0x90000050  }
0xb6: {  	s0 =	sadd.s32 @!p0 $0x100000, s0;
	[bflag:$0x2] =	sbarrier.arrive $0xFFFF  }
0xb7: {  	[sflag:s0] =	ssyncadd.tile.s32 @!p0 $0x1;
	_ =	shalt  }
.Lfunc_end2:
_tile_overlayer_lowered:
.L_overlay_start_2:
0xb8: {  	(tag) =	ssettag $0x2  }
0xb9: {  	s0 =	rddreg [dreg:$0x0];
	s2 =	stileid.u32  }
0xba: {  	s1 =	rddreg [dreg:$0x1];
	p0 =	sne.s32 s2, $0x0  }
0xbb: {  	s3 =	rddreg [dreg:$0x2];
	[bflag:$0x3] =	sbarrier.arrive $0xFFFF;
	s2 =	simm.s32 @!p0 $0x1C02  }
0xbc: {  	[timem:s3], [sflag:s2] =	dma.local @!p0 [hbm:s0], s1  }
0xbd: {  	s0 =	simm.s32 @!p0 $0x2  }
0xbe: {  	_ =	swait.ge @!p0 [sflag:s0], s1  }
0xbf: {  	s1 =	ssub.s32 @!p0 $0x0, s1;
	[sflag:s0] =	ssyncset.done @!p0 $0x0  }
0xc0: {  	[sflag:s0] =	ssyncadd.s32 @!p0 s1  }
0xc1: {  	[bflag:$0x3] =	sbarrier.arrive $0xFFFF  }
0xc2: {  	_ =	shalt  }

</sc_bundles>
